<compile_context>
chip_gen: v7x
topology: tpu7x:2x2x1
jax: 0.10.2.dev20260603
libtpu: 0.0.44.dev20260713+nightly
codegen_flags: <defaults>
</compile_context>

<pallas_src>
import functools

import jax
import jax.numpy as jnp
from jax import lax
from jax.experimental import pallas as pl
from jax.experimental.pallas import tpu as pltpu
from jax.experimental.pallas import tpu_sc as plsc

IN_DIM = 128
ATTN_DIM = 64
N_NODE = 10000
E_TOTAL = 320000
B = 32
R = 200
TBL = 256
SLOPE = (1.0 / 8.0 + 1.0 / 3.0) / 2.0

NC = 2
NS = 16
NW = NC * NS
EPW = E_TOTAL // NW
CHUNK = 40
NCHUNK = EPW // CHUNK
CPS = 10
SUPC = CPS * CHUNK
NSUPER = NCHUNK // CPS
ROWS_PER_TILE = 624
ROWS_TAIL = N_NODE - NS * ROWS_PER_TILE


def _rrelu(x):
    return jnp.where(x >= 0, x, x * SLOPE)


def _hsum16(v):
    lanes = lax.broadcasted_iota(jnp.int32, (16,), 0)
    dnums = lax.GatherDimensionNumbers(
        offset_dims=(), collapsed_slice_dims=(0,), start_index_map=(0,))
    for s in (8, 4, 2, 1):
        perm = lax.reshape(lanes ^ s, (16, 1))
        v = v + lax.gather(v, perm, dnums, (1,),
                           mode=lax.GatherScatterMode.PROMISE_IN_BOUNDS)
    return v



def _qsel_body(oh_ref, re_ref, o_ref):
    o_ref[...] = jnp.dot(oh_ref[...], re_ref[...],
                         preferred_element_type=jnp.float32,
                         precision=lax.Precision.HIGHEST)


def _qsel(onehot, rel_emb):
    n = B * (R + 1)
    return pl.pallas_call(
        _qsel_body,
        grid=(1,),
        in_specs=[pl.BlockSpec((B, n), lambda i: (0, 0)),
                  pl.BlockSpec((n, IN_DIM), lambda i: (0, 0))],
        out_specs=pl.BlockSpec((B, IN_DIM), lambda i: (0, 0)),
        out_shape=jax.ShapeDtypeStruct((B, IN_DIM), jnp.float32),
    )(onehot, rel_emb)


def _proj_node_body(h_ref, ws_ref, o_ref):
    o_ref[...] = jnp.dot(h_ref[...], ws_ref[...],
                         preferred_element_type=jnp.float32,
                         precision=lax.Precision.HIGHEST)


def _proj_node(hidden, Ws):
    return pl.pallas_call(
        _proj_node_body,
        grid=(10,),
        in_specs=[pl.BlockSpec((1000, IN_DIM), lambda i: (i, 0)),
                  pl.BlockSpec((IN_DIM, ATTN_DIM), lambda i: (0, 0))],
        out_specs=pl.BlockSpec((1000, ATTN_DIM), lambda i: (i, 0)),
        out_shape=jax.ShapeDtypeStruct((N_NODE, ATTN_DIM), jnp.float32),
    )(hidden, Ws)


def _proj_rel_body(r_ref, q_ref, wr_ref, wqr_ref, bqr_ref, o_ref):
    o_ref[...] = (
        jnp.dot(r_ref[...], wr_ref[...],
                preferred_element_type=jnp.float32,
                precision=lax.Precision.HIGHEST)
        + jnp.dot(q_ref[...], wqr_ref[...],
                  preferred_element_type=jnp.float32,
                  precision=lax.Precision.HIGHEST)
        + bqr_ref[...]
    )


def _proj_rel(rel_emb, q_rep, Wr, Wqr, bqr_row):
    n = B * (R + 1)
    return pl.pallas_call(
        _proj_rel_body,
        grid=(4,),
        in_specs=[pl.BlockSpec((1608, IN_DIM), lambda i: (i, 0)),
                  pl.BlockSpec((1608, IN_DIM), lambda i: (i, 0)),
                  pl.BlockSpec((IN_DIM, ATTN_DIM), lambda i: (0, 0)),
                  pl.BlockSpec((IN_DIM, ATTN_DIM), lambda i: (0, 0)),
                  pl.BlockSpec((1, ATTN_DIM), lambda i: (0, 0))],
        out_specs=pl.BlockSpec((1608, ATTN_DIM), lambda i: (i, 0)),
        out_shape=jax.ShapeDtypeStruct((n, ATTN_DIM), jnp.float32),
    )(rel_emb, q_rep, Wr, Wqr, bqr_row)



_sc_mesh = plsc.VectorSubcoreMesh(core_axis_name="c", subcore_axis_name="s",
                                  num_cores=NC, num_subcores=NS)


@functools.partial(
    pl.kernel,
    out_type=jax.ShapeDtypeStruct((NC, N_NODE, IN_DIM), jnp.float32),
    mesh=_sc_mesh,
    scratch_types=[
        pltpu.VMEM((2 * SUPC,), jnp.int32),
        pltpu.VMEM((2 * SUPC,), jnp.int32),
        pltpu.VMEM((2 * SUPC,), jnp.int32),
        pltpu.VMEM((CHUNK, TBL), jnp.float32),
        pltpu.VMEM((CHUNK, TBL), jnp.float32),
        pltpu.VMEM((CHUNK, TBL), jnp.float32),
        pltpu.VMEM((CHUNK, TBL), jnp.float32),
        pltpu.VMEM((CHUNK, IN_DIM), jnp.float32),
        pltpu.VMEM((ATTN_DIM,), jnp.float32),
        pltpu.VMEM((16,), jnp.float32),
        pltpu.VMEM_SHARED((N_NODE, IN_DIM), jnp.float32),
        pltpu.SemaphoreType.DMA,
        pltpu.SemaphoreType.DMA,
        pltpu.SemaphoreType.DMA,
        pltpu.SemaphoreType.DMA,
        pltpu.SemaphoreType.DMA,
        pltpu.SemaphoreType.DMA,
        pltpu.SemaphoreType.DMA,
        pltpu.SemaphoreType.DMA,
    ],
)
def _sc_edges(s_hbm, r_hbm, sub_hbm, eid_hbm, obj_hbm, w_hbm, b_hbm,
              zeros_hbm, out_hbm,
              isub, ieid, iobj, bs0, bs1, br0, br1, msg, wbuf, bbuf, acc,
              sem_s0, sem_s1, sem_r0, sem_r1, sem_ia, sem_ib, sem_ic, sem_sc):
    cid = lax.axis_index("c")
    sid = lax.axis_index("s")
    wid = sid * NC + cid

    r0 = sid * ROWS_PER_TILE
    pltpu.sync_copy(zeros_hbm.at[pl.ds(r0, ROWS_PER_TILE)],
                    acc.at[pl.ds(r0, ROWS_PER_TILE)])

    @pl.when(sid == NS - 1)
    def _zero_tail():
        pltpu.sync_copy(zeros_hbm.at[pl.ds(NS * ROWS_PER_TILE, ROWS_TAIL)],
                        acc.at[pl.ds(NS * ROWS_PER_TILE, ROWS_TAIL)])

    pltpu.sync_copy(w_hbm, wbuf)
    pltpu.sync_copy(b_hbm, bbuf)
    plsc.subcore_barrier()

    base_w = wid * EPW
    bufs = ((bs0, br0, sem_s0, sem_r0), (bs1, br1, sem_s1, sem_r1))

    def load_idx(si):
        off = (si % 2) * SUPC
        base = base_w + si * SUPC
        pltpu.async_copy(sub_hbm.at[pl.ds(base, SUPC)],
                         isub.at[pl.ds(off, SUPC)], sem_ia)
        pltpu.async_copy(eid_hbm.at[pl.ds(base, SUPC)],
                         ieid.at[pl.ds(off, SUPC)], sem_ib)
        pltpu.async_copy(obj_hbm.at[pl.ds(base, SUPC)],
                         iobj.at[pl.ds(off, SUPC)], sem_ic)

    def wait_idx(si):
        off = (si % 2) * SUPC
        base = base_w + si * SUPC
        pltpu.make_async_copy(sub_hbm.at[pl.ds(base, SUPC)],
                              isub.at[pl.ds(off, SUPC)], sem_ia).wait()
        pltpu.make_async_copy(eid_hbm.at[pl.ds(base, SUPC)],
                              ieid.at[pl.ds(off, SUPC)], sem_ib).wait()
        pltpu.make_async_copy(obj_hbm.at[pl.ds(base, SUPC)],
                              iobj.at[pl.ds(off, SUPC)], sem_ic).wait()

    def gather(idx_off, par):
        bs, br, ss, sr = bufs[par]
        pltpu.async_copy(s_hbm.at[isub.at[pl.ds(idx_off, CHUNK)]], bs, ss)
        pltpu.async_copy(r_hbm.at[ieid.at[pl.ds(idx_off, CHUNK)]], br, sr)

    def finish(idx_off, par):
        bs, br, ss, sr = bufs[par]
        pltpu.make_async_copy(s_hbm.at[isub.at[pl.ds(idx_off, CHUNK)]],
                              bs, ss).wait()
        pltpu.make_async_copy(r_hbm.at[ieid.at[pl.ds(idx_off, CHUNK)]],
                              br, sr).wait()

        pltpu.make_async_copy(
            msg, acc.at[iobj.at[pl.ds(idx_off, CHUNK)]], sem_sc).wait()

        w_vecs = [wbuf[pl.ds(16 * j, 16)] for j in range(4)]
        bvec = bbuf[...]

        @plsc.parallel_loop(0, CHUNK, unroll=8)
        def edge_body(e):
            u = None
            for j in range(4):
                pre = bs[e, pl.ds(16 * j, 16)] + br[e, pl.ds(16 * j, 16)]
                t = _rrelu(pre) * w_vecs[j]
                u = t if u is None else u + t
            dot = _hsum16(u)
            av = 1.0 / (1.0 + jnp.exp(-(dot + bvec)))
            for j in range(8):
                m = (bs[e, pl.ds(ATTN_DIM + 16 * j, 16)]
                     + br[e, pl.ds(ATTN_DIM + 16 * j, 16)]) * av
                msg[e, pl.ds(16 * j, 16)] = m

        pltpu.async_copy(msg, acc.at[iobj.at[pl.ds(idx_off, CHUNK)]], sem_sc,
                         add=True)

    load_idx(0)
    wait_idx(0)
    gather(0, 0)
    pltpu.sync_copy(zeros_hbm.at[pl.ds(0, CHUNK)], msg)
    pltpu.async_copy(msg, acc.at[iobj.at[pl.ds(0, CHUNK)]], sem_sc, add=True)

    def super_body(si, carry):
        off = (si % 2) * SUPC

        @pl.when(si < NSUPER - 1)
        def _prefetch_idx():
            load_idx(si + 1)

        def pair_body(j, c2):
            o0 = off + (2 * j) * CHUNK
            gather(o0 + CHUNK, 1)
            finish(o0, 0)

            @pl.when(j < CPS // 2 - 1)
            def _next_even():
                gather(o0 + 2 * CHUNK, 0)

            finish(o0 + CHUNK, 1)
            return c2

        lax.fori_loop(0, CPS // 2, pair_body, 0)

        @pl.when(si < NSUPER - 1)
        def _start_next_super():
            wait_idx(si + 1)
            gather(((si + 1) % 2) * SUPC, 0)

        return carry

    lax.fori_loop(0, NSUPER, super_body, 0)
    pltpu.make_async_copy(
        msg, acc.at[iobj.at[pl.ds(0, CHUNK)]], sem_sc).wait()

    plsc.subcore_barrier()
    pltpu.sync_copy(acc.at[pl.ds(r0, ROWS_PER_TILE)],
                    out_hbm.at[cid, pl.ds(r0, ROWS_PER_TILE)])

    @pl.when(sid == NS - 1)
    def _drain_tail():
        pltpu.sync_copy(acc.at[pl.ds(NS * ROWS_PER_TILE, ROWS_TAIL)],
                        out_hbm.at[cid, pl.ds(NS * ROWS_PER_TILE, ROWS_TAIL)])



def _final_body(a0_ref, a1_ref, wh_ref, o_ref):
    acc = a0_ref[...] + a1_ref[...]
    o_ref[...] = _rrelu(jnp.dot(acc, wh_ref[...],
                                preferred_element_type=jnp.float32,
                                precision=lax.Precision.HIGHEST))


def _final(acc0, acc1, W_h):
    return pl.pallas_call(
        _final_body,
        grid=(10,),
        in_specs=[pl.BlockSpec((1000, IN_DIM), lambda i: (i, 0)),
                  pl.BlockSpec((1000, IN_DIM), lambda i: (i, 0)),
                  pl.BlockSpec((IN_DIM, IN_DIM), lambda i: (0, 0))],
        out_specs=pl.BlockSpec((1000, IN_DIM), lambda i: (i, 0)),
        out_shape=jax.ShapeDtypeStruct((N_NODE, IN_DIM), jnp.float32),
    )(acc0, acc1, W_h)



def kernel(hidden, rel_embeddings, q_rel, batch_idx, rel, sub, obj,
           Ws, Wr, Wqr, bqr, w_alpha, b_alpha, W_h):
    q_idx = q_rel.astype(jnp.int32) + jnp.arange(B, dtype=jnp.int32) * (R + 1)
    onehot = (q_idx[:, None]
              == jnp.arange(B * (R + 1), dtype=jnp.int32)[None, :]
              ).astype(jnp.float32)
    q_sel = _qsel(onehot, rel_embeddings)
    q_rep = jnp.repeat(q_sel, R + 1, axis=0)

    proj_s = _proj_node(hidden, Ws)
    proj_r = _proj_rel(rel_embeddings, q_rep, Wr, Wqr,
                       bqr.reshape(1, ATTN_DIM))

    pad_s = jnp.zeros((N_NODE, TBL - ATTN_DIM - IN_DIM), jnp.float32)
    pad_r = jnp.zeros((B * (R + 1), TBL - ATTN_DIM - IN_DIM), jnp.float32)
    s_tbl = jnp.concatenate([proj_s, hidden, pad_s], axis=1)
    rt_tbl = jnp.concatenate([proj_r, rel_embeddings, pad_r], axis=1)

    eidx = (rel + batch_idx * (R + 1)).astype(jnp.int32)
    acc = _sc_edges(s_tbl, rt_tbl, sub.astype(jnp.int32), eidx,
                    obj.astype(jnp.int32), w_alpha[:, 0],
                    jnp.full((16,), b_alpha[0], jnp.float32),
                    jnp.zeros((N_NODE, IN_DIM), jnp.float32))

    return _final(acc[0], acc[1], W_h)

# --- scband reference (transcript-rebuilt; emitter-appended) ---
"""Pipeline reference for scband-entity-encoder-87591563034961 (READ-ONLY COPY).

The authoritative reference and input builder live on the scoring server;
editing this copy changes nothing except your own understanding.
"""

import jax, jax.numpy as jnp
import numpy as np

IN_DIM = 128
ATTN_DIM = 64
N_NODE = 10000
E = 320000
B = 32
R = 200  # relation_num


def rrelu_eval(x):
    # nn.RReLU in eval mode: negative slope = (lower+upper)/2 = (1/8 + 1/3)/2
    slope = (1.0 / 8.0 + 1.0 / 3.0) / 2.0
    return jnp.where(x >= 0, x, x * slope)


def setup_inputs(seed: int = 0):
    key = jax.random.key(seed)
    ks = jax.random.split(key, 12)
    hidden = jax.random.normal(ks[0], (N_NODE, IN_DIM), dtype=jnp.float32)
    rel_embeddings = jax.random.normal(ks[1], (B * (R + 1), IN_DIM), dtype=jnp.float32)
    q_rel = jax.random.randint(ks[2], (B,), 0, R + 1, dtype=jnp.int64 if jax.config.jax_enable_x64 else jnp.int32)
    batch_idx = jax.random.randint(ks[3], (E,), 0, B)
    rel = jax.random.randint(ks[4], (E,), 0, R + 1)
    sub = jax.random.randint(ks[5], (E,), 0, N_NODE)
    obj = jax.random.randint(ks[6], (E,), 0, N_NODE)
    Ws = jax.random.normal(ks[7], (IN_DIM, ATTN_DIM), dtype=jnp.float32) * 0.05
    Wr = jax.random.normal(ks[8], (IN_DIM, ATTN_DIM), dtype=jnp.float32) * 0.05
    Wqr = jax.random.normal(ks[9], (IN_DIM, ATTN_DIM), dtype=jnp.float32) * 0.05
    bqr = jnp.zeros((ATTN_DIM,), dtype=jnp.float32)
    w_alpha = jax.random.normal(ks[10], (ATTN_DIM, 1), dtype=jnp.float32) * 0.05
    b_alpha = jnp.zeros((1,), dtype=jnp.float32)
    W_h = jax.random.normal(ks[11], (IN_DIM, IN_DIM), dtype=jnp.float32) * 0.05
    return {
        "hidden": hidden,
        "rel_embeddings": rel_embeddings,
        "q_rel": q_rel,
        "batch_idx": batch_idx,
        "rel": rel,
        "sub": sub,
        "obj": obj,
        "Ws": Ws,
        "Wr": Wr,
        "Wqr": Wqr,
        "bqr": bqr,
        "w_alpha": w_alpha,
        "b_alpha": b_alpha,
        "W_h": W_h,
    }


def reference(hidden, rel_embeddings, q_rel, batch_idx, rel, sub, obj, Ws, Wr, Wqr, bqr, w_alpha, b_alpha, W_h):
    # GNNLayer.forward (CPU / scatter_add path)
    hs = hidden[sub]  # gather source-node features [E, d]
    hr = rel_embeddings[rel + batch_idx * (R + 1)]  # gather edge-relation embeddings [E, d]
    h_qr_per_query = rel_embeddings[q_rel + jnp.arange(B) * (R + 1)]  # [B, d]
    h_qr = h_qr_per_query[batch_idx]  # broadcast query-relation embedding per edge [E, d]
    pre = hs @ Ws + hr @ Wr + (h_qr @ Wqr + bqr)
    alpha = jax.nn.sigmoid(rrelu_eval(pre) @ w_alpha + b_alpha)  # [E, 1]
    message = hs + hr  # transe message
    out = jnp.zeros((N_NODE, IN_DIM), dtype=hidden.dtype).at[obj].add(alpha * message)  # scatter-add over dst nodes
    out = rrelu_eval(out @ W_h)
    return out

if __name__ == "__main__":
    import jax
    _d = setup_inputs()
    print(jax.jit(kernel)(*tuple(_d.values())))

</pallas_src>

<mosaic_0001>
#map = affine_map<(d0, d1) -> (0, 0)>
#map1 = affine_map<(d0, d1) -> (0)>
#map2 = affine_map<(d0, d1) -> (0, 0, 0)>
module attributes {stable_mosaic.version = 14 : i64} {
  func.func @_sc_edges(%arg0: i32, %arg1: i32, %arg2: memref<10000x256xf32, #tpu.memory_space<hbm>>, %arg3: memref<6432x256xf32, #tpu.memory_space<hbm>>, %arg4: memref<320000xi32, #tpu.memory_space<hbm>>, %arg5: memref<320000xi32, #tpu.memory_space<hbm>>, %arg6: memref<320000xi32, #tpu.memory_space<hbm>>, %arg7: memref<64xf32, #tpu.memory_space<hbm>>, %arg8: memref<16xf32, #tpu.memory_space<hbm>>, %arg9: memref<10000x128xf32, #tpu.memory_space<hbm>>, %arg10: memref<2x10000x128xf32, #tpu.memory_space<hbm>>, %arg11: memref<800xi32, #tpu.memory_space<vmem>>, %arg12: memref<800xi32, #tpu.memory_space<vmem>>, %arg13: memref<800xi32, #tpu.memory_space<vmem>>, %arg14: memref<40x256xf32, #tpu.memory_space<vmem>>, %arg15: memref<40x256xf32, #tpu.memory_space<vmem>>, %arg16: memref<40x256xf32, #tpu.memory_space<vmem>>, %arg17: memref<40x256xf32, #tpu.memory_space<vmem>>, %arg18: memref<40x128xf32, #tpu.memory_space<vmem>>, %arg19: memref<64xf32, #tpu.memory_space<vmem>>, %arg20: memref<16xf32, #tpu.memory_space<vmem>>, %arg21: memref<10000x128xf32, #tpu.memory_space<vmem_shared>>, %arg22: memref<!tpu.dma_semaphore, #tpu.memory_space<semaphore_mem>>, %arg23: memref<!tpu.dma_semaphore, #tpu.memory_space<semaphore_mem>>, %arg24: memref<!tpu.dma_semaphore, #tpu.memory_space<semaphore_mem>>, %arg25: memref<!tpu.dma_semaphore, #tpu.memory_space<semaphore_mem>>, %arg26: memref<!tpu.dma_semaphore, #tpu.memory_space<semaphore_mem>>, %arg27: memref<!tpu.dma_semaphore, #tpu.memory_space<semaphore_mem>>, %arg28: memref<!tpu.dma_semaphore, #tpu.memory_space<semaphore_mem>>, %arg29: memref<!tpu.dma_semaphore, #tpu.memory_space<semaphore_mem>>) attributes {dimension_semantics = [#tpu.dimension_semantics<core_parallel>, #tpu.dimension_semantics<subcore_parallel>], iteration_bounds = array<i64: 2, 16>, scalar_prefetch = 0 : i64, scratch_operands = 19 : i64, tpu.core_type = #tpu.core_type<sc_vector_subcore>, window_params = [{transform_indices = #map}, {transform_indices = #map}, {transform_indices = #map1}, {transform_indices = #map1}, {transform_indices = #map1}, {transform_indices = #map1}, {transform_indices = #map1}, {transform_indices = #map}, {transform_indices = #map2}]} {
    %mul3A = arith.constant 2 : i32
    %mul3A_0 = arith.muli %arg1, %mul3A : i32
    %add3A = arith.addi %mul3A_0, %arg0 : i32
    %mul3A_1 = arith.constant 624 : i32
    %mul3A_2 = arith.muli %arg1, %mul3A_1 : i32
    "tpu.region"() ({
      %run_scoped3A = tpu.sem_alloc : memref<!tpu.dma_semaphore, #tpu.memory_space<semaphore_mem>>
      %dma_start3A_76 = arith.constant 0 : i32
      %dma_start3A_77 = tpu.memref_slice %arg21[%mul3A_2, %dma_start3A_76] : memref<10000x128xf32, #tpu.memory_space<vmem_shared>> -> memref<624x128xf32, #tpu.memory_space<vmem_shared>>
      %dma_start3A_78 = arith.constant 0 : i32
      %dma_start3A_79 = tpu.memref_slice %arg9[%mul3A_2, %dma_start3A_78] : memref<10000x128xf32, #tpu.memory_space<hbm>> -> memref<624x128xf32, #tpu.memory_space<hbm>>
      tpu.enqueue_dma source(%dma_start3A_79 : memref<624x128xf32, #tpu.memory_space<hbm>>) target(%dma_start3A_77 : memref<624x128xf32, #tpu.memory_space<vmem_shared>>) target_semaphore(%run_scoped3A : memref<!tpu.dma_semaphore, #tpu.memory_space<semaphore_mem>>)
      %dma_wait3A_80 = arith.constant 0 : i32
      %dma_wait3A_81 = tpu.memref_slice %arg21[%mul3A_2, %dma_wait3A_80] : memref<10000x128xf32, #tpu.memory_space<vmem_shared>> -> memref<624x128xf32, #tpu.memory_space<vmem_shared>>
      %dma_wait3A_82 = arith.constant 0 : i32
      %dma_wait3A_83 = tpu.memref_slice %arg9[%mul3A_2, %dma_wait3A_82] : memref<10000x128xf32, #tpu.memory_space<hbm>> -> memref<624x128xf32, #tpu.memory_space<hbm>>
      tpu.wait_dma2 semaphore(%run_scoped3A : memref<!tpu.dma_semaphore, #tpu.memory_space<semaphore_mem>>) src(%dma_wait3A_83 : memref<624x128xf32, #tpu.memory_space<hbm>>) dst(%dma_wait3A_81 : memref<624x128xf32, #tpu.memory_space<vmem_shared>>)
      tpu.yield
    }) : () -> ()
    %eq3A = arith.constant 15 : i32
    %eq3A_3 = arith.cmpi eq, %arg1, %eq3A : i32
    %convert_element_type3A = arith.extui %eq3A_3 : i1 to i32
    %cond3A = arith.constant 0 : i32
    %cond3A_4 = arith.cmpi ne, %convert_element_type3A, %cond3A : i32
    scf.if %cond3A_4 {
      "tpu.region"() ({
        %run_scoped3A = tpu.sem_alloc : memref<!tpu.dma_semaphore, #tpu.memory_space<semaphore_mem>>
        %dma_start3A_76 = arith.constant 9984 : i32
        %dma_start3A_77 = arith.constant 0 : i32
        %dma_start3A_78 = tpu.memref_slice %arg21[%dma_start3A_76, %dma_start3A_77] : memref<10000x128xf32, #tpu.memory_space<vmem_shared>> -> memref<16x128xf32, #tpu.memory_space<vmem_shared>>
        %dma_start3A_79 = arith.constant 9984 : i32
        %dma_start3A_80 = arith.constant 0 : i32
        %dma_start3A_81 = tpu.memref_slice %arg9[%dma_start3A_79, %dma_start3A_80] : memref<10000x128xf32, #tpu.memory_space<hbm>> -> memref<16x128xf32, #tpu.memory_space<hbm>>
        tpu.enqueue_dma source(%dma_start3A_81 : memref<16x128xf32, #tpu.memory_space<hbm>>) target(%dma_start3A_78 : memref<16x128xf32, #tpu.memory_space<vmem_shared>>) target_semaphore(%run_scoped3A : memref<!tpu.dma_semaphore, #tpu.memory_space<semaphore_mem>>)
        %dma_wait3A_82 = arith.constant 9984 : i32
        %dma_wait3A_83 = arith.constant 0 : i32
        %dma_wait3A_84 = tpu.memref_slice %arg21[%dma_wait3A_82, %dma_wait3A_83] : memref<10000x128xf32, #tpu.memory_space<vmem_shared>> -> memref<16x128xf32, #tpu.memory_space<vmem_shared>>
        %dma_wait3A_85 = arith.constant 9984 : i32
        %dma_wait3A_86 = arith.constant 0 : i32
        %dma_wait3A_87 = tpu.memref_slice %arg9[%dma_wait3A_85, %dma_wait3A_86] : memref<10000x128xf32, #tpu.memory_space<hbm>> -> memref<16x128xf32, #tpu.memory_space<hbm>>
        tpu.wait_dma2 semaphore(%run_scoped3A : memref<!tpu.dma_semaphore, #tpu.memory_space<semaphore_mem>>) src(%dma_wait3A_87 : memref<16x128xf32, #tpu.memory_space<hbm>>) dst(%dma_wait3A_84 : memref<16x128xf32, #tpu.memory_space<vmem_shared>>)
        tpu.yield
      }) : () -> ()
    } else {
    }
    "tpu.region"() ({
      %run_scoped3A = tpu.sem_alloc : memref<!tpu.dma_semaphore, #tpu.memory_space<semaphore_mem>>
      tpu.enqueue_dma source(%arg7 : memref<64xf32, #tpu.memory_space<hbm>>) target(%arg19 : memref<64xf32, #tpu.memory_space<vmem>>) target_semaphore(%run_scoped3A : memref<!tpu.dma_semaphore, #tpu.memory_space<semaphore_mem>>)
      tpu.wait_dma2 semaphore(%run_scoped3A : memref<!tpu.dma_semaphore, #tpu.memory_space<semaphore_mem>>) src(%arg7 : memref<64xf32, #tpu.memory_space<hbm>>) dst(%arg19 : memref<64xf32, #tpu.memory_space<vmem>>)
      tpu.yield
    }) : () -> ()
    "tpu.region"() ({
      %run_scoped3A = tpu.sem_alloc : memref<!tpu.dma_semaphore, #tpu.memory_space<semaphore_mem>>
      tpu.enqueue_dma source(%arg8 : memref<16xf32, #tpu.memory_space<hbm>>) target(%arg20 : memref<16xf32, #tpu.memory_space<vmem>>) target_semaphore(%run_scoped3A : memref<!tpu.dma_semaphore, #tpu.memory_space<semaphore_mem>>)
      tpu.wait_dma2 semaphore(%run_scoped3A : memref<!tpu.dma_semaphore, #tpu.memory_space<semaphore_mem>>) src(%arg8 : memref<16xf32, #tpu.memory_space<hbm>>) dst(%arg20 : memref<16xf32, #tpu.memory_space<vmem>>)
      tpu.yield
    }) : () -> ()
    %barrier3A = arith.constant 0 : index
    tpu.barrier barrier_id(%barrier3A)
    %mul3A_5 = arith.constant 10000 : i32
    %mul3A_6 = arith.muli %add3A, %mul3A_5 : i32
    %add3A_7 = arith.constant 0 : i32
    %add3A_8 = arith.addi %mul3A_6, %add3A_7 : i32
    %dma_start3A = arith.constant 0 : i32
    %dma_start3A_9 = tpu.memref_slice %arg11[%dma_start3A] : memref<800xi32, #tpu.memory_space<vmem>> -> memref<400xi32, #tpu.memory_space<vmem>>
    %dma_start3A_10 = tpu.memref_slice %arg4[%add3A_8] : memref<320000xi32, #tpu.memory_space<hbm>> -> memref<400xi32, #tpu.memory_space<hbm>>
    %dma_start3A_11 = arith.constant 0 : i32
    %dma_start3A_12 = tpu.memref_slice %arg11[%dma_start3A_11] : memref<800xi32, #tpu.memory_space<vmem>> -> memref<400xi32, #tpu.memory_space<vmem>>
    %dma_start3A_13 = tpu.memref_slice %arg4[%add3A_8] : memref<320000xi32, #tpu.memory_space<hbm>> -> memref<400xi32, #tpu.memory_space<hbm>>
    tpu.enqueue_dma source(%dma_start3A_13 : memref<400xi32, #tpu.memory_space<hbm>>) target(%dma_start3A_12 : memref<400xi32, #tpu.memory_space<vmem>>) target_semaphore(%arg26 : memref<!tpu.dma_semaphore, #tpu.memory_space<semaphore_mem>>)
    %dma_start3A_14 = arith.constant 0 : i32
    %dma_start3A_15 = tpu.memref_slice %arg12[%dma_start3A_14] : memref<800xi32, #tpu.memory_space<vmem>> -> memref<400xi32, #tpu.memory_space<vmem>>
    %dma_start3A_16 = tpu.memref_slice %arg5[%add3A_8] : memref<320000xi32, #tpu.memory_space<hbm>> -> memref<400xi32, #tpu.memory_space<hbm>>
    %dma_start3A_17 = arith.constant 0 : i32
    %dma_start3A_18 = tpu.memref_slice %arg12[%dma_start3A_17] : memref<800xi32, #tpu.memory_space<vmem>> -> memref<400xi32, #tpu.memory_space<vmem>>
    %dma_start3A_19 = tpu.memref_slice %arg5[%add3A_8] : memref<320000xi32, #tpu.memory_space<hbm>> -> memref<400xi32, #tpu.memory_space<hbm>>
    tpu.enqueue_dma source(%dma_start3A_19 : memref<400xi32, #tpu.memory_space<hbm>>) target(%dma_start3A_18 : memref<400xi32, #tpu.memory_space<vmem>>) target_semaphore(%arg27 : memref<!tpu.dma_semaphore, #tpu.memory_space<semaphore_mem>>)
    %dma_start3A_20 = arith.constant 0 : i32
    %dma_start3A_21 = tpu.memref_slice %arg13[%dma_start3A_20] : memref<800xi32, #tpu.memory_space<vmem>> -> memref<400xi32, #tpu.memory_space<vmem>>
    %dma_start3A_22 = tpu.memref_slice %arg6[%add3A_8] : memref<320000xi32, #tpu.memory_space<hbm>> -> memref<400xi32, #tpu.memory_space<hbm>>
    %dma_start3A_23 = arith.constant 0 : i32
    %dma_start3A_24 = tpu.memref_slice %arg13[%dma_start3A_23] : memref<800xi32, #tpu.memory_space<vmem>> -> memref<400xi32, #tpu.memory_space<vmem>>
    %dma_start3A_25 = tpu.memref_slice %arg6[%add3A_8] : memref<320000xi32, #tpu.memory_space<hbm>> -> memref<400xi32, #tpu.memory_space<hbm>>
    tpu.enqueue_dma source(%dma_start3A_25 : memref<400xi32, #tpu.memory_space<hbm>>) target(%dma_start3A_24 : memref<400xi32, #tpu.memory_space<vmem>>) target_semaphore(%arg28 : memref<!tpu.dma_semaphore, #tpu.memory_space<semaphore_mem>>)
    %add3A_26 = arith.constant 0 : i32
    %add3A_27 = arith.addi %mul3A_6, %add3A_26 : i32
    %dma_wait3A = arith.constant 0 : i32
    %dma_wait3A_28 = tpu.memref_slice %arg11[%dma_wait3A] : memref<800xi32, #tpu.memory_space<vmem>> -> memref<400xi32, #tpu.memory_space<vmem>>
    %dma_wait3A_29 = tpu.memref_slice %arg4[%add3A_27] : memref<320000xi32, #tpu.memory_space<hbm>> -> memref<400xi32, #tpu.memory_space<hbm>>
    %dma_wait3A_30 = arith.constant 0 : i32
    %dma_wait3A_31 = tpu.memref_slice %arg11[%dma_wait3A_30] : memref<800xi32, #tpu.memory_space<vmem>> -> memref<400xi32, #tpu.memory_space<vmem>>
    %dma_wait3A_32 = tpu.memref_slice %arg4[%add3A_27] : memref<320000xi32, #tpu.memory_space<hbm>> -> memref<400xi32, #tpu.memory_space<hbm>>
    tpu.wait_dma2 semaphore(%arg26 : memref<!tpu.dma_semaphore, #tpu.memory_space<semaphore_mem>>) src(%dma_wait3A_32 : memref<400xi32, #tpu.memory_space<hbm>>) dst(%dma_wait3A_31 : memref<400xi32, #tpu.memory_space<vmem>>)
    %dma_wait3A_33 = arith.constant 0 : i32
    %dma_wait3A_34 = tpu.memref_slice %arg12[%dma_wait3A_33] : memref<800xi32, #tpu.memory_space<vmem>> -> memref<400xi32, #tpu.memory_space<vmem>>
    %dma_wait3A_35 = tpu.memref_slice %arg5[%add3A_27] : memref<320000xi32, #tpu.memory_space<hbm>> -> memref<400xi32, #tpu.memory_space<hbm>>
    %dma_wait3A_36 = arith.constant 0 : i32
    %dma_wait3A_37 = tpu.memref_slice %arg12[%dma_wait3A_36] : memref<800xi32, #tpu.memory_space<vmem>> -> memref<400xi32, #tpu.memory_space<vmem>>
    %dma_wait3A_38 = tpu.memref_slice %arg5[%add3A_27] : memref<320000xi32, #tpu.memory_space<hbm>> -> memref<400xi32, #tpu.memory_space<hbm>>
    tpu.wait_dma2 semaphore(%arg27 : memref<!tpu.dma_semaphore, #tpu.memory_space<semaphore_mem>>) src(%dma_wait3A_38 : memref<400xi32, #tpu.memory_space<hbm>>) dst(%dma_wait3A_37 : memref<400xi32, #tpu.memory_space<vmem>>)
    %dma_wait3A_39 = arith.constant 0 : i32
    %dma_wait3A_40 = tpu.memref_slice %arg13[%dma_wait3A_39] : memref<800xi32, #tpu.memory_space<vmem>> -> memref<400xi32, #tpu.memory_space<vmem>>
    %dma_wait3A_41 = tpu.memref_slice %arg6[%add3A_27] : memref<320000xi32, #tpu.memory_space<hbm>> -> memref<400xi32, #tpu.memory_space<hbm>>
    %dma_wait3A_42 = arith.constant 0 : i32
    %dma_wait3A_43 = tpu.memref_slice %arg13[%dma_wait3A_42] : memref<800xi32, #tpu.memory_space<vmem>> -> memref<400xi32, #tpu.memory_space<vmem>>
    %dma_wait3A_44 = tpu.memref_slice %arg6[%add3A_27] : memref<320000xi32, #tpu.memory_space<hbm>> -> memref<400xi32, #tpu.memory_space<hbm>>
    tpu.wait_dma2 semaphore(%arg28 : memref<!tpu.dma_semaphore, #tpu.memory_space<semaphore_mem>>) src(%dma_wait3A_44 : memref<400xi32, #tpu.memory_space<hbm>>) dst(%dma_wait3A_43 : memref<400xi32, #tpu.memory_space<vmem>>)
    %dma_start3A_45 = arith.constant 0 : i32
    %dma_start3A_46 = tpu.memref_slice %arg11[%dma_start3A_45] : memref<800xi32, #tpu.memory_space<vmem>> -> memref<40xi32, #tpu.memory_space<vmem>>
    %dma_start3A_47 = arith.constant 0 : i32
    %dma_start3A_48 = arith.constant 0 : i32
    %dma_start3A_49 = tpu.memref_slice %arg2[%dma_start3A_47, %dma_start3A_48] : memref<10000x256xf32, #tpu.memory_space<hbm>> -> memref<10000x256xf32, #tpu.memory_space<hbm>>
    tpu.enqueue_indirect_dma source(%dma_start3A_49 : memref<10000x256xf32, #tpu.memory_space<hbm>>) target(%arg14 : memref<40x256xf32, #tpu.memory_space<vmem>>) offsets(%dma_start3A_46 : memref<40xi32, #tpu.memory_space<vmem>>) semaphore(%arg22 : memref<!tpu.dma_semaphore, #tpu.memory_space<semaphore_mem>>)
    %dma_start3A_50 = arith.constant 0 : i32
    %dma_start3A_51 = tpu.memref_slice %arg12[%dma_start3A_50] : memref<800xi32, #tpu.memory_space<vmem>> -> memref<40xi32, #tpu.memory_space<vmem>>
    %dma_start3A_52 = arith.constant 0 : i32
    %dma_start3A_53 = arith.constant 0 : i32
    %dma_start3A_54 = tpu.memref_slice %arg3[%dma_start3A_52, %dma_start3A_53] : memref<6432x256xf32, #tpu.memory_space<hbm>> -> memref<6432x256xf32, #tpu.memory_space<hbm>>
    tpu.enqueue_indirect_dma source(%dma_start3A_54 : memref<6432x256xf32, #tpu.memory_space<hbm>>) target(%arg16 : memref<40x256xf32, #tpu.memory_space<vmem>>) offsets(%dma_start3A_51 : memref<40xi32, #tpu.memory_space<vmem>>) semaphore(%arg24 : memref<!tpu.dma_semaphore, #tpu.memory_space<semaphore_mem>>)
    "tpu.region"() ({
      %run_scoped3A = tpu.sem_alloc : memref<!tpu.dma_semaphore, #tpu.memory_space<semaphore_mem>>
      %dma_start3A_76 = arith.constant 0 : i32
      %dma_start3A_77 = arith.constant 0 : i32
      %dma_start3A_78 = tpu.memref_slice %arg9[%dma_start3A_76, %dma_start3A_77] : memref<10000x128xf32, #tpu.memory_space<hbm>> -> memref<40x128xf32, #tpu.memory_space<hbm>>
      %dma_start3A_79 = arith.constant 0 : i32
      %dma_start3A_80 = arith.constant 0 : i32
      %dma_start3A_81 = tpu.memref_slice %arg9[%dma_start3A_79, %dma_start3A_80] : memref<10000x128xf32, #tpu.memory_space<hbm>> -> memref<40x128xf32, #tpu.memory_space<hbm>>
      tpu.enqueue_dma source(%dma_start3A_81 : memref<40x128xf32, #tpu.memory_space<hbm>>) target(%arg18 : memref<40x128xf32, #tpu.memory_space<vmem>>) target_semaphore(%run_scoped3A : memref<!tpu.dma_semaphore, #tpu.memory_space<semaphore_mem>>)
      %dma_wait3A_82 = arith.constant 0 : i32
      %dma_wait3A_83 = arith.constant 0 : i32
      %dma_wait3A_84 = tpu.memref_slice %arg9[%dma_wait3A_82, %dma_wait3A_83] : memref<10000x128xf32, #tpu.memory_space<hbm>> -> memref<40x128xf32, #tpu.memory_space<hbm>>
      %dma_wait3A_85 = arith.constant 0 : i32
      %dma_wait3A_86 = arith.constant 0 : i32
      %dma_wait3A_87 = tpu.memref_slice %arg9[%dma_wait3A_85, %dma_wait3A_86] : memref<10000x128xf32, #tpu.memory_space<hbm>> -> memref<40x128xf32, #tpu.memory_space<hbm>>
      tpu.wait_dma2 semaphore(%run_scoped3A : memref<!tpu.dma_semaphore, #tpu.memory_space<semaphore_mem>>) src(%dma_wait3A_87 : memref<40x128xf32, #tpu.memory_space<hbm>>) dst(%arg18 : memref<40x128xf32, #tpu.memory_space<vmem>>)
      tpu.yield
    }) : () -> ()
    %dma_start3A_55 = arith.constant 0 : i32
    %dma_start3A_56 = tpu.memref_slice %arg13[%dma_start3A_55] : memref<800xi32, #tpu.memory_space<vmem>> -> memref<40xi32, #tpu.memory_space<vmem>>
    %dma_start3A_57 = arith.constant 0 : i32
    %dma_start3A_58 = arith.constant 0 : i32
    %dma_start3A_59 = tpu.memref_slice %arg21[%dma_start3A_57, %dma_start3A_58] : memref<10000x128xf32, #tpu.memory_space<vmem_shared>> -> memref<10000x128xf32, #tpu.memory_space<vmem_shared>>
    tpu.enqueue_indirect_dma source(%arg18 : memref<40x128xf32, #tpu.memory_space<vmem>>) target(%dma_start3A_59 : memref<10000x128xf32, #tpu.memory_space<vmem_shared>>) offsets(%dma_start3A_56 : memref<40xi32, #tpu.memory_space<vmem>>) semaphore(%arg29 : memref<!tpu.dma_semaphore, #tpu.memory_space<semaphore_mem>>) {add = true}
    %scan3A = arith.constant 0 : i32
    %scan3A_60 = arith.constant 0 : i32
    %scan3A_61 = arith.constant 25 : i32
    %scan3A_62 = arith.addi %scan3A_60, %scan3A_61 : i32
    %scan3A_63 = arith.constant 1 : i32
    scf.for %scan3A_76 = %scan3A_60 to %scan3A_62 step %scan3A_63  : i32 {
      %jit3A = arith.constant 2 : i32
      %eq3A_77 = arith.constant 0 : i32
      %eq3A_78 = arith.cmpi eq, %jit3A, %eq3A_77 : i32
      %jit3A_79 = arith.constant 1 : i32
      %select_n3A = arith.select %eq3A_78, %jit3A_79, %jit3A : i32
      %rem3A = arith.remsi %scan3A_76, %select_n3A : i32
      %ne3A = arith.constant 0 : i32
      %ne3A_80 = arith.cmpi ne, %rem3A, %ne3A : i32
      %lt3A = arith.constant 0 : i32
      %lt3A_81 = arith.cmpi slt, %rem3A, %lt3A : i32
      %lt3A_82 = arith.constant 0 : i32
      %lt3A_83 = arith.cmpi slt, %select_n3A, %lt3A_82 : i32
      %ne3A_84 = arith.xori %lt3A_81, %lt3A_83 : i1
      %and3A = arith.andi %ne3A_84, %ne3A_80 : i1
      %add3A_85 = arith.addi %rem3A, %select_n3A : i32
      %select_n3A_86 = arith.select %and3A, %add3A_85, %rem3A : i32
      %mul3A_87 = arith.constant 400 : i32
      %mul3A_88 = arith.muli %select_n3A_86, %mul3A_87 : i32
      %lt3A_89 = arith.constant 24 : i32
      %lt3A_90 = arith.cmpi slt, %scan3A_76, %lt3A_89 : i32
      %convert_element_type3A_91 = arith.extui %lt3A_90 : i1 to i32
      %cond3A_92 = arith.constant 0 : i32
      %cond3A_93 = arith.cmpi ne, %convert_element_type3A_91, %cond3A_92 : i32
      scf.if %cond3A_93 {
        %add3A_105 = arith.constant 1 : i32
        %add3A_106 = arith.addi %scan3A_76, %add3A_105 : i32
        %jit3A_107 = arith.constant 2 : i32
        %eq3A_108 = arith.constant 0 : i32
        %eq3A_109 = arith.cmpi eq, %jit3A_107, %eq3A_108 : i32
        %jit3A_110 = arith.constant 1 : i32
        %select_n3A_111 = arith.select %eq3A_109, %jit3A_110, %jit3A_107 : i32
        %rem3A_112 = arith.remsi %add3A_106, %select_n3A_111 : i32
        %ne3A_113 = arith.constant 0 : i32
        %ne3A_114 = arith.cmpi ne, %rem3A_112, %ne3A_113 : i32
        %lt3A_115 = arith.constant 0 : i32
        %lt3A_116 = arith.cmpi slt, %rem3A_112, %lt3A_115 : i32
        %lt3A_117 = arith.constant 0 : i32
        %lt3A_118 = arith.cmpi slt, %select_n3A_111, %lt3A_117 : i32
        %ne3A_119 = arith.xori %lt3A_116, %lt3A_118 : i1
        %and3A_120 = arith.andi %ne3A_119, %ne3A_114 : i1
        %add3A_121 = arith.addi %rem3A_112, %select_n3A_111 : i32
        %select_n3A_122 = arith.select %and3A_120, %add3A_121, %rem3A_112 : i32
        %mul3A_123 = arith.constant 400 : i32
        %mul3A_124 = arith.muli %select_n3A_122, %mul3A_123 : i32
        %mul3A_125 = arith.constant 400 : i32
        %mul3A_126 = arith.muli %add3A_106, %mul3A_125 : i32
        %add3A_127 = arith.addi %mul3A_6, %mul3A_126 : i32
        %dma_start3A_128 = tpu.memref_slice %arg11[%mul3A_124] : memref<800xi32, #tpu.memory_space<vmem>> -> memref<400xi32, #tpu.memory_space<vmem>>
        %dma_start3A_129 = tpu.memref_slice %arg4[%add3A_127] : memref<320000xi32, #tpu.memory_space<hbm>> -> memref<400xi32, #tpu.memory_space<hbm>>
        %dma_start3A_130 = tpu.memref_slice %arg11[%mul3A_124] : memref<800xi32, #tpu.memory_space<vmem>> -> memref<400xi32, #tpu.memory_space<vmem>>
        %dma_start3A_131 = tpu.memref_slice %arg4[%add3A_127] : memref<320000xi32, #tpu.memory_space<hbm>> -> memref<400xi32, #tpu.memory_space<hbm>>
        tpu.enqueue_dma source(%dma_start3A_131 : memref<400xi32, #tpu.memory_space<hbm>>) target(%dma_start3A_130 : memref<400xi32, #tpu.memory_space<vmem>>) target_semaphore(%arg26 : memref<!tpu.dma_semaphore, #tpu.memory_space<semaphore_mem>>)
        %dma_start3A_132 = tpu.memref_slice %arg12[%mul3A_124] : memref<800xi32, #tpu.memory_space<vmem>> -> memref<400xi32, #tpu.memory_space<vmem>>
        %dma_start3A_133 = tpu.memref_slice %arg5[%add3A_127] : memref<320000xi32, #tpu.memory_space<hbm>> -> memref<400xi32, #tpu.memory_space<hbm>>
        %dma_start3A_134 = tpu.memref_slice %arg12[%mul3A_124] : memref<800xi32, #tpu.memory_space<vmem>> -> memref<400xi32, #tpu.memory_space<vmem>>
        %dma_start3A_135 = tpu.memref_slice %arg5[%add3A_127] : memref<320000xi32, #tpu.memory_space<hbm>> -> memref<400xi32, #tpu.memory_space<hbm>>
        tpu.enqueue_dma source(%dma_start3A_135 : memref<400xi32, #tpu.memory_space<hbm>>) target(%dma_start3A_134 : memref<400xi32, #tpu.memory_space<vmem>>) target_semaphore(%arg27 : memref<!tpu.dma_semaphore, #tpu.memory_space<semaphore_mem>>)
        %dma_start3A_136 = tpu.memref_slice %arg13[%mul3A_124] : memref<800xi32, #tpu.memory_space<vmem>> -> memref<400xi32, #tpu.memory_space<vmem>>
        %dma_start3A_137 = tpu.memref_slice %arg6[%add3A_127] : memref<320000xi32, #tpu.memory_space<hbm>> -> memref<400xi32, #tpu.memory_space<hbm>>
        %dma_start3A_138 = tpu.memref_slice %arg13[%mul3A_124] : memref<800xi32, #tpu.memory_space<vmem>> -> memref<400xi32, #tpu.memory_space<vmem>>
        %dma_start3A_139 = tpu.memref_slice %arg6[%add3A_127] : memref<320000xi32, #tpu.memory_space<hbm>> -> memref<400xi32, #tpu.memory_space<hbm>>
        tpu.enqueue_dma source(%dma_start3A_139 : memref<400xi32, #tpu.memory_space<hbm>>) target(%dma_start3A_138 : memref<400xi32, #tpu.memory_space<vmem>>) target_semaphore(%arg28 : memref<!tpu.dma_semaphore, #tpu.memory_space<semaphore_mem>>)
      } else {
      }
      %scan3A_94 = arith.constant 0 : i32
      %scan3A_95 = arith.constant 0 : i32
      %scan3A_96 = arith.constant 5 : i32
      %scan3A_97 = arith.addi %scan3A_95, %scan3A_96 : i32
      %scan3A_98 = arith.constant 1 : i32
      scf.for %scan3A_105 = %scan3A_95 to %scan3A_97 step %scan3A_98  : i32 {
        %mul3A_106 = arith.constant 2 : i32
        %mul3A_107 = arith.muli %mul3A_106, %scan3A_105 : i32
        %mul3A_108 = arith.constant 40 : i32
        %mul3A_109 = arith.muli %mul3A_107, %mul3A_108 : i32
        %add3A_110 = arith.addi %mul3A_88, %mul3A_109 : i32
        %add3A_111 = arith.constant 40 : i32
        %add3A_112 = arith.addi %add3A_110, %add3A_111 : i32
        %dma_start3A_113 = tpu.memref_slice %arg11[%add3A_112] : memref<800xi32, #tpu.memory_space<vmem>> -> memref<40xi32, #tpu.memory_space<vmem>>
        %dma_start3A_114 = arith.constant 0 : i32
        %dma_start3A_115 = arith.constant 0 : i32
        %dma_start3A_116 = tpu.memref_slice %arg2[%dma_start3A_114, %dma_start3A_115] : memref<10000x256xf32, #tpu.memory_space<hbm>> -> memref<10000x256xf32, #tpu.memory_space<hbm>>
        tpu.enqueue_indirect_dma source(%dma_start3A_116 : memref<10000x256xf32, #tpu.memory_space<hbm>>) target(%arg15 : memref<40x256xf32, #tpu.memory_space<vmem>>) offsets(%dma_start3A_113 : memref<40xi32, #tpu.memory_space<vmem>>) semaphore(%arg23 : memref<!tpu.dma_semaphore, #tpu.memory_space<semaphore_mem>>)
        %dma_start3A_117 = tpu.memref_slice %arg12[%add3A_112] : memref<800xi32, #tpu.memory_space<vmem>> -> memref<40xi32, #tpu.memory_space<vmem>>
        %dma_start3A_118 = arith.constant 0 : i32
        %dma_start3A_119 = arith.constant 0 : i32
        %dma_start3A_120 = tpu.memref_slice %arg3[%dma_start3A_118, %dma_start3A_119] : memref<6432x256xf32, #tpu.memory_space<hbm>> -> memref<6432x256xf32, #tpu.memory_space<hbm>>
        tpu.enqueue_indirect_dma source(%dma_start3A_120 : memref<6432x256xf32, #tpu.memory_space<hbm>>) target(%arg17 : memref<40x256xf32, #tpu.memory_space<vmem>>) offsets(%dma_start3A_117 : memref<40xi32, #tpu.memory_space<vmem>>) semaphore(%arg25 : memref<!tpu.dma_semaphore, #tpu.memory_space<semaphore_mem>>)
        %dma_wait3A_121 = tpu.memref_slice %arg11[%add3A_110] : memref<800xi32, #tpu.memory_space<vmem>> -> memref<40xi32, #tpu.memory_space<vmem>>
        %dma_wait3A_122 = arith.constant 0 : i32
        %dma_wait3A_123 = arith.constant 0 : i32
        %dma_wait3A_124 = tpu.memref_slice %arg2[%dma_wait3A_122, %dma_wait3A_123] : memref<10000x256xf32, #tpu.memory_space<hbm>> -> memref<10000x256xf32, #tpu.memory_space<hbm>>
        tpu.wait_indirect_dma semaphore(%arg22 : memref<!tpu.dma_semaphore, #tpu.memory_space<semaphore_mem>>) src(%dma_wait3A_124 : memref<10000x256xf32, #tpu.memory_space<hbm>>) dst(%arg14 : memref<40x256xf32, #tpu.memory_space<vmem>>)
        %dma_wait3A_125 = tpu.memref_slice %arg12[%add3A_110] : memref<800xi32, #tpu.memory_space<vmem>> -> memref<40xi32, #tpu.memory_space<vmem>>
        %dma_wait3A_126 = arith.constant 0 : i32
        %dma_wait3A_127 = arith.constant 0 : i32
        %dma_wait3A_128 = tpu.memref_slice %arg3[%dma_wait3A_126, %dma_wait3A_127] : memref<6432x256xf32, #tpu.memory_space<hbm>> -> memref<6432x256xf32, #tpu.memory_space<hbm>>
        tpu.wait_indirect_dma semaphore(%arg24 : memref<!tpu.dma_semaphore, #tpu.memory_space<semaphore_mem>>) src(%dma_wait3A_128 : memref<6432x256xf32, #tpu.memory_space<hbm>>) dst(%arg16 : memref<40x256xf32, #tpu.memory_space<vmem>>)
        %dma_wait3A_129 = tpu.memref_slice %arg13[%add3A_110] : memref<800xi32, #tpu.memory_space<vmem>> -> memref<40xi32, #tpu.memory_space<vmem>>
        %dma_wait3A_130 = arith.constant 0 : i32
        %dma_wait3A_131 = arith.constant 0 : i32
        %dma_wait3A_132 = tpu.memref_slice %arg21[%dma_wait3A_130, %dma_wait3A_131] : memref<10000x128xf32, #tpu.memory_space<vmem_shared>> -> memref<10000x128xf32, #tpu.memory_space<vmem_shared>>
        tpu.wait_indirect_dma semaphore(%arg29 : memref<!tpu.dma_semaphore, #tpu.memory_space<semaphore_mem>>) src(%arg18 : memref<40x128xf32, #tpu.memory_space<vmem>>) dst(%dma_wait3A_132 : memref<10000x128xf32, #tpu.memory_space<vmem_shared>>)
        %get3A = arith.constant 0 : index
        %get3A_133 = tpu.vector_load %arg19[%get3A] {strides = array<i32>} : memref<64xf32, #tpu.memory_space<vmem>>, vector<16xf32>,
        %get3A_134 = vector.shape_cast %get3A_133 : vector<16xf32> to vector<16xf32>
        %get3A_135 = arith.constant 16 : index
        %get3A_136 = tpu.vector_load %arg19[%get3A_135] {strides = array<i32>} : memref<64xf32, #tpu.memory_space<vmem>>, vector<16xf32>,
        %get3A_137 = vector.shape_cast %get3A_136 : vector<16xf32> to vector<16xf32>
        %get3A_138 = arith.constant 32 : index
        %get3A_139 = tpu.vector_load %arg19[%get3A_138] {strides = array<i32>} : memref<64xf32, #tpu.memory_space<vmem>>, vector<16xf32>,
        %get3A_140 = vector.shape_cast %get3A_139 : vector<16xf32> to vector<16xf32>
        %get3A_141 = arith.constant 48 : index
        %get3A_142 = tpu.vector_load %arg19[%get3A_141] {strides = array<i32>} : memref<64xf32, #tpu.memory_space<vmem>>, vector<16xf32>,
        %get3A_143 = vector.shape_cast %get3A_142 : vector<16xf32> to vector<16xf32>
        %get3A_144 = arith.constant 0 : index
        %get3A_145 = tpu.vector_load %arg20[%get3A_144] {strides = array<i32>} : memref<16xf32, #tpu.memory_space<vmem>>, vector<16xf32>,
        %get3A_146 = vector.shape_cast %get3A_145 : vector<16xf32> to vector<16xf32>
        %parallel_loop3A = arith.constant 0 : i32
        %parallel_loop3A_147 = arith.constant 40 : i32
        %parallel_loop3A_148 = arith.constant 1 : i32
        scf.for %parallel_loop3A_194 = %parallel_loop3A to %parallel_loop3A_147 step %parallel_loop3A_148  : i32 {
          %parallel_loop3A_195 = arith.index_cast %parallel_loop3A_194 : i32 to index
          %parallel_loop3A_196 = arith.constant 0 : index
          %parallel_loop3A_197 = tpu.vector_load %arg14[%parallel_loop3A_195, %parallel_loop3A_196] {strides = array<i32>} : memref<40x256xf32, #tpu.memory_space<vmem>>, vector<1x16xf32>,
          %parallel_loop3A_198 = vector.shape_cast %parallel_loop3A_197 : vector<1x16xf32> to vector<16xf32>
          %parallel_loop3A_199 = arith.index_cast %parallel_loop3A_194 : i32 to index
          %parallel_loop3A_200 = arith.constant 0 : index
          %parallel_loop3A_201 = tpu.vector_load %arg16[%parallel_loop3A_199, %parallel_loop3A_200] {strides = array<i32>} : memref<40x256xf32, #tpu.memory_space<vmem>>, vector<1x16xf32>,
          %parallel_loop3A_202 = vector.shape_cast %parallel_loop3A_201 : vector<1x16xf32> to vector<16xf32>
          %parallel_loop3A_203 = arith.addf %parallel_loop3A_198, %parallel_loop3A_202 : vector<16xf32>
          %parallel_loop3A_204 = arith.constant 0.000000e+00 : f32
          %parallel_loop3A_205 = vector.broadcast %parallel_loop3A_204 : f32 to vector<16xf32>
          %parallel_loop3A_206 = arith.cmpf oge, %parallel_loop3A_203, %parallel_loop3A_205 : vector<16xf32>
          %parallel_loop3A_207 = arith.constant 0.229166672 : f32
          %parallel_loop3A_208 = vector.broadcast %parallel_loop3A_207 : f32 to vector<16xf32>
          %parallel_loop3A_209 = arith.mulf %parallel_loop3A_203, %parallel_loop3A_208 : vector<16xf32>
          %parallel_loop3A_210 = arith.select %parallel_loop3A_206, %parallel_loop3A_203, %parallel_loop3A_209 : vector<16xi1>, vector<16xf32>
          %parallel_loop3A_211 = arith.mulf %parallel_loop3A_210, %get3A_134 : vector<16xf32>
          %parallel_loop3A_212 = arith.index_cast %parallel_loop3A_194 : i32 to index
          %parallel_loop3A_213 = arith.constant 16 : index
          %parallel_loop3A_214 = tpu.vector_load %arg14[%parallel_loop3A_212, %parallel_loop3A_213] {strides = array<i32>} : memref<40x256xf32, #tpu.memory_space<vmem>>, vector<1x16xf32>,
          %parallel_loop3A_215 = vector.shape_cast %parallel_loop3A_214 : vector<1x16xf32> to vector<16xf32>
          %parallel_loop3A_216 = arith.index_cast %parallel_loop3A_194 : i32 to index
          %parallel_loop3A_217 = arith.constant 16 : index
          %parallel_loop3A_218 = tpu.vector_load %arg16[%parallel_loop3A_216, %parallel_loop3A_217] {strides = array<i32>} : memref<40x256xf32, #tpu.memory_space<vmem>>, vector<1x16xf32>,
          %parallel_loop3A_219 = vector.shape_cast %parallel_loop3A_218 : vector<1x16xf32> to vector<16xf32>
          %parallel_loop3A_220 = arith.addf %parallel_loop3A_215, %parallel_loop3A_219 : vector<16xf32>
          %parallel_loop3A_221 = arith.constant 0.000000e+00 : f32
          %parallel_loop3A_222 = vector.broadcast %parallel_loop3A_221 : f32 to vector<16xf32>
          %parallel_loop3A_223 = arith.cmpf oge, %parallel_loop3A_220, %parallel_loop3A_222 : vector<16xf32>
          %parallel_loop3A_224 = arith.constant 0.229166672 : f32
          %parallel_loop3A_225 = vector.broadcast %parallel_loop3A_224 : f32 to vector<16xf32>
          %parallel_loop3A_226 = arith.mulf %parallel_loop3A_220, %parallel_loop3A_225 : vector<16xf32>
          %parallel_loop3A_227 = arith.select %parallel_loop3A_223, %parallel_loop3A_220, %parallel_loop3A_226 : vector<16xi1>, vector<16xf32>
          %parallel_loop3A_228 = arith.mulf %parallel_loop3A_227, %get3A_137 : vector<16xf32>
          %parallel_loop3A_229 = arith.addf %parallel_loop3A_211, %parallel_loop3A_228 : vector<16xf32>
          %parallel_loop3A_230 = arith.index_cast %parallel_loop3A_194 : i32 to index
          %parallel_loop3A_231 = arith.constant 32 : index
          %parallel_loop3A_232 = tpu.vector_load %arg14[%parallel_loop3A_230, %parallel_loop3A_231] {strides = array<i32>} : memref<40x256xf32, #tpu.memory_space<vmem>>, vector<1x16xf32>,
          %parallel_loop3A_233 = vector.shape_cast %parallel_loop3A_232 : vector<1x16xf32> to vector<16xf32>
          %parallel_loop3A_234 = arith.index_cast %parallel_loop3A_194 : i32 to index
          %parallel_loop3A_235 = arith.constant 32 : index
          %parallel_loop3A_236 = tpu.vector_load %arg16[%parallel_loop3A_234, %parallel_loop3A_235] {strides = array<i32>} : memref<40x256xf32, #tpu.memory_space<vmem>>, vector<1x16xf32>,
          %parallel_loop3A_237 = vector.shape_cast %parallel_loop3A_236 : vector<1x16xf32> to vector<16xf32>
          %parallel_loop3A_238 = arith.addf %parallel_loop3A_233, %parallel_loop3A_237 : vector<16xf32>
          %parallel_loop3A_239 = arith.constant 0.000000e+00 : f32
          %parallel_loop3A_240 = vector.broadcast %parallel_loop3A_239 : f32 to vector<16xf32>
          %parallel_loop3A_241 = arith.cmpf oge, %parallel_loop3A_238, %parallel_loop3A_240 : vector<16xf32>
          %parallel_loop3A_242 = arith.constant 0.229166672 : f32
          %parallel_loop3A_243 = vector.broadcast %parallel_loop3A_242 : f32 to vector<16xf32>
          %parallel_loop3A_244 = arith.mulf %parallel_loop3A_238, %parallel_loop3A_243 : vector<16xf32>
          %parallel_loop3A_245 = arith.select %parallel_loop3A_241, %parallel_loop3A_238, %parallel_loop3A_244 : vector<16xi1>, vector<16xf32>
          %parallel_loop3A_246 = arith.mulf %parallel_loop3A_245, %get3A_140 : vector<16xf32>
          %parallel_loop3A_247 = arith.addf %parallel_loop3A_229, %parallel_loop3A_246 : vector<16xf32>
          %parallel_loop3A_248 = arith.index_cast %parallel_loop3A_194 : i32 to index
          %parallel_loop3A_249 = arith.constant 48 : index
          %parallel_loop3A_250 = tpu.vector_load %arg14[%parallel_loop3A_248, %parallel_loop3A_249] {strides = array<i32>} : memref<40x256xf32, #tpu.memory_space<vmem>>, vector<1x16xf32>,
          %parallel_loop3A_251 = vector.shape_cast %parallel_loop3A_250 : vector<1x16xf32> to vector<16xf32>
          %parallel_loop3A_252 = arith.index_cast %parallel_loop3A_194 : i32 to index
          %parallel_loop3A_253 = arith.constant 48 : index
          %parallel_loop3A_254 = tpu.vector_load %arg16[%parallel_loop3A_252, %parallel_loop3A_253] {strides = array<i32>} : memref<40x256xf32, #tpu.memory_space<vmem>>, vector<1x16xf32>,
          %parallel_loop3A_255 = vector.shape_cast %parallel_loop3A_254 : vector<1x16xf32> to vector<16xf32>
          %parallel_loop3A_256 = arith.addf %parallel_loop3A_251, %parallel_loop3A_255 : vector<16xf32>
          %parallel_loop3A_257 = arith.constant 0.000000e+00 : f32
          %parallel_loop3A_258 = vector.broadcast %parallel_loop3A_257 : f32 to vector<16xf32>
          %parallel_loop3A_259 = arith.cmpf oge, %parallel_loop3A_256, %parallel_loop3A_258 : vector<16xf32>
          %parallel_loop3A_260 = arith.constant 0.229166672 : f32
          %parallel_loop3A_261 = vector.broadcast %parallel_loop3A_260 : f32 to vector<16xf32>
          %parallel_loop3A_262 = arith.mulf %parallel_loop3A_256, %parallel_loop3A_261 : vector<16xf32>
          %parallel_loop3A_263 = arith.select %parallel_loop3A_259, %parallel_loop3A_256, %parallel_loop3A_262 : vector<16xi1>, vector<16xf32>
          %parallel_loop3A_264 = arith.mulf %parallel_loop3A_263, %get3A_143 : vector<16xf32>
          %parallel_loop3A_265 = arith.addf %parallel_loop3A_247, %parallel_loop3A_264 : vector<16xf32>
          %parallel_loop3A_266 = tpu.iota {dimensions = array<i32: 0>} : vector<16xi32>
          %parallel_loop3A_267 = arith.constant 8 : i32
          %parallel_loop3A_268 = vector.broadcast %parallel_loop3A_267 : i32 to vector<16xi32>
          %parallel_loop3A_269 = arith.xori %parallel_loop3A_266, %parallel_loop3A_268 : vector<16xi32>
          %parallel_loop3A_270 = vector.shape_cast %parallel_loop3A_269 : vector<16xi32> to vector<16x1xi32>
          %parallel_loop3A_271 = vector.shape_cast %parallel_loop3A_270 : vector<16x1xi32> to vector<16xi32>
          %parallel_loop3A_272 = tpu.dynamic_gather %parallel_loop3A_265[%parallel_loop3A_271] in [0] : vector<16xf32>, vector<16xi32> -> vector<16xf32>
          %parallel_loop3A_273 = arith.addf %parallel_loop3A_265, %parallel_loop3A_272 : vector<16xf32>
          %parallel_loop3A_274 = arith.constant 4 : i32
          %parallel_loop3A_275 = vector.broadcast %parallel_loop3A_274 : i32 to vector<16xi32>
          %parallel_loop3A_276 = arith.xori %parallel_loop3A_266, %parallel_loop3A_275 : vector<16xi32>
          %parallel_loop3A_277 = vector.shape_cast %parallel_loop3A_276 : vector<16xi32> to vector<16x1xi32>
          %parallel_loop3A_278 = vector.shape_cast %parallel_loop3A_277 : vector<16x1xi32> to vector<16xi32>
          %parallel_loop3A_279 = tpu.dynamic_gather %parallel_loop3A_273[%parallel_loop3A_278] in [0] : vector<16xf32>, vector<16xi32> -> vector<16xf32>
          %parallel_loop3A_280 = arith.addf %parallel_loop3A_273, %parallel_loop3A_279 : vector<16xf32>
          %parallel_loop3A_281 = arith.constant 2 : i32
          %parallel_loop3A_282 = vector.broadcast %parallel_loop3A_281 : i32 to vector<16xi32>
          %parallel_loop3A_283 = arith.xori %parallel_loop3A_266, %parallel_loop3A_282 : vector<16xi32>
          %parallel_loop3A_284 = vector.shape_cast %parallel_loop3A_283 : vector<16xi32> to vector<16x1xi32>
          %parallel_loop3A_285 = vector.shape_cast %parallel_loop3A_284 : vector<16x1xi32> to vector<16xi32>
          %parallel_loop3A_286 = tpu.dynamic_gather %parallel_loop3A_280[%parallel_loop3A_285] in [0] : vector<16xf32>, vector<16xi32> -> vector<16xf32>
          %parallel_loop3A_287 = arith.addf %parallel_loop3A_280, %parallel_loop3A_286 : vector<16xf32>
          %parallel_loop3A_288 = arith.constant 1 : i32
          %parallel_loop3A_289 = vector.broadcast %parallel_loop3A_288 : i32 to vector<16xi32>
          %parallel_loop3A_290 = arith.xori %parallel_loop3A_266, %parallel_loop3A_289 : vector<16xi32>
          %parallel_loop3A_291 = vector.shape_cast %parallel_loop3A_290 : vector<16xi32> to vector<16x1xi32>
          %parallel_loop3A_292 = vector.shape_cast %parallel_loop3A_291 : vector<16x1xi32> to vector<16xi32>
          %parallel_loop3A_293 = tpu.dynamic_gather %parallel_loop3A_287[%parallel_loop3A_292] in [0] : vector<16xf32>, vector<16xi32> -> vector<16xf32>
          %parallel_loop3A_294 = arith.addf %parallel_loop3A_287, %parallel_loop3A_293 : vector<16xf32>
          %parallel_loop3A_295 = arith.addf %parallel_loop3A_294, %get3A_146 : vector<16xf32>
          %parallel_loop3A_296 = arith.constant 0.000000e+00 : f32
          %parallel_loop3A_297 = vector.broadcast %parallel_loop3A_296 : f32 to vector<16xf32>
          %parallel_loop3A_298 = arith.subf %parallel_loop3A_297, %parallel_loop3A_295 : vector<16xf32>
          %parallel_loop3A_299 = math.exp %parallel_loop3A_298 : vector<16xf32>
          %parallel_loop3A_300 = arith.constant 1.000000e+00 : f32
          %parallel_loop3A_301 = vector.broadcast %parallel_loop3A_300 : f32 to vector<16xf32>
          %parallel_loop3A_302 = arith.addf %parallel_loop3A_301, %parallel_loop3A_299 : vector<16xf32>
          %parallel_loop3A_303 = arith.constant 1.000000e+00 : f32
          %parallel_loop3A_304 = vector.broadcast %parallel_loop3A_303 : f32 to vector<16xf32>
          %parallel_loop3A_305 = arith.divf %parallel_loop3A_304, %parallel_loop3A_302 : vector<16xf32>
          %parallel_loop3A_306 = arith.index_cast %parallel_loop3A_194 : i32 to index
          %parallel_loop3A_307 = arith.constant 64 : index
          %parallel_loop3A_308 = tpu.vector_load %arg14[%parallel_loop3A_306, %parallel_loop3A_307] {strides = array<i32>} : memref<40x256xf32, #tpu.memory_space<vmem>>, vector<1x16xf32>,
          %parallel_loop3A_309 = vector.shape_cast %parallel_loop3A_308 : vector<1x16xf32> to vector<16xf32>
          %parallel_loop3A_310 = arith.index_cast %parallel_loop3A_194 : i32 to index
          %parallel_loop3A_311 = arith.constant 64 : index
          %parallel_loop3A_312 = tpu.vector_load %arg16[%parallel_loop3A_310, %parallel_loop3A_311] {strides = array<i32>} : memref<40x256xf32, #tpu.memory_space<vmem>>, vector<1x16xf32>,
          %parallel_loop3A_313 = vector.shape_cast %parallel_loop3A_312 : vector<1x16xf32> to vector<16xf32>
          %parallel_loop3A_314 = arith.addf %parallel_loop3A_309, %parallel_loop3A_313 : vector<16xf32>
          %parallel_loop3A_315 = arith.mulf %parallel_loop3A_314, %parallel_loop3A_305 : vector<16xf32>
          %parallel_loop3A_316 = arith.index_cast %parallel_loop3A_194 : i32 to index
          %parallel_loop3A_317 = arith.constant 0 : index
          %parallel_loop3A_318 = tpu.vector_load %arg18[%parallel_loop3A_316, %parallel_loop3A_317] {strides = array<i32>} : memref<40x128xf32, #tpu.memory_space<vmem>>, vector<1x16xf32>,
          %parallel_loop3A_319 = vector.shape_cast %parallel_loop3A_318 : vector<1x16xf32> to vector<16xf32>
          %parallel_loop3A_320 = vector.shape_cast %parallel_loop3A_315 : vector<16xf32> to vector<1x16xf32>
          tpu.vector_store %arg18[%parallel_loop3A_316, %parallel_loop3A_317], %parallel_loop3A_320 {strides = array<i32>} : memref<40x128xf32, #tpu.memory_space<vmem>>, vector<1x16xf32>,
          %parallel_loop3A_321 = arith.index_cast %parallel_loop3A_194 : i32 to index
          %parallel_loop3A_322 = arith.constant 80 : index
          %parallel_loop3A_323 = tpu.vector_load %arg14[%parallel_loop3A_321, %parallel_loop3A_322] {strides = array<i32>} : memref<40x256xf32, #tpu.memory_space<vmem>>, vector<1x16xf32>,
          %parallel_loop3A_324 = vector.shape_cast %parallel_loop3A_323 : vector<1x16xf32> to vector<16xf32>
          %parallel_loop3A_325 = arith.index_cast %parallel_loop3A_194 : i32 to index
          %parallel_loop3A_326 = arith.constant 80 : index
          %parallel_loop3A_327 = tpu.vector_load %arg16[%parallel_loop3A_325, %parallel_loop3A_326] {strides = array<i32>} : memref<40x256xf32, #tpu.memory_space<vmem>>, vector<1x16xf32>,
          %parallel_loop3A_328 = vector.shape_cast %parallel_loop3A_327 : vector<1x16xf32> to vector<16xf32>
          %parallel_loop3A_329 = arith.addf %parallel_loop3A_324, %parallel_loop3A_328 : vector<16xf32>
          %parallel_loop3A_330 = arith.mulf %parallel_loop3A_329, %parallel_loop3A_305 : vector<16xf32>
          %parallel_loop3A_331 = arith.index_cast %parallel_loop3A_194 : i32 to index
          %parallel_loop3A_332 = arith.constant 16 : index
          %parallel_loop3A_333 = tpu.vector_load %arg18[%parallel_loop3A_331, %parallel_loop3A_332] {strides = array<i32>} : memref<40x128xf32, #tpu.memory_space<vmem>>, vector<1x16xf32>,
          %parallel_loop3A_334 = vector.shape_cast %parallel_loop3A_333 : vector<1x16xf32> to vector<16xf32>
          %parallel_loop3A_335 = vector.shape_cast %parallel_loop3A_330 : vector<16xf32> to vector<1x16xf32>
          tpu.vector_store %arg18[%parallel_loop3A_331, %parallel_loop3A_332], %parallel_loop3A_335 {strides = array<i32>} : memref<40x128xf32, #tpu.memory_space<vmem>>, vector<1x16xf32>,
          %parallel_loop3A_336 = arith.index_cast %parallel_loop3A_194 : i32 to index
          %parallel_loop3A_337 = arith.constant 96 : index
          %parallel_loop3A_338 = tpu.vector_load %arg14[%parallel_loop3A_336, %parallel_loop3A_337] {strides = array<i32>} : memref<40x256xf32, #tpu.memory_space<vmem>>, vector<1x16xf32>,
          %parallel_loop3A_339 = vector.shape_cast %parallel_loop3A_338 : vector<1x16xf32> to vector<16xf32>
          %parallel_loop3A_340 = arith.index_cast %parallel_loop3A_194 : i32 to index
          %parallel_loop3A_341 = arith.constant 96 : index
          %parallel_loop3A_342 = tpu.vector_load %arg16[%parallel_loop3A_340, %parallel_loop3A_341] {strides = array<i32>} : memref<40x256xf32, #tpu.memory_space<vmem>>, vector<1x16xf32>,
          %parallel_loop3A_343 = vector.shape_cast %parallel_loop3A_342 : vector<1x16xf32> to vector<16xf32>
          %parallel_loop3A_344 = arith.addf %parallel_loop3A_339, %parallel_loop3A_343 : vector<16xf32>
          %parallel_loop3A_345 = arith.mulf %parallel_loop3A_344, %parallel_loop3A_305 : vector<16xf32>
          %parallel_loop3A_346 = arith.index_cast %parallel_loop3A_194 : i32 to index
          %parallel_loop3A_347 = arith.constant 32 : index
          %parallel_loop3A_348 = tpu.vector_load %arg18[%parallel_loop3A_346, %parallel_loop3A_347] {strides = array<i32>} : memref<40x128xf32, #tpu.memory_space<vmem>>, vector<1x16xf32>,
          %parallel_loop3A_349 = vector.shape_cast %parallel_loop3A_348 : vector<1x16xf32> to vector<16xf32>
          %parallel_loop3A_350 = vector.shape_cast %parallel_loop3A_345 : vector<16xf32> to vector<1x16xf32>
          tpu.vector_store %arg18[%parallel_loop3A_346, %parallel_loop3A_347], %parallel_loop3A_350 {strides = array<i32>} : memref<40x128xf32, #tpu.memory_space<vmem>>, vector<1x16xf32>,
          %parallel_loop3A_351 = arith.index_cast %parallel_loop3A_194 : i32 to index
          %parallel_loop3A_352 = arith.constant 112 : index
          %parallel_loop3A_353 = tpu.vector_load %arg14[%parallel_loop3A_351, %parallel_loop3A_352] {strides = array<i32>} : memref<40x256xf32, #tpu.memory_space<vmem>>, vector<1x16xf32>,
          %parallel_loop3A_354 = vector.shape_cast %parallel_loop3A_353 : vector<1x16xf32> to vector<16xf32>
          %parallel_loop3A_355 = arith.index_cast %parallel_loop3A_194 : i32 to index
          %parallel_loop3A_356 = arith.constant 112 : index
          %parallel_loop3A_357 = tpu.vector_load %arg16[%parallel_loop3A_355, %parallel_loop3A_356] {strides = array<i32>} : memref<40x256xf32, #tpu.memory_space<vmem>>, vector<1x16xf32>,
          %parallel_loop3A_358 = vector.shape_cast %parallel_loop3A_357 : vector<1x16xf32> to vector<16xf32>
          %parallel_loop3A_359 = arith.addf %parallel_loop3A_354, %parallel_loop3A_358 : vector<16xf32>
          %parallel_loop3A_360 = arith.mulf %parallel_loop3A_359, %parallel_loop3A_305 : vector<16xf32>
          %parallel_loop3A_361 = arith.index_cast %parallel_loop3A_194 : i32 to index
          %parallel_loop3A_362 = arith.constant 48 : index
          %parallel_loop3A_363 = tpu.vector_load %arg18[%parallel_loop3A_361, %parallel_loop3A_362] {strides = array<i32>} : memref<40x128xf32, #tpu.memory_space<vmem>>, vector<1x16xf32>,
          %parallel_loop3A_364 = vector.shape_cast %parallel_loop3A_363 : vector<1x16xf32> to vector<16xf32>
          %parallel_loop3A_365 = vector.shape_cast %parallel_loop3A_360 : vector<16xf32> to vector<1x16xf32>
          tpu.vector_store %arg18[%parallel_loop3A_361, %parallel_loop3A_362], %parallel_loop3A_365 {strides = array<i32>} : memref<40x128xf32, #tpu.memory_space<vmem>>, vector<1x16xf32>,
          %parallel_loop3A_366 = arith.index_cast %parallel_loop3A_194 : i32 to index
          %parallel_loop3A_367 = arith.constant 128 : index
          %parallel_loop3A_368 = tpu.vector_load %arg14[%parallel_loop3A_366, %parallel_loop3A_367] {strides = array<i32>} : memref<40x256xf32, #tpu.memory_space<vmem>>, vector<1x16xf32>,
          %parallel_loop3A_369 = vector.shape_cast %parallel_loop3A_368 : vector<1x16xf32> to vector<16xf32>
          %parallel_loop3A_370 = arith.index_cast %parallel_loop3A_194 : i32 to index
          %parallel_loop3A_371 = arith.constant 128 : index
          %parallel_loop3A_372 = tpu.vector_load %arg16[%parallel_loop3A_370, %parallel_loop3A_371] {strides = array<i32>} : memref<40x256xf32, #tpu.memory_space<vmem>>, vector<1x16xf32>,
          %parallel_loop3A_373 = vector.shape_cast %parallel_loop3A_372 : vector<1x16xf32> to vector<16xf32>
          %parallel_loop3A_374 = arith.addf %parallel_loop3A_369, %parallel_loop3A_373 : vector<16xf32>
          %parallel_loop3A_375 = arith.mulf %parallel_loop3A_374, %parallel_loop3A_305 : vector<16xf32>
          %parallel_loop3A_376 = arith.index_cast %parallel_loop3A_194 : i32 to index
          %parallel_loop3A_377 = arith.constant 64 : index
          %parallel_loop3A_378 = tpu.vector_load %arg18[%parallel_loop3A_376, %parallel_loop3A_377] {strides = array<i32>} : memref<40x128xf32, #tpu.memory_space<vmem>>, vector<1x16xf32>,
          %parallel_loop3A_379 = vector.shape_cast %parallel_loop3A_378 : vector<1x16xf32> to vector<16xf32>
          %parallel_loop3A_380 = vector.shape_cast %parallel_loop3A_375 : vector<16xf32> to vector<1x16xf32>
          tpu.vector_store %arg18[%parallel_loop3A_376, %parallel_loop3A_377], %parallel_loop3A_380 {strides = array<i32>} : memref<40x128xf32, #tpu.memory_space<vmem>>, vector<1x16xf32>,
          %parallel_loop3A_381 = arith.index_cast %parallel_loop3A_194 : i32 to index
          %parallel_loop3A_382 = arith.constant 144 : index
          %parallel_loop3A_383 = tpu.vector_load %arg14[%parallel_loop3A_381, %parallel_loop3A_382] {strides = array<i32>} : memref<40x256xf32, #tpu.memory_space<vmem>>, vector<1x16xf32>,
          %parallel_loop3A_384 = vector.shape_cast %parallel_loop3A_383 : vector<1x16xf32> to vector<16xf32>
          %parallel_loop3A_385 = arith.index_cast %parallel_loop3A_194 : i32 to index
          %parallel_loop3A_386 = arith.constant 144 : index
          %parallel_loop3A_387 = tpu.vector_load %arg16[%parallel_loop3A_385, %parallel_loop3A_386] {strides = array<i32>} : memref<40x256xf32, #tpu.memory_space<vmem>>, vector<1x16xf32>,
          %parallel_loop3A_388 = vector.shape_cast %parallel_loop3A_387 : vector<1x16xf32> to vector<16xf32>
          %parallel_loop3A_389 = arith.addf %parallel_loop3A_384, %parallel_loop3A_388 : vector<16xf32>
          %parallel_loop3A_390 = arith.mulf %parallel_loop3A_389, %parallel_loop3A_305 : vector<16xf32>
          %parallel_loop3A_391 = arith.index_cast %parallel_loop3A_194 : i32 to index
          %parallel_loop3A_392 = arith.constant 80 : index
          %parallel_loop3A_393 = tpu.vector_load %arg18[%parallel_loop3A_391, %parallel_loop3A_392] {strides = array<i32>} : memref<40x128xf32, #tpu.memory_space<vmem>>, vector<1x16xf32>,
          %parallel_loop3A_394 = vector.shape_cast %parallel_loop3A_393 : vector<1x16xf32> to vector<16xf32>
          %parallel_loop3A_395 = vector.shape_cast %parallel_loop3A_390 : vector<16xf32> to vector<1x16xf32>
          tpu.vector_store %arg18[%parallel_loop3A_391, %parallel_loop3A_392], %parallel_loop3A_395 {strides = array<i32>} : memref<40x128xf32, #tpu.memory_space<vmem>>, vector<1x16xf32>,
          %parallel_loop3A_396 = arith.index_cast %parallel_loop3A_194 : i32 to index
          %parallel_loop3A_397 = arith.constant 160 : index
          %parallel_loop3A_398 = tpu.vector_load %arg14[%parallel_loop3A_396, %parallel_loop3A_397] {strides = array<i32>} : memref<40x256xf32, #tpu.memory_space<vmem>>, vector<1x16xf32>,
          %parallel_loop3A_399 = vector.shape_cast %parallel_loop3A_398 : vector<1x16xf32> to vector<16xf32>
          %parallel_loop3A_400 = arith.index_cast %parallel_loop3A_194 : i32 to index
          %parallel_loop3A_401 = arith.constant 160 : index
          %parallel_loop3A_402 = tpu.vector_load %arg16[%parallel_loop3A_400, %parallel_loop3A_401] {strides = array<i32>} : memref<40x256xf32, #tpu.memory_space<vmem>>, vector<1x16xf32>,
          %parallel_loop3A_403 = vector.shape_cast %parallel_loop3A_402 : vector<1x16xf32> to vector<16xf32>
          %parallel_loop3A_404 = arith.addf %parallel_loop3A_399, %parallel_loop3A_403 : vector<16xf32>
          %parallel_loop3A_405 = arith.mulf %parallel_loop3A_404, %parallel_loop3A_305 : vector<16xf32>
          %parallel_loop3A_406 = arith.index_cast %parallel_loop3A_194 : i32 to index
          %parallel_loop3A_407 = arith.constant 96 : index
          %parallel_loop3A_408 = tpu.vector_load %arg18[%parallel_loop3A_406, %parallel_loop3A_407] {strides = array<i32>} : memref<40x128xf32, #tpu.memory_space<vmem>>, vector<1x16xf32>,
          %parallel_loop3A_409 = vector.shape_cast %parallel_loop3A_408 : vector<1x16xf32> to vector<16xf32>
          %parallel_loop3A_410 = vector.shape_cast %parallel_loop3A_405 : vector<16xf32> to vector<1x16xf32>
          tpu.vector_store %arg18[%parallel_loop3A_406, %parallel_loop3A_407], %parallel_loop3A_410 {strides = array<i32>} : memref<40x128xf32, #tpu.memory_space<vmem>>, vector<1x16xf32>,
          %parallel_loop3A_411 = arith.index_cast %parallel_loop3A_194 : i32 to index
          %parallel_loop3A_412 = arith.constant 176 : index
          %parallel_loop3A_413 = tpu.vector_load %arg14[%parallel_loop3A_411, %parallel_loop3A_412] {strides = array<i32>} : memref<40x256xf32, #tpu.memory_space<vmem>>, vector<1x16xf32>,
          %parallel_loop3A_414 = vector.shape_cast %parallel_loop3A_413 : vector<1x16xf32> to vector<16xf32>
          %parallel_loop3A_415 = arith.index_cast %parallel_loop3A_194 : i32 to index
          %parallel_loop3A_416 = arith.constant 176 : index
          %parallel_loop3A_417 = tpu.vector_load %arg16[%parallel_loop3A_415, %parallel_loop3A_416] {strides = array<i32>} : memref<40x256xf32, #tpu.memory_space<vmem>>, vector<1x16xf32>,
          %parallel_loop3A_418 = vector.shape_cast %parallel_loop3A_417 : vector<1x16xf32> to vector<16xf32>
          %parallel_loop3A_419 = arith.addf %parallel_loop3A_414, %parallel_loop3A_418 : vector<16xf32>
          %parallel_loop3A_420 = arith.mulf %parallel_loop3A_419, %parallel_loop3A_305 : vector<16xf32>
          %parallel_loop3A_421 = arith.index_cast %parallel_loop3A_194 : i32 to index
          %parallel_loop3A_422 = arith.constant 112 : index
          %parallel_loop3A_423 = tpu.vector_load %arg18[%parallel_loop3A_421, %parallel_loop3A_422] {strides = array<i32>} : memref<40x128xf32, #tpu.memory_space<vmem>>, vector<1x16xf32>,
          %parallel_loop3A_424 = vector.shape_cast %parallel_loop3A_423 : vector<1x16xf32> to vector<16xf32>
          %parallel_loop3A_425 = vector.shape_cast %parallel_loop3A_420 : vector<16xf32> to vector<1x16xf32>
          tpu.vector_store %arg18[%parallel_loop3A_421, %parallel_loop3A_422], %parallel_loop3A_425 {strides = array<i32>} : memref<40x128xf32, #tpu.memory_space<vmem>>, vector<1x16xf32>,
        } {sc.loop_unroll_factor = 8 : i64, sc.parallel_access}
        %dma_start3A_149 = tpu.memref_slice %arg13[%add3A_110] : memref<800xi32, #tpu.memory_space<vmem>> -> memref<40xi32, #tpu.memory_space<vmem>>
        %dma_start3A_150 = arith.constant 0 : i32
        %dma_start3A_151 = arith.constant 0 : i32
        %dma_start3A_152 = tpu.memref_slice %arg21[%dma_start3A_150, %dma_start3A_151] : memref<10000x128xf32, #tpu.memory_space<vmem_shared>> -> memref<10000x128xf32, #tpu.memory_space<vmem_shared>>
        tpu.enqueue_indirect_dma source(%arg18 : memref<40x128xf32, #tpu.memory_space<vmem>>) target(%dma_start3A_152 : memref<10000x128xf32, #tpu.memory_space<vmem_shared>>) offsets(%dma_start3A_149 : memref<40xi32, #tpu.memory_space<vmem>>) semaphore(%arg29 : memref<!tpu.dma_semaphore, #tpu.memory_space<semaphore_mem>>) {add = true}
        %lt3A_153 = arith.constant 4 : i32
        %lt3A_154 = arith.cmpi slt, %scan3A_105, %lt3A_153 : i32
        %convert_element_type3A_155 = arith.extui %lt3A_154 : i1 to i32
        %cond3A_156 = arith.constant 0 : i32
        %cond3A_157 = arith.cmpi ne, %convert_element_type3A_155, %cond3A_156 : i32
        scf.if %cond3A_157 {
          %add3A_194 = arith.constant 80 : i32
          %add3A_195 = arith.addi %add3A_110, %add3A_194 : i32
          %dma_start3A_196 = tpu.memref_slice %arg11[%add3A_195] : memref<800xi32, #tpu.memory_space<vmem>> -> memref<40xi32, #tpu.memory_space<vmem>>
          %dma_start3A_197 = arith.constant 0 : i32
          %dma_start3A_198 = arith.constant 0 : i32
          %dma_start3A_199 = tpu.memref_slice %arg2[%dma_start3A_197, %dma_start3A_198] : memref<10000x256xf32, #tpu.memory_space<hbm>> -> memref<10000x256xf32, #tpu.memory_space<hbm>>
          tpu.enqueue_indirect_dma source(%dma_start3A_199 : memref<10000x256xf32, #tpu.memory_space<hbm>>) target(%arg14 : memref<40x256xf32, #tpu.memory_space<vmem>>) offsets(%dma_start3A_196 : memref<40xi32, #tpu.memory_space<vmem>>) semaphore(%arg22 : memref<!tpu.dma_semaphore, #tpu.memory_space<semaphore_mem>>)
          %dma_start3A_200 = tpu.memref_slice %arg12[%add3A_195] : memref<800xi32, #tpu.memory_space<vmem>> -> memref<40xi32, #tpu.memory_space<vmem>>
          %dma_start3A_201 = arith.constant 0 : i32
          %dma_start3A_202 = arith.constant 0 : i32
          %dma_start3A_203 = tpu.memref_slice %arg3[%dma_start3A_201, %dma_start3A_202] : memref<6432x256xf32, #tpu.memory_space<hbm>> -> memref<6432x256xf32, #tpu.memory_space<hbm>>
          tpu.enqueue_indirect_dma source(%dma_start3A_203 : memref<6432x256xf32, #tpu.memory_space<hbm>>) target(%arg16 : memref<40x256xf32, #tpu.memory_space<vmem>>) offsets(%dma_start3A_200 : memref<40xi32, #tpu.memory_space<vmem>>) semaphore(%arg24 : memref<!tpu.dma_semaphore, #tpu.memory_space<semaphore_mem>>)
        } else {
        }
        %add3A_158 = arith.constant 40 : i32
        %add3A_159 = arith.addi %add3A_110, %add3A_158 : i32
        %dma_wait3A_160 = tpu.memref_slice %arg11[%add3A_159] : memref<800xi32, #tpu.memory_space<vmem>> -> memref<40xi32, #tpu.memory_space<vmem>>
        %dma_wait3A_161 = arith.constant 0 : i32
        %dma_wait3A_162 = arith.constant 0 : i32
        %dma_wait3A_163 = tpu.memref_slice %arg2[%dma_wait3A_161, %dma_wait3A_162] : memref<10000x256xf32, #tpu.memory_space<hbm>> -> memref<10000x256xf32, #tpu.memory_space<hbm>>
        tpu.wait_indirect_dma semaphore(%arg23 : memref<!tpu.dma_semaphore, #tpu.memory_space<semaphore_mem>>) src(%dma_wait3A_163 : memref<10000x256xf32, #tpu.memory_space<hbm>>) dst(%arg15 : memref<40x256xf32, #tpu.memory_space<vmem>>)
        %dma_wait3A_164 = tpu.memref_slice %arg12[%add3A_159] : memref<800xi32, #tpu.memory_space<vmem>> -> memref<40xi32, #tpu.memory_space<vmem>>
        %dma_wait3A_165 = arith.constant 0 : i32
        %dma_wait3A_166 = arith.constant 0 : i32
        %dma_wait3A_167 = tpu.memref_slice %arg3[%dma_wait3A_165, %dma_wait3A_166] : memref<6432x256xf32, #tpu.memory_space<hbm>> -> memref<6432x256xf32, #tpu.memory_space<hbm>>
        tpu.wait_indirect_dma semaphore(%arg25 : memref<!tpu.dma_semaphore, #tpu.memory_space<semaphore_mem>>) src(%dma_wait3A_167 : memref<6432x256xf32, #tpu.memory_space<hbm>>) dst(%arg17 : memref<40x256xf32, #tpu.memory_space<vmem>>)
        %dma_wait3A_168 = tpu.memref_slice %arg13[%add3A_159] : memref<800xi32, #tpu.memory_space<vmem>> -> memref<40xi32, #tpu.memory_space<vmem>>
        %dma_wait3A_169 = arith.constant 0 : i32
        %dma_wait3A_170 = arith.constant 0 : i32
        %dma_wait3A_171 = tpu.memref_slice %arg21[%dma_wait3A_169, %dma_wait3A_170] : memref<10000x128xf32, #tpu.memory_space<vmem_shared>> -> memref<10000x128xf32, #tpu.memory_space<vmem_shared>>
        tpu.wait_indirect_dma semaphore(%arg29 : memref<!tpu.dma_semaphore, #tpu.memory_space<semaphore_mem>>) src(%arg18 : memref<40x128xf32, #tpu.memory_space<vmem>>) dst(%dma_wait3A_171 : memref<10000x128xf32, #tpu.memory_space<vmem_shared>>)
        %get3A_172 = arith.constant 0 : index
        %get3A_173 = tpu.vector_load %arg19[%get3A_172] {strides = array<i32>} : memref<64xf32, #tpu.memory_space<vmem>>, vector<16xf32>,
        %get3A_174 = vector.shape_cast %get3A_173 : vector<16xf32> to vector<16xf32>
        %get3A_175 = arith.constant 16 : index
        %get3A_176 = tpu.vector_load %arg19[%get3A_175] {strides = array<i32>} : memref<64xf32, #tpu.memory_space<vmem>>, vector<16xf32>,
        %get3A_177 = vector.shape_cast %get3A_176 : vector<16xf32> to vector<16xf32>
        %get3A_178 = arith.constant 32 : index
        %get3A_179 = tpu.vector_load %arg19[%get3A_178] {strides = array<i32>} : memref<64xf32, #tpu.memory_space<vmem>>, vector<16xf32>,
        %get3A_180 = vector.shape_cast %get3A_179 : vector<16xf32> to vector<16xf32>
        %get3A_181 = arith.constant 48 : index
        %get3A_182 = tpu.vector_load %arg19[%get3A_181] {strides = array<i32>} : memref<64xf32, #tpu.memory_space<vmem>>, vector<16xf32>,
        %get3A_183 = vector.shape_cast %get3A_182 : vector<16xf32> to vector<16xf32>
        %get3A_184 = arith.constant 0 : index
        %get3A_185 = tpu.vector_load %arg20[%get3A_184] {strides = array<i32>} : memref<16xf32, #tpu.memory_space<vmem>>, vector<16xf32>,
        %get3A_186 = vector.shape_cast %get3A_185 : vector<16xf32> to vector<16xf32>
        %parallel_loop3A_187 = arith.constant 0 : i32
        %parallel_loop3A_188 = arith.constant 40 : i32
        %parallel_loop3A_189 = arith.constant 1 : i32
        scf.for %parallel_loop3A_194 = %parallel_loop3A_187 to %parallel_loop3A_188 step %parallel_loop3A_189  : i32 {
          %parallel_loop3A_195 = arith.index_cast %parallel_loop3A_194 : i32 to index
          %parallel_loop3A_196 = arith.constant 0 : index
          %parallel_loop3A_197 = tpu.vector_load %arg15[%parallel_loop3A_195, %parallel_loop3A_196] {strides = array<i32>} : memref<40x256xf32, #tpu.memory_space<vmem>>, vector<1x16xf32>,
          %parallel_loop3A_198 = vector.shape_cast %parallel_loop3A_197 : vector<1x16xf32> to vector<16xf32>
          %parallel_loop3A_199 = arith.index_cast %parallel_loop3A_194 : i32 to index
          %parallel_loop3A_200 = arith.constant 0 : index
          %parallel_loop3A_201 = tpu.vector_load %arg17[%parallel_loop3A_199, %parallel_loop3A_200] {strides = array<i32>} : memref<40x256xf32, #tpu.memory_space<vmem>>, vector<1x16xf32>,
          %parallel_loop3A_202 = vector.shape_cast %parallel_loop3A_201 : vector<1x16xf32> to vector<16xf32>
          %parallel_loop3A_203 = arith.addf %parallel_loop3A_198, %parallel_loop3A_202 : vector<16xf32>
          %parallel_loop3A_204 = arith.constant 0.000000e+00 : f32
          %parallel_loop3A_205 = vector.broadcast %parallel_loop3A_204 : f32 to vector<16xf32>
          %parallel_loop3A_206 = arith.cmpf oge, %parallel_loop3A_203, %parallel_loop3A_205 : vector<16xf32>
          %parallel_loop3A_207 = arith.constant 0.229166672 : f32
          %parallel_loop3A_208 = vector.broadcast %parallel_loop3A_207 : f32 to vector<16xf32>
          %parallel_loop3A_209 = arith.mulf %parallel_loop3A_203, %parallel_loop3A_208 : vector<16xf32>
          %parallel_loop3A_210 = arith.select %parallel_loop3A_206, %parallel_loop3A_203, %parallel_loop3A_209 : vector<16xi1>, vector<16xf32>
          %parallel_loop3A_211 = arith.mulf %parallel_loop3A_210, %get3A_174 : vector<16xf32>
          %parallel_loop3A_212 = arith.index_cast %parallel_loop3A_194 : i32 to index
          %parallel_loop3A_213 = arith.constant 16 : index
          %parallel_loop3A_214 = tpu.vector_load %arg15[%parallel_loop3A_212, %parallel_loop3A_213] {strides = array<i32>} : memref<40x256xf32, #tpu.memory_space<vmem>>, vector<1x16xf32>,
          %parallel_loop3A_215 = vector.shape_cast %parallel_loop3A_214 : vector<1x16xf32> to vector<16xf32>
          %parallel_loop3A_216 = arith.index_cast %parallel_loop3A_194 : i32 to index
          %parallel_loop3A_217 = arith.constant 16 : index
          %parallel_loop3A_218 = tpu.vector_load %arg17[%parallel_loop3A_216, %parallel_loop3A_217] {strides = array<i32>} : memref<40x256xf32, #tpu.memory_space<vmem>>, vector<1x16xf32>,
          %parallel_loop3A_219 = vector.shape_cast %parallel_loop3A_218 : vector<1x16xf32> to vector<16xf32>
          %parallel_loop3A_220 = arith.addf %parallel_loop3A_215, %parallel_loop3A_219 : vector<16xf32>
          %parallel_loop3A_221 = arith.constant 0.000000e+00 : f32
          %parallel_loop3A_222 = vector.broadcast %parallel_loop3A_221 : f32 to vector<16xf32>
          %parallel_loop3A_223 = arith.cmpf oge, %parallel_loop3A_220, %parallel_loop3A_222 : vector<16xf32>
          %parallel_loop3A_224 = arith.constant 0.229166672 : f32
          %parallel_loop3A_225 = vector.broadcast %parallel_loop3A_224 : f32 to vector<16xf32>
          %parallel_loop3A_226 = arith.mulf %parallel_loop3A_220, %parallel_loop3A_225 : vector<16xf32>
          %parallel_loop3A_227 = arith.select %parallel_loop3A_223, %parallel_loop3A_220, %parallel_loop3A_226 : vector<16xi1>, vector<16xf32>
          %parallel_loop3A_228 = arith.mulf %parallel_loop3A_227, %get3A_177 : vector<16xf32>
          %parallel_loop3A_229 = arith.addf %parallel_loop3A_211, %parallel_loop3A_228 : vector<16xf32>
          %parallel_loop3A_230 = arith.index_cast %parallel_loop3A_194 : i32 to index
          %parallel_loop3A_231 = arith.constant 32 : index
          %parallel_loop3A_232 = tpu.vector_load %arg15[%parallel_loop3A_230, %parallel_loop3A_231] {strides = array<i32>} : memref<40x256xf32, #tpu.memory_space<vmem>>, vector<1x16xf32>,
          %parallel_loop3A_233 = vector.shape_cast %parallel_loop3A_232 : vector<1x16xf32> to vector<16xf32>
          %parallel_loop3A_234 = arith.index_cast %parallel_loop3A_194 : i32 to index
          %parallel_loop3A_235 = arith.constant 32 : index
          %parallel_loop3A_236 = tpu.vector_load %arg17[%parallel_loop3A_234, %parallel_loop3A_235] {strides = array<i32>} : memref<40x256xf32, #tpu.memory_space<vmem>>, vector<1x16xf32>,
          %parallel_loop3A_237 = vector.shape_cast %parallel_loop3A_236 : vector<1x16xf32> to vector<16xf32>
          %parallel_loop3A_238 = arith.addf %parallel_loop3A_233, %parallel_loop3A_237 : vector<16xf32>
          %parallel_loop3A_239 = arith.constant 0.000000e+00 : f32
          %parallel_loop3A_240 = vector.broadcast %parallel_loop3A_239 : f32 to vector<16xf32>
          %parallel_loop3A_241 = arith.cmpf oge, %parallel_loop3A_238, %parallel_loop3A_240 : vector<16xf32>
          %parallel_loop3A_242 = arith.constant 0.229166672 : f32
          %parallel_loop3A_243 = vector.broadcast %parallel_loop3A_242 : f32 to vector<16xf32>
          %parallel_loop3A_244 = arith.mulf %parallel_loop3A_238, %parallel_loop3A_243 : vector<16xf32>
          %parallel_loop3A_245 = arith.select %parallel_loop3A_241, %parallel_loop3A_238, %parallel_loop3A_244 : vector<16xi1>, vector<16xf32>
          %parallel_loop3A_246 = arith.mulf %parallel_loop3A_245, %get3A_180 : vector<16xf32>
          %parallel_loop3A_247 = arith.addf %parallel_loop3A_229, %parallel_loop3A_246 : vector<16xf32>
          %parallel_loop3A_248 = arith.index_cast %parallel_loop3A_194 : i32 to index
          %parallel_loop3A_249 = arith.constant 48 : index
          %parallel_loop3A_250 = tpu.vector_load %arg15[%parallel_loop3A_248, %parallel_loop3A_249] {strides = array<i32>} : memref<40x256xf32, #tpu.memory_space<vmem>>, vector<1x16xf32>,
          %parallel_loop3A_251 = vector.shape_cast %parallel_loop3A_250 : vector<1x16xf32> to vector<16xf32>
          %parallel_loop3A_252 = arith.index_cast %parallel_loop3A_194 : i32 to index
          %parallel_loop3A_253 = arith.constant 48 : index
          %parallel_loop3A_254 = tpu.vector_load %arg17[%parallel_loop3A_252, %parallel_loop3A_253] {strides = array<i32>} : memref<40x256xf32, #tpu.memory_space<vmem>>, vector<1x16xf32>,
          %parallel_loop3A_255 = vector.shape_cast %parallel_loop3A_254 : vector<1x16xf32> to vector<16xf32>
          %parallel_loop3A_256 = arith.addf %parallel_loop3A_251, %parallel_loop3A_255 : vector<16xf32>
          %parallel_loop3A_257 = arith.constant 0.000000e+00 : f32
          %parallel_loop3A_258 = vector.broadcast %parallel_loop3A_257 : f32 to vector<16xf32>
          %parallel_loop3A_259 = arith.cmpf oge, %parallel_loop3A_256, %parallel_loop3A_258 : vector<16xf32>
          %parallel_loop3A_260 = arith.constant 0.229166672 : f32
          %parallel_loop3A_261 = vector.broadcast %parallel_loop3A_260 : f32 to vector<16xf32>
          %parallel_loop3A_262 = arith.mulf %parallel_loop3A_256, %parallel_loop3A_261 : vector<16xf32>
          %parallel_loop3A_263 = arith.select %parallel_loop3A_259, %parallel_loop3A_256, %parallel_loop3A_262 : vector<16xi1>, vector<16xf32>
          %parallel_loop3A_264 = arith.mulf %parallel_loop3A_263, %get3A_183 : vector<16xf32>
          %parallel_loop3A_265 = arith.addf %parallel_loop3A_247, %parallel_loop3A_264 : vector<16xf32>
          %parallel_loop3A_266 = tpu.iota {dimensions = array<i32: 0>} : vector<16xi32>
          %parallel_loop3A_267 = arith.constant 8 : i32
          %parallel_loop3A_268 = vector.broadcast %parallel_loop3A_267 : i32 to vector<16xi32>
          %parallel_loop3A_269 = arith.xori %parallel_loop3A_266, %parallel_loop3A_268 : vector<16xi32>
          %parallel_loop3A_270 = vector.shape_cast %parallel_loop3A_269 : vector<16xi32> to vector<16x1xi32>
          %parallel_loop3A_271 = vector.shape_cast %parallel_loop3A_270 : vector<16x1xi32> to vector<16xi32>
          %parallel_loop3A_272 = tpu.dynamic_gather %parallel_loop3A_265[%parallel_loop3A_271] in [0] : vector<16xf32>, vector<16xi32> -> vector<16xf32>
          %parallel_loop3A_273 = arith.addf %parallel_loop3A_265, %parallel_loop3A_272 : vector<16xf32>
          %parallel_loop3A_274 = arith.constant 4 : i32
          %parallel_loop3A_275 = vector.broadcast %parallel_loop3A_274 : i32 to vector<16xi32>
          %parallel_loop3A_276 = arith.xori %parallel_loop3A_266, %parallel_loop3A_275 : vector<16xi32>
          %parallel_loop3A_277 = vector.shape_cast %parallel_loop3A_276 : vector<16xi32> to vector<16x1xi32>
          %parallel_loop3A_278 = vector.shape_cast %parallel_loop3A_277 : vector<16x1xi32> to vector<16xi32>
          %parallel_loop3A_279 = tpu.dynamic_gather %parallel_loop3A_273[%parallel_loop3A_278] in [0] : vector<16xf32>, vector<16xi32> -> vector<16xf32>
          %parallel_loop3A_280 = arith.addf %parallel_loop3A_273, %parallel_loop3A_279 : vector<16xf32>
          %parallel_loop3A_281 = arith.constant 2 : i32
          %parallel_loop3A_282 = vector.broadcast %parallel_loop3A_281 : i32 to vector<16xi32>
          %parallel_loop3A_283 = arith.xori %parallel_loop3A_266, %parallel_loop3A_282 : vector<16xi32>
          %parallel_loop3A_284 = vector.shape_cast %parallel_loop3A_283 : vector<16xi32> to vector<16x1xi32>
          %parallel_loop3A_285 = vector.shape_cast %parallel_loop3A_284 : vector<16x1xi32> to vector<16xi32>
          %parallel_loop3A_286 = tpu.dynamic_gather %parallel_loop3A_280[%parallel_loop3A_285] in [0] : vector<16xf32>, vector<16xi32> -> vector<16xf32>
          %parallel_loop3A_287 = arith.addf %parallel_loop3A_280, %parallel_loop3A_286 : vector<16xf32>
          %parallel_loop3A_288 = arith.constant 1 : i32
          %parallel_loop3A_289 = vector.broadcast %parallel_loop3A_288 : i32 to vector<16xi32>
          %parallel_loop3A_290 = arith.xori %parallel_loop3A_266, %parallel_loop3A_289 : vector<16xi32>
          %parallel_loop3A_291 = vector.shape_cast %parallel_loop3A_290 : vector<16xi32> to vector<16x1xi32>
          %parallel_loop3A_292 = vector.shape_cast %parallel_loop3A_291 : vector<16x1xi32> to vector<16xi32>
          %parallel_loop3A_293 = tpu.dynamic_gather %parallel_loop3A_287[%parallel_loop3A_292] in [0] : vector<16xf32>, vector<16xi32> -> vector<16xf32>
          %parallel_loop3A_294 = arith.addf %parallel_loop3A_287, %parallel_loop3A_293 : vector<16xf32>
          %parallel_loop3A_295 = arith.addf %parallel_loop3A_294, %get3A_186 : vector<16xf32>
          %parallel_loop3A_296 = arith.constant 0.000000e+00 : f32
          %parallel_loop3A_297 = vector.broadcast %parallel_loop3A_296 : f32 to vector<16xf32>
          %parallel_loop3A_298 = arith.subf %parallel_loop3A_297, %parallel_loop3A_295 : vector<16xf32>
          %parallel_loop3A_299 = math.exp %parallel_loop3A_298 : vector<16xf32>
          %parallel_loop3A_300 = arith.constant 1.000000e+00 : f32
          %parallel_loop3A_301 = vector.broadcast %parallel_loop3A_300 : f32 to vector<16xf32>
          %parallel_loop3A_302 = arith.addf %parallel_loop3A_301, %parallel_loop3A_299 : vector<16xf32>
          %parallel_loop3A_303 = arith.constant 1.000000e+00 : f32
          %parallel_loop3A_304 = vector.broadcast %parallel_loop3A_303 : f32 to vector<16xf32>
          %parallel_loop3A_305 = arith.divf %parallel_loop3A_304, %parallel_loop3A_302 : vector<16xf32>
          %parallel_loop3A_306 = arith.index_cast %parallel_loop3A_194 : i32 to index
          %parallel_loop3A_307 = arith.constant 64 : index
          %parallel_loop3A_308 = tpu.vector_load %arg15[%parallel_loop3A_306, %parallel_loop3A_307] {strides = array<i32>} : memref<40x256xf32, #tpu.memory_space<vmem>>, vector<1x16xf32>,
          %parallel_loop3A_309 = vector.shape_cast %parallel_loop3A_308 : vector<1x16xf32> to vector<16xf32>
          %parallel_loop3A_310 = arith.index_cast %parallel_loop3A_194 : i32 to index
          %parallel_loop3A_311 = arith.constant 64 : index
          %parallel_loop3A_312 = tpu.vector_load %arg17[%parallel_loop3A_310, %parallel_loop3A_311] {strides = array<i32>} : memref<40x256xf32, #tpu.memory_space<vmem>>, vector<1x16xf32>,
          %parallel_loop3A_313 = vector.shape_cast %parallel_loop3A_312 : vector<1x16xf32> to vector<16xf32>
          %parallel_loop3A_314 = arith.addf %parallel_loop3A_309, %parallel_loop3A_313 : vector<16xf32>
          %parallel_loop3A_315 = arith.mulf %parallel_loop3A_314, %parallel_loop3A_305 : vector<16xf32>
          %parallel_loop3A_316 = arith.index_cast %parallel_loop3A_194 : i32 to index
          %parallel_loop3A_317 = arith.constant 0 : index
          %parallel_loop3A_318 = tpu.vector_load %arg18[%parallel_loop3A_316, %parallel_loop3A_317] {strides = array<i32>} : memref<40x128xf32, #tpu.memory_space<vmem>>, vector<1x16xf32>,
          %parallel_loop3A_319 = vector.shape_cast %parallel_loop3A_318 : vector<1x16xf32> to vector<16xf32>
          %parallel_loop3A_320 = vector.shape_cast %parallel_loop3A_315 : vector<16xf32> to vector<1x16xf32>
          tpu.vector_store %arg18[%parallel_loop3A_316, %parallel_loop3A_317], %parallel_loop3A_320 {strides = array<i32>} : memref<40x128xf32, #tpu.memory_space<vmem>>, vector<1x16xf32>,
          %parallel_loop3A_321 = arith.index_cast %parallel_loop3A_194 : i32 to index
          %parallel_loop3A_322 = arith.constant 80 : index
          %parallel_loop3A_323 = tpu.vector_load %arg15[%parallel_loop3A_321, %parallel_loop3A_322] {strides = array<i32>} : memref<40x256xf32, #tpu.memory_space<vmem>>, vector<1x16xf32>,
          %parallel_loop3A_324 = vector.shape_cast %parallel_loop3A_323 : vector<1x16xf32> to vector<16xf32>
          %parallel_loop3A_325 = arith.index_cast %parallel_loop3A_194 : i32 to index
          %parallel_loop3A_326 = arith.constant 80 : index
          %parallel_loop3A_327 = tpu.vector_load %arg17[%parallel_loop3A_325, %parallel_loop3A_326] {strides = array<i32>} : memref<40x256xf32, #tpu.memory_space<vmem>>, vector<1x16xf32>,
          %parallel_loop3A_328 = vector.shape_cast %parallel_loop3A_327 : vector<1x16xf32> to vector<16xf32>
          %parallel_loop3A_329 = arith.addf %parallel_loop3A_324, %parallel_loop3A_328 : vector<16xf32>
          %parallel_loop3A_330 = arith.mulf %parallel_loop3A_329, %parallel_loop3A_305 : vector<16xf32>
          %parallel_loop3A_331 = arith.index_cast %parallel_loop3A_194 : i32 to index
          %parallel_loop3A_332 = arith.constant 16 : index
          %parallel_loop3A_333 = tpu.vector_load %arg18[%parallel_loop3A_331, %parallel_loop3A_332] {strides = array<i32>} : memref<40x128xf32, #tpu.memory_space<vmem>>, vector<1x16xf32>,
          %parallel_loop3A_334 = vector.shape_cast %parallel_loop3A_333 : vector<1x16xf32> to vector<16xf32>
          %parallel_loop3A_335 = vector.shape_cast %parallel_loop3A_330 : vector<16xf32> to vector<1x16xf32>
          tpu.vector_store %arg18[%parallel_loop3A_331, %parallel_loop3A_332], %parallel_loop3A_335 {strides = array<i32>} : memref<40x128xf32, #tpu.memory_space<vmem>>, vector<1x16xf32>,
          %parallel_loop3A_336 = arith.index_cast %parallel_loop3A_194 : i32 to index
          %parallel_loop3A_337 = arith.constant 96 : index
          %parallel_loop3A_338 = tpu.vector_load %arg15[%parallel_loop3A_336, %parallel_loop3A_337] {strides = array<i32>} : memref<40x256xf32, #tpu.memory_space<vmem>>, vector<1x16xf32>,
          %parallel_loop3A_339 = vector.shape_cast %parallel_loop3A_338 : vector<1x16xf32> to vector<16xf32>
          %parallel_loop3A_340 = arith.index_cast %parallel_loop3A_194 : i32 to index
          %parallel_loop3A_341 = arith.constant 96 : index
          %parallel_loop3A_342 = tpu.vector_load %arg17[%parallel_loop3A_340, %parallel_loop3A_341] {strides = array<i32>} : memref<40x256xf32, #tpu.memory_space<vmem>>, vector<1x16xf32>,
          %parallel_loop3A_343 = vector.shape_cast %parallel_loop3A_342 : vector<1x16xf32> to vector<16xf32>
          %parallel_loop3A_344 = arith.addf %parallel_loop3A_339, %parallel_loop3A_343 : vector<16xf32>
          %parallel_loop3A_345 = arith.mulf %parallel_loop3A_344, %parallel_loop3A_305 : vector<16xf32>
          %parallel_loop3A_346 = arith.index_cast %parallel_loop3A_194 : i32 to index
          %parallel_loop3A_347 = arith.constant 32 : index
          %parallel_loop3A_348 = tpu.vector_load %arg18[%parallel_loop3A_346, %parallel_loop3A_347] {strides = array<i32>} : memref<40x128xf32, #tpu.memory_space<vmem>>, vector<1x16xf32>,
          %parallel_loop3A_349 = vector.shape_cast %parallel_loop3A_348 : vector<1x16xf32> to vector<16xf32>
          %parallel_loop3A_350 = vector.shape_cast %parallel_loop3A_345 : vector<16xf32> to vector<1x16xf32>
          tpu.vector_store %arg18[%parallel_loop3A_346, %parallel_loop3A_347], %parallel_loop3A_350 {strides = array<i32>} : memref<40x128xf32, #tpu.memory_space<vmem>>, vector<1x16xf32>,
          %parallel_loop3A_351 = arith.index_cast %parallel_loop3A_194 : i32 to index
          %parallel_loop3A_352 = arith.constant 112 : index
          %parallel_loop3A_353 = tpu.vector_load %arg15[%parallel_loop3A_351, %parallel_loop3A_352] {strides = array<i32>} : memref<40x256xf32, #tpu.memory_space<vmem>>, vector<1x16xf32>,
          %parallel_loop3A_354 = vector.shape_cast %parallel_loop3A_353 : vector<1x16xf32> to vector<16xf32>
          %parallel_loop3A_355 = arith.index_cast %parallel_loop3A_194 : i32 to index
          %parallel_loop3A_356 = arith.constant 112 : index
          %parallel_loop3A_357 = tpu.vector_load %arg17[%parallel_loop3A_355, %parallel_loop3A_356] {strides = array<i32>} : memref<40x256xf32, #tpu.memory_space<vmem>>, vector<1x16xf32>,
          %parallel_loop3A_358 = vector.shape_cast %parallel_loop3A_357 : vector<1x16xf32> to vector<16xf32>
          %parallel_loop3A_359 = arith.addf %parallel_loop3A_354, %parallel_loop3A_358 : vector<16xf32>
          %parallel_loop3A_360 = arith.mulf %parallel_loop3A_359, %parallel_loop3A_305 : vector<16xf32>
          %parallel_loop3A_361 = arith.index_cast %parallel_loop3A_194 : i32 to index
          %parallel_loop3A_362 = arith.constant 48 : index
          %parallel_loop3A_363 = tpu.vector_load %arg18[%parallel_loop3A_361, %parallel_loop3A_362] {strides = array<i32>} : memref<40x128xf32, #tpu.memory_space<vmem>>, vector<1x16xf32>,
          %parallel_loop3A_364 = vector.shape_cast %parallel_loop3A_363 : vector<1x16xf32> to vector<16xf32>
          %parallel_loop3A_365 = vector.shape_cast %parallel_loop3A_360 : vector<16xf32> to vector<1x16xf32>
          tpu.vector_store %arg18[%parallel_loop3A_361, %parallel_loop3A_362], %parallel_loop3A_365 {strides = array<i32>} : memref<40x128xf32, #tpu.memory_space<vmem>>, vector<1x16xf32>,
          %parallel_loop3A_366 = arith.index_cast %parallel_loop3A_194 : i32 to index
          %parallel_loop3A_367 = arith.constant 128 : index
          %parallel_loop3A_368 = tpu.vector_load %arg15[%parallel_loop3A_366, %parallel_loop3A_367] {strides = array<i32>} : memref<40x256xf32, #tpu.memory_space<vmem>>, vector<1x16xf32>,
          %parallel_loop3A_369 = vector.shape_cast %parallel_loop3A_368 : vector<1x16xf32> to vector<16xf32>
          %parallel_loop3A_370 = arith.index_cast %parallel_loop3A_194 : i32 to index
          %parallel_loop3A_371 = arith.constant 128 : index
          %parallel_loop3A_372 = tpu.vector_load %arg17[%parallel_loop3A_370, %parallel_loop3A_371] {strides = array<i32>} : memref<40x256xf32, #tpu.memory_space<vmem>>, vector<1x16xf32>,
          %parallel_loop3A_373 = vector.shape_cast %parallel_loop3A_372 : vector<1x16xf32> to vector<16xf32>
          %parallel_loop3A_374 = arith.addf %parallel_loop3A_369, %parallel_loop3A_373 : vector<16xf32>
          %parallel_loop3A_375 = arith.mulf %parallel_loop3A_374, %parallel_loop3A_305 : vector<16xf32>
          %parallel_loop3A_376 = arith.index_cast %parallel_loop3A_194 : i32 to index
          %parallel_loop3A_377 = arith.constant 64 : index
          %parallel_loop3A_378 = tpu.vector_load %arg18[%parallel_loop3A_376, %parallel_loop3A_377] {strides = array<i32>} : memref<40x128xf32, #tpu.memory_space<vmem>>, vector<1x16xf32>,
          %parallel_loop3A_379 = vector.shape_cast %parallel_loop3A_378 : vector<1x16xf32> to vector<16xf32>
          %parallel_loop3A_380 = vector.shape_cast %parallel_loop3A_375 : vector<16xf32> to vector<1x16xf32>
          tpu.vector_store %arg18[%parallel_loop3A_376, %parallel_loop3A_377], %parallel_loop3A_380 {strides = array<i32>} : memref<40x128xf32, #tpu.memory_space<vmem>>, vector<1x16xf32>,
          %parallel_loop3A_381 = arith.index_cast %parallel_loop3A_194 : i32 to index
          %parallel_loop3A_382 = arith.constant 144 : index
          %parallel_loop3A_383 = tpu.vector_load %arg15[%parallel_loop3A_381, %parallel_loop3A_382] {strides = array<i32>} : memref<40x256xf32, #tpu.memory_space<vmem>>, vector<1x16xf32>,
          %parallel_loop3A_384 = vector.shape_cast %parallel_loop3A_383 : vector<1x16xf32> to vector<16xf32>
          %parallel_loop3A_385 = arith.index_cast %parallel_loop3A_194 : i32 to index
          %parallel_loop3A_386 = arith.constant 144 : index
          %parallel_loop3A_387 = tpu.vector_load %arg17[%parallel_loop3A_385, %parallel_loop3A_386] {strides = array<i32>} : memref<40x256xf32, #tpu.memory_space<vmem>>, vector<1x16xf32>,
          %parallel_loop3A_388 = vector.shape_cast %parallel_loop3A_387 : vector<1x16xf32> to vector<16xf32>
          %parallel_loop3A_389 = arith.addf %parallel_loop3A_384, %parallel_loop3A_388 : vector<16xf32>
          %parallel_loop3A_390 = arith.mulf %parallel_loop3A_389, %parallel_loop3A_305 : vector<16xf32>
          %parallel_loop3A_391 = arith.index_cast %parallel_loop3A_194 : i32 to index
          %parallel_loop3A_392 = arith.constant 80 : index
          %parallel_loop3A_393 = tpu.vector_load %arg18[%parallel_loop3A_391, %parallel_loop3A_392] {strides = array<i32>} : memref<40x128xf32, #tpu.memory_space<vmem>>, vector<1x16xf32>,
          %parallel_loop3A_394 = vector.shape_cast %parallel_loop3A_393 : vector<1x16xf32> to vector<16xf32>
          %parallel_loop3A_395 = vector.shape_cast %parallel_loop3A_390 : vector<16xf32> to vector<1x16xf32>
          tpu.vector_store %arg18[%parallel_loop3A_391, %parallel_loop3A_392], %parallel_loop3A_395 {strides = array<i32>} : memref<40x128xf32, #tpu.memory_space<vmem>>, vector<1x16xf32>,
          %parallel_loop3A_396 = arith.index_cast %parallel_loop3A_194 : i32 to index
          %parallel_loop3A_397 = arith.constant 160 : index
          %parallel_loop3A_398 = tpu.vector_load %arg15[%parallel_loop3A_396, %parallel_loop3A_397] {strides = array<i32>} : memref<40x256xf32, #tpu.memory_space<vmem>>, vector<1x16xf32>,
          %parallel_loop3A_399 = vector.shape_cast %parallel_loop3A_398 : vector<1x16xf32> to vector<16xf32>
          %parallel_loop3A_400 = arith.index_cast %parallel_loop3A_194 : i32 to index
          %parallel_loop3A_401 = arith.constant 160 : index
          %parallel_loop3A_402 = tpu.vector_load %arg17[%parallel_loop3A_400, %parallel_loop3A_401] {strides = array<i32>} : memref<40x256xf32, #tpu.memory_space<vmem>>, vector<1x16xf32>,
          %parallel_loop3A_403 = vector.shape_cast %parallel_loop3A_402 : vector<1x16xf32> to vector<16xf32>
          %parallel_loop3A_404 = arith.addf %parallel_loop3A_399, %parallel_loop3A_403 : vector<16xf32>
          %parallel_loop3A_405 = arith.mulf %parallel_loop3A_404, %parallel_loop3A_305 : vector<16xf32>
          %parallel_loop3A_406 = arith.index_cast %parallel_loop3A_194 : i32 to index
          %parallel_loop3A_407 = arith.constant 96 : index
          %parallel_loop3A_408 = tpu.vector_load %arg18[%parallel_loop3A_406, %parallel_loop3A_407] {strides = array<i32>} : memref<40x128xf32, #tpu.memory_space<vmem>>, vector<1x16xf32>,
          %parallel_loop3A_409 = vector.shape_cast %parallel_loop3A_408 : vector<1x16xf32> to vector<16xf32>
          %parallel_loop3A_410 = vector.shape_cast %parallel_loop3A_405 : vector<16xf32> to vector<1x16xf32>
          tpu.vector_store %arg18[%parallel_loop3A_406, %parallel_loop3A_407], %parallel_loop3A_410 {strides = array<i32>} : memref<40x128xf32, #tpu.memory_space<vmem>>, vector<1x16xf32>,
          %parallel_loop3A_411 = arith.index_cast %parallel_loop3A_194 : i32 to index
          %parallel_loop3A_412 = arith.constant 176 : index
          %parallel_loop3A_413 = tpu.vector_load %arg15[%parallel_loop3A_411, %parallel_loop3A_412] {strides = array<i32>} : memref<40x256xf32, #tpu.memory_space<vmem>>, vector<1x16xf32>,
          %parallel_loop3A_414 = vector.shape_cast %parallel_loop3A_413 : vector<1x16xf32> to vector<16xf32>
          %parallel_loop3A_415 = arith.index_cast %parallel_loop3A_194 : i32 to index
          %parallel_loop3A_416 = arith.constant 176 : index
          %parallel_loop3A_417 = tpu.vector_load %arg17[%parallel_loop3A_415, %parallel_loop3A_416] {strides = array<i32>} : memref<40x256xf32, #tpu.memory_space<vmem>>, vector<1x16xf32>,
          %parallel_loop3A_418 = vector.shape_cast %parallel_loop3A_417 : vector<1x16xf32> to vector<16xf32>
          %parallel_loop3A_419 = arith.addf %parallel_loop3A_414, %parallel_loop3A_418 : vector<16xf32>
          %parallel_loop3A_420 = arith.mulf %parallel_loop3A_419, %parallel_loop3A_305 : vector<16xf32>
          %parallel_loop3A_421 = arith.index_cast %parallel_loop3A_194 : i32 to index
          %parallel_loop3A_422 = arith.constant 112 : index
          %parallel_loop3A_423 = tpu.vector_load %arg18[%parallel_loop3A_421, %parallel_loop3A_422] {strides = array<i32>} : memref<40x128xf32, #tpu.memory_space<vmem>>, vector<1x16xf32>,
          %parallel_loop3A_424 = vector.shape_cast %parallel_loop3A_423 : vector<1x16xf32> to vector<16xf32>
          %parallel_loop3A_425 = vector.shape_cast %parallel_loop3A_420 : vector<16xf32> to vector<1x16xf32>
          tpu.vector_store %arg18[%parallel_loop3A_421, %parallel_loop3A_422], %parallel_loop3A_425 {strides = array<i32>} : memref<40x128xf32, #tpu.memory_space<vmem>>, vector<1x16xf32>,
        } {sc.loop_unroll_factor = 8 : i64, sc.parallel_access}
        %dma_start3A_190 = tpu.memref_slice %arg13[%add3A_159] : memref<800xi32, #tpu.memory_space<vmem>> -> memref<40xi32, #tpu.memory_space<vmem>>
        %dma_start3A_191 = arith.constant 0 : i32
        %dma_start3A_192 = arith.constant 0 : i32
        %dma_start3A_193 = tpu.memref_slice %arg21[%dma_start3A_191, %dma_start3A_192] : memref<10000x128xf32, #tpu.memory_space<vmem_shared>> -> memref<10000x128xf32, #tpu.memory_space<vmem_shared>>
        tpu.enqueue_indirect_dma source(%arg18 : memref<40x128xf32, #tpu.memory_space<vmem>>) target(%dma_start3A_193 : memref<10000x128xf32, #tpu.memory_space<vmem_shared>>) offsets(%dma_start3A_190 : memref<40xi32, #tpu.memory_space<vmem>>) semaphore(%arg29 : memref<!tpu.dma_semaphore, #tpu.memory_space<semaphore_mem>>) {add = true}
      }
      %scan3A_99 = arith.constant 5 : i32
      %lt3A_100 = arith.constant 24 : i32
      %lt3A_101 = arith.cmpi slt, %scan3A_76, %lt3A_100 : i32
      %convert_element_type3A_102 = arith.extui %lt3A_101 : i1 to i32
      %cond3A_103 = arith.constant 0 : i32
      %cond3A_104 = arith.cmpi ne, %convert_element_type3A_102, %cond3A_103 : i32
      scf.if %cond3A_104 {
        %add3A_105 = arith.constant 1 : i32
        %add3A_106 = arith.addi %scan3A_76, %add3A_105 : i32
        %jit3A_107 = arith.constant 2 : i32
        %eq3A_108 = arith.constant 0 : i32
        %eq3A_109 = arith.cmpi eq, %jit3A_107, %eq3A_108 : i32
        %jit3A_110 = arith.constant 1 : i32
        %select_n3A_111 = arith.select %eq3A_109, %jit3A_110, %jit3A_107 : i32
        %rem3A_112 = arith.remsi %add3A_106, %select_n3A_111 : i32
        %ne3A_113 = arith.constant 0 : i32
        %ne3A_114 = arith.cmpi ne, %rem3A_112, %ne3A_113 : i32
        %lt3A_115 = arith.constant 0 : i32
        %lt3A_116 = arith.cmpi slt, %rem3A_112, %lt3A_115 : i32
        %lt3A_117 = arith.constant 0 : i32
        %lt3A_118 = arith.cmpi slt, %select_n3A_111, %lt3A_117 : i32
        %ne3A_119 = arith.xori %lt3A_116, %lt3A_118 : i1
        %and3A_120 = arith.andi %ne3A_119, %ne3A_114 : i1
        %add3A_121 = arith.addi %rem3A_112, %select_n3A_111 : i32
        %select_n3A_122 = arith.select %and3A_120, %add3A_121, %rem3A_112 : i32
        %mul3A_123 = arith.constant 400 : i32
        %mul3A_124 = arith.muli %select_n3A_122, %mul3A_123 : i32
        %mul3A_125 = arith.constant 400 : i32
        %mul3A_126 = arith.muli %add3A_106, %mul3A_125 : i32
        %add3A_127 = arith.addi %mul3A_6, %mul3A_126 : i32
        %dma_wait3A_128 = tpu.memref_slice %arg11[%mul3A_124] : memref<800xi32, #tpu.memory_space<vmem>> -> memref<400xi32, #tpu.memory_space<vmem>>
        %dma_wait3A_129 = tpu.memref_slice %arg4[%add3A_127] : memref<320000xi32, #tpu.memory_space<hbm>> -> memref<400xi32, #tpu.memory_space<hbm>>
        %dma_wait3A_130 = tpu.memref_slice %arg11[%mul3A_124] : memref<800xi32, #tpu.memory_space<vmem>> -> memref<400xi32, #tpu.memory_space<vmem>>
        %dma_wait3A_131 = tpu.memref_slice %arg4[%add3A_127] : memref<320000xi32, #tpu.memory_space<hbm>> -> memref<400xi32, #tpu.memory_space<hbm>>
        tpu.wait_dma2 semaphore(%arg26 : memref<!tpu.dma_semaphore, #tpu.memory_space<semaphore_mem>>) src(%dma_wait3A_131 : memref<400xi32, #tpu.memory_space<hbm>>) dst(%dma_wait3A_130 : memref<400xi32, #tpu.memory_space<vmem>>)
        %dma_wait3A_132 = tpu.memref_slice %arg12[%mul3A_124] : memref<800xi32, #tpu.memory_space<vmem>> -> memref<400xi32, #tpu.memory_space<vmem>>
        %dma_wait3A_133 = tpu.memref_slice %arg5[%add3A_127] : memref<320000xi32, #tpu.memory_space<hbm>> -> memref<400xi32, #tpu.memory_space<hbm>>
        %dma_wait3A_134 = tpu.memref_slice %arg12[%mul3A_124] : memref<800xi32, #tpu.memory_space<vmem>> -> memref<400xi32, #tpu.memory_space<vmem>>
        %dma_wait3A_135 = tpu.memref_slice %arg5[%add3A_127] : memref<320000xi32, #tpu.memory_space<hbm>> -> memref<400xi32, #tpu.memory_space<hbm>>
        tpu.wait_dma2 semaphore(%arg27 : memref<!tpu.dma_semaphore, #tpu.memory_space<semaphore_mem>>) src(%dma_wait3A_135 : memref<400xi32, #tpu.memory_space<hbm>>) dst(%dma_wait3A_134 : memref<400xi32, #tpu.memory_space<vmem>>)
        %dma_wait3A_136 = tpu.memref_slice %arg13[%mul3A_124] : memref<800xi32, #tpu.memory_space<vmem>> -> memref<400xi32, #tpu.memory_space<vmem>>
        %dma_wait3A_137 = tpu.memref_slice %arg6[%add3A_127] : memref<320000xi32, #tpu.memory_space<hbm>> -> memref<400xi32, #tpu.memory_space<hbm>>
        %dma_wait3A_138 = tpu.memref_slice %arg13[%mul3A_124] : memref<800xi32, #tpu.memory_space<vmem>> -> memref<400xi32, #tpu.memory_space<vmem>>
        %dma_wait3A_139 = tpu.memref_slice %arg6[%add3A_127] : memref<320000xi32, #tpu.memory_space<hbm>> -> memref<400xi32, #tpu.memory_space<hbm>>
        tpu.wait_dma2 semaphore(%arg28 : memref<!tpu.dma_semaphore, #tpu.memory_space<semaphore_mem>>) src(%dma_wait3A_139 : memref<400xi32, #tpu.memory_space<hbm>>) dst(%dma_wait3A_138 : memref<400xi32, #tpu.memory_space<vmem>>)
        %add3A_140 = arith.constant 1 : i32
        %add3A_141 = arith.addi %scan3A_76, %add3A_140 : i32
        %jit3A_142 = arith.constant 2 : i32
        %eq3A_143 = arith.constant 0 : i32
        %eq3A_144 = arith.cmpi eq, %jit3A_142, %eq3A_143 : i32
        %jit3A_145 = arith.constant 1 : i32
        %select_n3A_146 = arith.select %eq3A_144, %jit3A_145, %jit3A_142 : i32
        %rem3A_147 = arith.remsi %add3A_141, %select_n3A_146 : i32
        %ne3A_148 = arith.constant 0 : i32
        %ne3A_149 = arith.cmpi ne, %rem3A_147, %ne3A_148 : i32
        %lt3A_150 = arith.constant 0 : i32
        %lt3A_151 = arith.cmpi slt, %rem3A_147, %lt3A_150 : i32
        %lt3A_152 = arith.constant 0 : i32
        %lt3A_153 = arith.cmpi slt, %select_n3A_146, %lt3A_152 : i32
        %ne3A_154 = arith.xori %lt3A_151, %lt3A_153 : i1
        %and3A_155 = arith.andi %ne3A_154, %ne3A_149 : i1
        %add3A_156 = arith.addi %rem3A_147, %select_n3A_146 : i32
        %select_n3A_157 = arith.select %and3A_155, %add3A_156, %rem3A_147 : i32
        %mul3A_158 = arith.constant 400 : i32
        %mul3A_159 = arith.muli %select_n3A_157, %mul3A_158 : i32
        %dma_start3A_160 = tpu.memref_slice %arg11[%mul3A_159] : memref<800xi32, #tpu.memory_space<vmem>> -> memref<40xi32, #tpu.memory_space<vmem>>
        %dma_start3A_161 = arith.constant 0 : i32
        %dma_start3A_162 = arith.constant 0 : i32
        %dma_start3A_163 = tpu.memref_slice %arg2[%dma_start3A_161, %dma_start3A_162] : memref<10000x256xf32, #tpu.memory_space<hbm>> -> memref<10000x256xf32, #tpu.memory_space<hbm>>
        tpu.enqueue_indirect_dma source(%dma_start3A_163 : memref<10000x256xf32, #tpu.memory_space<hbm>>) target(%arg14 : memref<40x256xf32, #tpu.memory_space<vmem>>) offsets(%dma_start3A_160 : memref<40xi32, #tpu.memory_space<vmem>>) semaphore(%arg22 : memref<!tpu.dma_semaphore, #tpu.memory_space<semaphore_mem>>)
        %dma_start3A_164 = tpu.memref_slice %arg12[%mul3A_159] : memref<800xi32, #tpu.memory_space<vmem>> -> memref<40xi32, #tpu.memory_space<vmem>>
        %dma_start3A_165 = arith.constant 0 : i32
        %dma_start3A_166 = arith.constant 0 : i32
        %dma_start3A_167 = tpu.memref_slice %arg3[%dma_start3A_165, %dma_start3A_166] : memref<6432x256xf32, #tpu.memory_space<hbm>> -> memref<6432x256xf32, #tpu.memory_space<hbm>>
        tpu.enqueue_indirect_dma source(%dma_start3A_167 : memref<6432x256xf32, #tpu.memory_space<hbm>>) target(%arg16 : memref<40x256xf32, #tpu.memory_space<vmem>>) offsets(%dma_start3A_164 : memref<40xi32, #tpu.memory_space<vmem>>) semaphore(%arg24 : memref<!tpu.dma_semaphore, #tpu.memory_space<semaphore_mem>>)
      } else {
      }
    }
    %scan3A_64 = arith.constant 25 : i32
    %dma_wait3A_65 = arith.constant 0 : i32
    %dma_wait3A_66 = tpu.memref_slice %arg13[%dma_wait3A_65] : memref<800xi32, #tpu.memory_space<vmem>> -> memref<40xi32, #tpu.memory_space<vmem>>
    %dma_wait3A_67 = arith.constant 0 : i32
    %dma_wait3A_68 = arith.constant 0 : i32
    %dma_wait3A_69 = tpu.memref_slice %arg21[%dma_wait3A_67, %dma_wait3A_68] : memref<10000x128xf32, #tpu.memory_space<vmem_shared>> -> memref<10000x128xf32, #tpu.memory_space<vmem_shared>>
    tpu.wait_indirect_dma semaphore(%arg29 : memref<!tpu.dma_semaphore, #tpu.memory_space<semaphore_mem>>) src(%arg18 : memref<40x128xf32, #tpu.memory_space<vmem>>) dst(%dma_wait3A_69 : memref<10000x128xf32, #tpu.memory_space<vmem_shared>>)
    %barrier3A_70 = arith.constant 0 : index
    tpu.barrier barrier_id(%barrier3A_70)
    "tpu.region"() ({
      %run_scoped3A = tpu.sem_alloc : memref<!tpu.dma_semaphore, #tpu.memory_space<semaphore_mem>>
      %dma_start3A_76 = arith.constant 0 : i32
      %dma_start3A_77 = tpu.memref_slice %arg10[%arg0, %mul3A_2, %dma_start3A_76] : memref<2x10000x128xf32, #tpu.memory_space<hbm>> -> memref<1x624x128xf32, #tpu.memory_space<hbm>>
      %dma_start3A_78 = tpu.memref_squeeze %dma_start3A_77 : memref<1x624x128xf32, #tpu.memory_space<hbm>> -> memref<624x128xf32, #tpu.memory_space<hbm>>
      %dma_start3A_79 = arith.constant 0 : i32
      %dma_start3A_80 = tpu.memref_slice %arg21[%mul3A_2, %dma_start3A_79] : memref<10000x128xf32, #tpu.memory_space<vmem_shared>> -> memref<624x128xf32, #tpu.memory_space<vmem_shared>>
      tpu.enqueue_dma source(%dma_start3A_80 : memref<624x128xf32, #tpu.memory_space<vmem_shared>>) target(%dma_start3A_78 : memref<624x128xf32, #tpu.memory_space<hbm>>) target_semaphore(%run_scoped3A : memref<!tpu.dma_semaphore, #tpu.memory_space<semaphore_mem>>)
      %dma_wait3A_81 = arith.constant 0 : i32
      %dma_wait3A_82 = tpu.memref_slice %arg10[%arg0, %mul3A_2, %dma_wait3A_81] : memref<2x10000x128xf32, #tpu.memory_space<hbm>> -> memref<1x624x128xf32, #tpu.memory_space<hbm>>
      %dma_wait3A_83 = tpu.memref_squeeze %dma_wait3A_82 : memref<1x624x128xf32, #tpu.memory_space<hbm>> -> memref<624x128xf32, #tpu.memory_space<hbm>>
      %dma_wait3A_84 = arith.constant 0 : i32
      %dma_wait3A_85 = tpu.memref_slice %arg21[%mul3A_2, %dma_wait3A_84] : memref<10000x128xf32, #tpu.memory_space<vmem_shared>> -> memref<624x128xf32, #tpu.memory_space<vmem_shared>>
      tpu.wait_dma2 semaphore(%run_scoped3A : memref<!tpu.dma_semaphore, #tpu.memory_space<semaphore_mem>>) src(%dma_wait3A_85 : memref<624x128xf32, #tpu.memory_space<vmem_shared>>) dst(%dma_wait3A_83 : memref<624x128xf32, #tpu.memory_space<hbm>>)
      tpu.yield
    }) : () -> ()
    %eq3A_71 = arith.constant 15 : i32
    %eq3A_72 = arith.cmpi eq, %arg1, %eq3A_71 : i32
    %convert_element_type3A_73 = arith.extui %eq3A_72 : i1 to i32
    %cond3A_74 = arith.constant 0 : i32
    %cond3A_75 = arith.cmpi ne, %convert_element_type3A_73, %cond3A_74 : i32
    scf.if %cond3A_75 {
      "tpu.region"() ({
        %run_scoped3A = tpu.sem_alloc : memref<!tpu.dma_semaphore, #tpu.memory_space<semaphore_mem>>
        %dma_start3A_76 = arith.constant 9984 : i32
        %dma_start3A_77 = arith.constant 0 : i32
        %dma_start3A_78 = tpu.memref_slice %arg10[%arg0, %dma_start3A_76, %dma_start3A_77] : memref<2x10000x128xf32, #tpu.memory_space<hbm>> -> memref<1x16x128xf32, #tpu.memory_space<hbm>>
        %dma_start3A_79 = tpu.memref_squeeze %dma_start3A_78 : memref<1x16x128xf32, #tpu.memory_space<hbm>> -> memref<16x128xf32, #tpu.memory_space<hbm>>
        %dma_start3A_80 = arith.constant 9984 : i32
        %dma_start3A_81 = arith.constant 0 : i32
        %dma_start3A_82 = tpu.memref_slice %arg21[%dma_start3A_80, %dma_start3A_81] : memref<10000x128xf32, #tpu.memory_space<vmem_shared>> -> memref<16x128xf32, #tpu.memory_space<vmem_shared>>
        tpu.enqueue_dma source(%dma_start3A_82 : memref<16x128xf32, #tpu.memory_space<vmem_shared>>) target(%dma_start3A_79 : memref<16x128xf32, #tpu.memory_space<hbm>>) target_semaphore(%run_scoped3A : memref<!tpu.dma_semaphore, #tpu.memory_space<semaphore_mem>>)
        %dma_wait3A_83 = arith.constant 9984 : i32
        %dma_wait3A_84 = arith.constant 0 : i32
        %dma_wait3A_85 = tpu.memref_slice %arg10[%arg0, %dma_wait3A_83, %dma_wait3A_84] : memref<2x10000x128xf32, #tpu.memory_space<hbm>> -> memref<1x16x128xf32, #tpu.memory_space<hbm>>
        %dma_wait3A_86 = tpu.memref_squeeze %dma_wait3A_85 : memref<1x16x128xf32, #tpu.memory_space<hbm>> -> memref<16x128xf32, #tpu.memory_space<hbm>>
        %dma_wait3A_87 = arith.constant 9984 : i32
        %dma_wait3A_88 = arith.constant 0 : i32
        %dma_wait3A_89 = tpu.memref_slice %arg21[%dma_wait3A_87, %dma_wait3A_88] : memref<10000x128xf32, #tpu.memory_space<vmem_shared>> -> memref<16x128xf32, #tpu.memory_space<vmem_shared>>
        tpu.wait_dma2 semaphore(%run_scoped3A : memref<!tpu.dma_semaphore, #tpu.memory_space<semaphore_mem>>) src(%dma_wait3A_89 : memref<16x128xf32, #tpu.memory_space<vmem_shared>>) dst(%dma_wait3A_86 : memref<16x128xf32, #tpu.memory_space<hbm>>)
        tpu.yield
      }) : () -> ()
    } else {
    }
    return
  }
}

module attributes {stable_mosaic.version = 14 : i64} {
  func.func @_qsel_body(%arg0: i32, %arg1: memref<32x6432xf32, #tpu.memory_space<vmem>>, %arg2: memref<6432x128xf32, #tpu.memory_space<vmem>>, %arg3: memref<32x128xf32, #tpu.memory_space<vmem>>) attributes {dimension_semantics = [#tpu.dimension_semantics<arbitrary>], iteration_bounds = array<i64: 1>, scalar_prefetch = 0 : i64, scratch_operands = 0 : i64, tpu.core_type = #tpu.core_type<tc>, window_params = [{pipeline_mode = #tpu.pipeline_mode<synchronous>, transform_indices = @transform_0, window_bounds = array<i64: 32, 6432>}, {pipeline_mode = #tpu.pipeline_mode<synchronous>, transform_indices = @transform_1, window_bounds = array<i64: 6432, 128>}, {pipeline_mode = #tpu.pipeline_mode<synchronous>, transform_indices = @transform_2, window_bounds = array<i64: 32, 128>}]} {
    %get3A = arith.constant 0 : index
    %get3A_0 = arith.constant 0 : index
    %get3A_1 = vector.load %arg1[%get3A, %get3A_0] : memref<32x6432xf32, #tpu.memory_space<vmem>>, vector<32x6432xf32>
    %get3A_2 = arith.constant 0 : index
    %get3A_3 = arith.constant 0 : index
    %get3A_4 = vector.load %arg2[%get3A_2, %get3A_3] : memref<6432x128xf32, #tpu.memory_space<vmem>>, vector<6432x128xf32>
    %dot_general3A = arith.constant dense<0.000000e+00> : vector<32x128xf32>
    %dot_general3A_5 = tpu.matmul %get3A_1, %get3A_4, %dot_general3A {dimension_numbers = #tpu.dot_dimension_numbers<[1], [0], [0], [1], [0, 0, 1, 1], [], []>, precision = #tpu.contract_precision<fp32>, transpose_lhs_hint = false} : vector<32x6432xf32>, vector<6432x128xf32>, vector<32x128xf32> -> vector<32x128xf32>
    %swap3A = arith.constant 0 : index
    %swap3A_6 = arith.constant 0 : index
    %swap3A_7 = vector.load %arg3[%swap3A, %swap3A_6] : memref<32x128xf32, #tpu.memory_space<vmem>>, vector<32x128xf32>
    tpu.vector_store %arg3[%swap3A, %swap3A_6], %dot_general3A_5 {strides = array<i32>} : memref<32x128xf32, #tpu.memory_space<vmem>>, vector<32x128xf32>,
    return
  }
  func.func @transform_0(%arg0: i32) -> (i32, i32) {
    %c0_i32 = arith.constant 0 : i32
    %c0_i32_0 = arith.constant 0 : i32
    %c0_i32_1 = arith.constant 0 : i32
    return %c0_i32, %c0_i32_0 : i32, i32
  }
  func.func @transform_1(%arg0: i32) -> (i32, i32) {
    %c0_i32 = arith.constant 0 : i32
    %c0_i32_0 = arith.constant 0 : i32
    %c0_i32_1 = arith.constant 0 : i32
    return %c0_i32, %c0_i32_0 : i32, i32
  }
  func.func @transform_2(%arg0: i32) -> (i32, i32) {
    %c0_i32 = arith.constant 0 : i32
    %c0_i32_0 = arith.constant 0 : i32
    %c0_i32_1 = arith.constant 0 : i32
    return %c0_i32, %c0_i32_0 : i32, i32
  }
}

module attributes {stable_mosaic.version = 14 : i64} {
  func.func @_proj_rel_body(%arg0: i32, %arg1: memref<1608x128xf32, #tpu.memory_space<vmem>>, %arg2: memref<1608x128xf32, #tpu.memory_space<vmem>>, %arg3: memref<128x64xf32, #tpu.memory_space<vmem>>, %arg4: memref<128x64xf32, #tpu.memory_space<vmem>>, %arg5: memref<1x64xf32, #tpu.memory_space<vmem>>, %arg6: memref<1608x64xf32, #tpu.memory_space<vmem>>) attributes {dimension_semantics = [#tpu.dimension_semantics<arbitrary>], iteration_bounds = array<i64: 4>, scalar_prefetch = 0 : i64, scratch_operands = 0 : i64, tpu.core_type = #tpu.core_type<tc>, window_params = [{transform_indices = @transform_0, window_bounds = array<i64: 1608, 128>}, {transform_indices = @transform_1, window_bounds = array<i64: 1608, 128>}, {pipeline_mode = #tpu.pipeline_mode<synchronous>, transform_indices = @transform_2, window_bounds = array<i64: 128, 64>}, {pipeline_mode = #tpu.pipeline_mode<synchronous>, transform_indices = @transform_3, window_bounds = array<i64: 128, 64>}, {pipeline_mode = #tpu.pipeline_mode<synchronous>, transform_indices = @transform_4, window_bounds = array<i64: 1, 64>}, {transform_indices = @transform_5, window_bounds = array<i64: 1608, 64>}]} {
    %get3A = arith.constant 0 : index
    %get3A_0 = arith.constant 0 : index
    %get3A_1 = vector.load %arg1[%get3A, %get3A_0] : memref<1608x128xf32, #tpu.memory_space<vmem>>, vector<1608x128xf32>
    %get3A_2 = arith.constant 0 : index
    %get3A_3 = arith.constant 0 : index
    %get3A_4 = vector.load %arg3[%get3A_2, %get3A_3] : memref<128x64xf32, #tpu.memory_space<vmem>>, vector<128x64xf32>
    %dot_general3A = arith.constant dense<0.000000e+00> : vector<1608x64xf32>
    %dot_general3A_5 = tpu.matmul %get3A_1, %get3A_4, %dot_general3A {dimension_numbers = #tpu.dot_dimension_numbers<[1], [0], [0], [1], [0, 0, 1, 1], [], []>, precision = #tpu.contract_precision<fp32>, transpose_lhs_hint = false} : vector<1608x128xf32>, vector<128x64xf32>, vector<1608x64xf32> -> vector<1608x64xf32>
    %get3A_6 = arith.constant 0 : index
    %get3A_7 = arith.constant 0 : index
    %get3A_8 = vector.load %arg2[%get3A_6, %get3A_7] : memref<1608x128xf32, #tpu.memory_space<vmem>>, vector<1608x128xf32>
    %get3A_9 = arith.constant 0 : index
    %get3A_10 = arith.constant 0 : index
    %get3A_11 = vector.load %arg4[%get3A_9, %get3A_10] : memref<128x64xf32, #tpu.memory_space<vmem>>, vector<128x64xf32>
    %dot_general3A_12 = arith.constant dense<0.000000e+00> : vector<1608x64xf32>
    %dot_general3A_13 = tpu.matmul %get3A_8, %get3A_11, %dot_general3A_12 {dimension_numbers = #tpu.dot_dimension_numbers<[1], [0], [0], [1], [0, 0, 1, 1], [], []>, precision = #tpu.contract_precision<fp32>, transpose_lhs_hint = false} : vector<1608x128xf32>, vector<128x64xf32>, vector<1608x64xf32> -> vector<1608x64xf32>
    %add3A = arith.addf %dot_general3A_5, %dot_general3A_13 : vector<1608x64xf32>
    %get3A_14 = arith.constant 0 : index
    %get3A_15 = arith.constant 0 : index
    %get3A_16 = vector.load %arg5[%get3A_14, %get3A_15] : memref<1x64xf32, #tpu.memory_space<vmem>>, vector<1x64xf32>
    %add3A_17 = vector.broadcast %get3A_16 : vector<1x64xf32> to vector<1608x64xf32>
    %add3A_18 = arith.addf %add3A, %add3A_17 : vector<1608x64xf32>
    %swap3A = arith.constant 0 : index
    %swap3A_19 = arith.constant 0 : index
    %swap3A_20 = vector.load %arg6[%swap3A, %swap3A_19] : memref<1608x64xf32, #tpu.memory_space<vmem>>, vector<1608x64xf32>
    tpu.vector_store %arg6[%swap3A, %swap3A_19], %add3A_18 {strides = array<i32>} : memref<1608x64xf32, #tpu.memory_space<vmem>>, vector<1608x64xf32>,
    return
  }
  func.func @transform_0(%arg0: i32) -> (i32, i32) {
    %c0_i32 = arith.constant 0 : i32
    %c0_i32_0 = arith.constant 0 : i32
    return %arg0, %c0_i32 : i32, i32
  }
  func.func @transform_1(%arg0: i32) -> (i32, i32) {
    %c0_i32 = arith.constant 0 : i32
    %c0_i32_0 = arith.constant 0 : i32
    return %arg0, %c0_i32 : i32, i32
  }
  func.func @transform_2(%arg0: i32) -> (i32, i32) {
    %c0_i32 = arith.constant 0 : i32
    %c0_i32_0 = arith.constant 0 : i32
    %c0_i32_1 = arith.constant 0 : i32
    return %c0_i32, %c0_i32_0 : i32, i32
  }
  func.func @transform_3(%arg0: i32) -> (i32, i32) {
    %c0_i32 = arith.constant 0 : i32
    %c0_i32_0 = arith.constant 0 : i32
    %c0_i32_1 = arith.constant 0 : i32
    return %c0_i32, %c0_i32_0 : i32, i32
  }
  func.func @transform_4(%arg0: i32) -> (i32, i32) {
    %c0_i32 = arith.constant 0 : i32
    %c0_i32_0 = arith.constant 0 : i32
    %c0_i32_1 = arith.constant 0 : i32
    return %c0_i32, %c0_i32_0 : i32, i32
  }
  func.func @transform_5(%arg0: i32) -> (i32, i32) {
    %c0_i32 = arith.constant 0 : i32
    %c0_i32_0 = arith.constant 0 : i32
    return %arg0, %c0_i32 : i32, i32
  }
}

module attributes {stable_mosaic.version = 14 : i64} {
  func.func @_proj_node_body(%arg0: i32, %arg1: memref<1000x128xf32, #tpu.memory_space<vmem>>, %arg2: memref<128x64xf32, #tpu.memory_space<vmem>>, %arg3: memref<1000x64xf32, #tpu.memory_space<vmem>>) attributes {dimension_semantics = [#tpu.dimension_semantics<arbitrary>], iteration_bounds = array<i64: 10>, scalar_prefetch = 0 : i64, scratch_operands = 0 : i64, tpu.core_type = #tpu.core_type<tc>, window_params = [{transform_indices = @transform_0, window_bounds = array<i64: 1000, 128>}, {pipeline_mode = #tpu.pipeline_mode<synchronous>, transform_indices = @transform_1, window_bounds = array<i64: 128, 64>}, {transform_indices = @transform_2, window_bounds = array<i64: 1000, 64>}]} {
    %get3A = arith.constant 0 : index
    %get3A_0 = arith.constant 0 : index
    %get3A_1 = vector.load %arg1[%get3A, %get3A_0] : memref<1000x128xf32, #tpu.memory_space<vmem>>, vector<1000x128xf32>
    %get3A_2 = arith.constant 0 : index
    %get3A_3 = arith.constant 0 : index
    %get3A_4 = vector.load %arg2[%get3A_2, %get3A_3] : memref<128x64xf32, #tpu.memory_space<vmem>>, vector<128x64xf32>
    %dot_general3A = arith.constant dense<0.000000e+00> : vector<1000x64xf32>
    %dot_general3A_5 = tpu.matmul %get3A_1, %get3A_4, %dot_general3A {dimension_numbers = #tpu.dot_dimension_numbers<[1], [0], [0], [1], [0, 0, 1, 1], [], []>, precision = #tpu.contract_precision<fp32>, transpose_lhs_hint = false} : vector<1000x128xf32>, vector<128x64xf32>, vector<1000x64xf32> -> vector<1000x64xf32>
    %swap3A = arith.constant 0 : index
    %swap3A_6 = arith.constant 0 : index
    %swap3A_7 = vector.load %arg3[%swap3A, %swap3A_6] : memref<1000x64xf32, #tpu.memory_space<vmem>>, vector<1000x64xf32>
    tpu.vector_store %arg3[%swap3A, %swap3A_6], %dot_general3A_5 {strides = array<i32>} : memref<1000x64xf32, #tpu.memory_space<vmem>>, vector<1000x64xf32>,
    return
  }
  func.func @transform_0(%arg0: i32) -> (i32, i32) {
    %c0_i32 = arith.constant 0 : i32
    %c0_i32_0 = arith.constant 0 : i32
    return %arg0, %c0_i32 : i32, i32
  }
  func.func @transform_1(%arg0: i32) -> (i32, i32) {
    %c0_i32 = arith.constant 0 : i32
    %c0_i32_0 = arith.constant 0 : i32
    %c0_i32_1 = arith.constant 0 : i32
    return %c0_i32, %c0_i32_0 : i32, i32
  }
  func.func @transform_2(%arg0: i32) -> (i32, i32) {
    %c0_i32 = arith.constant 0 : i32
    %c0_i32_0 = arith.constant 0 : i32
    return %arg0, %c0_i32 : i32, i32
  }
}

module attributes {stable_mosaic.version = 14 : i64} {
  func.func @_final_body(%arg0: i32, %arg1: memref<1000x128xf32, #tpu.memory_space<vmem>>, %arg2: memref<1000x128xf32, #tpu.memory_space<vmem>>, %arg3: memref<128x128xf32, #tpu.memory_space<vmem>>, %arg4: memref<1000x128xf32, #tpu.memory_space<vmem>>) attributes {dimension_semantics = [#tpu.dimension_semantics<arbitrary>], iteration_bounds = array<i64: 10>, scalar_prefetch = 0 : i64, scratch_operands = 0 : i64, tpu.core_type = #tpu.core_type<tc>, window_params = [{transform_indices = @transform_0, window_bounds = array<i64: 1000, 128>}, {transform_indices = @transform_1, window_bounds = array<i64: 1000, 128>}, {pipeline_mode = #tpu.pipeline_mode<synchronous>, transform_indices = @transform_2, window_bounds = array<i64: 128, 128>}, {transform_indices = @transform_3, window_bounds = array<i64: 1000, 128>}]} {
    %get3A = arith.constant 0 : index
    %get3A_0 = arith.constant 0 : index
    %get3A_1 = vector.load %arg1[%get3A, %get3A_0] : memref<1000x128xf32, #tpu.memory_space<vmem>>, vector<1000x128xf32>
    %get3A_2 = arith.constant 0 : index
    %get3A_3 = arith.constant 0 : index
    %get3A_4 = vector.load %arg2[%get3A_2, %get3A_3] : memref<1000x128xf32, #tpu.memory_space<vmem>>, vector<1000x128xf32>
    %add3A = arith.addf %get3A_1, %get3A_4 : vector<1000x128xf32>
    %get3A_5 = arith.constant 0 : index
    %get3A_6 = arith.constant 0 : index
    %get3A_7 = vector.load %arg3[%get3A_5, %get3A_6] : memref<128x128xf32, #tpu.memory_space<vmem>>, vector<128x128xf32>
    %dot_general3A = arith.constant dense<0.000000e+00> : vector<1000x128xf32>
    %dot_general3A_8 = tpu.matmul %add3A, %get3A_7, %dot_general3A {dimension_numbers = #tpu.dot_dimension_numbers<[1], [0], [0], [1], [0, 0, 1, 1], [], []>, precision = #tpu.contract_precision<fp32>, transpose_lhs_hint = false} : vector<1000x128xf32>, vector<128x128xf32>, vector<1000x128xf32> -> vector<1000x128xf32>
    %ge3A = arith.constant 0.000000e+00 : f32
    %ge3A_9 = vector.broadcast %ge3A : f32 to vector<1000x128xf32>
    %ge3A_10 = arith.cmpf oge, %dot_general3A_8, %ge3A_9 : vector<1000x128xf32>
    %mul3A = arith.constant 0.229166672 : f32
    %mul3A_11 = vector.broadcast %mul3A : f32 to vector<1000x128xf32>
    %mul3A_12 = arith.mulf %dot_general3A_8, %mul3A_11 : vector<1000x128xf32>
    %select_n3A = arith.select %ge3A_10, %dot_general3A_8, %mul3A_12 : vector<1000x128xi1>, vector<1000x128xf32>
    %swap3A = arith.constant 0 : index
    %swap3A_13 = arith.constant 0 : index
    %swap3A_14 = vector.load %arg4[%swap3A, %swap3A_13] : memref<1000x128xf32, #tpu.memory_space<vmem>>, vector<1000x128xf32>
    tpu.vector_store %arg4[%swap3A, %swap3A_13], %select_n3A {strides = array<i32>} : memref<1000x128xf32, #tpu.memory_space<vmem>>, vector<1000x128xf32>,
    return
  }
  func.func @transform_0(%arg0: i32) -> (i32, i32) {
    %c0_i32 = arith.constant 0 : i32
    %c0_i32_0 = arith.constant 0 : i32
    return %arg0, %c0_i32 : i32, i32
  }
  func.func @transform_1(%arg0: i32) -> (i32, i32) {
    %c0_i32 = arith.constant 0 : i32
    %c0_i32_0 = arith.constant 0 : i32
    return %arg0, %c0_i32 : i32, i32
  }
  func.func @transform_2(%arg0: i32) -> (i32, i32) {
    %c0_i32 = arith.constant 0 : i32
    %c0_i32_0 = arith.constant 0 : i32
    %c0_i32_1 = arith.constant 0 : i32
    return %c0_i32, %c0_i32_0 : i32, i32
  }
  func.func @transform_3(%arg0: i32) -> (i32, i32) {
    %c0_i32 = arith.constant 0 : i32
    %c0_i32_0 = arith.constant 0 : i32
    return %arg0, %c0_i32 : i32, i32
  }
}

</mosaic_0001>

<sc_bundles>
// kernel: kernel.7.cloned.1.call-start
scs
__scs_entry_jumppad:
0x0: {  	(pc) =	sbr.rel $0x88, $3  }
0x1: {  	(tag) =	ssettag $0x0;
	lr =	simm.s32 $0x1  }
0x2: {  	[smem:$0x3F93] =	sst lr;
	_ =	strace $0xD0000000  }
0x3: {  	_ = 	snop  }
0x4: {  	_ = 	snop  }
0x5: {  	_ = 	snop  }
0x6: {  	_ = 	snop  }
0x7: {  	_ = 	snop  }
__scs_overlays_trampoline_lowered:
0x8: {  	[smem:$0x3FA2] =	sst s0  }
0x9: {  	[smem:$0x3FA3] =	sst s1  }
0xa: {  	[smem:$0x3FA4] =	sst s2  }
0xb: {  	[smem:$0x3FA5] =	sst s3  }
0xc: {  	[smem:$0x3FA6] =	sst s4  }
0xd: {  	[smem:$0x3FA7] =	sst s5  }
0xe: {  	[smem:$0x3FA8] =	sst s6  }
0xf: {  	[smem:$0x3FA9] =	sst s7  }
0x10: {  	[smem:$0x3FAA] =	sst s8  }
0x11: {  	[smem:$0x3FAB] =	sst s9;
	s0 =	simm.s32 @!p0 $0x0  }
0x12: {  	s1 =	sld [smem:$0x3F91];
	s0 =	simm.s32 @p0 $0x1  }
0x13: {  	[smem:$0x3FAC] =	sst s0;
	s0 =	simm.s32 @!p1 $0x0  }
0x14: {  	s2 =	sld [smem:$0x3F90];
	s0 =	simm.s32 @p1 $0x1  }
0x15: {  	[smem:$0x3FAD] =	sst s0;
	s0 =	simm.s32 @!p2 $0x0  }
0x16: {  	s3 =	sld [smem:$0x3FDB];
	s0 =	simm.s32 @p2 $0x1  }
0x17: {  	s4 =	simm.s32 $0x1BF5;
	[smem:$0x3FAF] =	sst s0  }
0x18: {  	s0 =	sld [smem:$0x3F92];
	_ =	swait.ge [sflag:s4], $0x0  }
0x19: {  	s7 =	sld [smem:$0x3F93]  }
0x1a: {  	s8 =	sadd.s32 $0xFFFFE003, lr  }
0x1b: {  	s9 =	sadd.s32 $0xFFFFFEF7, lr;
	s5 =	simm.s32 $0xFFFFFFFF;
	p2 =	slt.u32 s8, $0xFFFFF086  }
0x1c: {  	p1 =	slt.u32 s9, $0xF7A;
	s5 =	simm.s32 @!p2 $0x0  }
0x1d: {  	s5 =	simm.s32 @p1 $0x1;
	p0 =	seq.s32 s7, s2  }
0x1e: {  	s7 =	smul.u32 @!p0 $0xF7A, s2;
	p2 =	seq.s32 @!p0 s5, $0x0  }
0x1f: {  	s9 =	smul.u32 $0xF7A, s1;
	s8 =	simm.s32 @!p0 $0x1BF5;
	p2 =	por !p2, p0  }
0x20: {  	[sflag:s8] =	ssyncset.s32 @!p0 $0xFFFFF086;
	s6 =	sadd.s32 @!p0 s3, s7;
	s7 =	simm.s32 @!p0 $0x108  }
0x21: {  	s3 =	sadd.s32 s3, s9;
	s6 =	sadd.s32 @!p0 $0x88, s6;
	s7 =	simm.s32 @p2 $0x1082  }
0x22: {  	[simem:s7], [sflag:s8] =	dma.local @!p0 [hbm:s6], $0xF7A  }
0x23: {  	s9 =	sor.u32 $0xD0000000, s2;
	s6 =	simm.s32 $0x108;
	_ =	swait.ge @!p0 [sflag:s8], $0x0  }
0x24: {  	s3 =	sadd.s32 $0x88, s3;
	s6 =	simm.s32 @!p1 $0x1082;
	[sflag:s4] =	ssyncset.s32 $0xFFFFF086  }
0x25: {  	[simem:s6], [sflag:s4] =	dma.local [hbm:s3], $0xF7A  }
0x26: {  	[smem:$0x3F93] =	sst s1;
	(tag) =	ssettag s2;
	_ =	strace s9  }
0x27: {  	s1 =	sld [smem:$0x3FA3]  }
0x28: {  	s2 =	sld [smem:$0x3FA4]  }
0x29: {  	s4 =	sld [smem:$0x3FA6]  }
0x2a: {  	p0 =	seq.s32 s5, $0x0;
	s5 =	sld [smem:$0x3FA7]  }
0x2b: {  	s6 =	sld [smem:$0x3FA8]  }
0x2c: {  	s7 =	sld [smem:$0x3FA9]  }
0x2d: {  	s3 =	simm.s32 $0x108;
	s8 =	sld [smem:$0x3FAA]  }
0x2e: {  	s3 =	simm.s32 @!p0 $0x1082;
	s9 =	sld [smem:$0x3FAB]  }
0x2f: {  	lr =	sadd.s32 s0, s3;
	s0 =	sld [smem:$0x3FA2]  }
0x30: {  	s3 =	sld [smem:$0x3FA5]  }
0x31: {  	[smem:$0x3FAE] =	sst s10  }
0x32: {  	s10 =	sld [smem:$0x3FAC];
	_ =	sdelay $0x3  }
0x33: {  	p0 =	seq.s32 s10, $0x1;
	s10 =	sld [smem:$0x3FAE];
	_ =	sdelay $0x3  }
0x34: {  	[smem:$0x3FAE] =	sst s10  }
0x35: {  	s10 =	sld [smem:$0x3FAD];
	_ =	sdelay $0x3  }
0x36: {  	p1 =	seq.s32 s10, $0x1;
	s10 =	sld [smem:$0x3FAE];
	_ =	sdelay $0x3  }
0x37: {  	[smem:$0x3FAE] =	sst s10  }
0x38: {  	s10 =	sld [smem:$0x3FAF]  }
0x39: {  	_ = 	snop;
	(pc) =	sbr.ind lr, $3  }
0x3a: {  	_ = 	snop  }
0x3b: {  	_ = 	snop  }
0x3c: {  	p2 =	seq.s32 s10, $0x1;
	s10 =	sld [smem:$0x3FAE]  }
0x3d: {  	_ =	shalt  }
0x3e: {  	_ =	shalt  }
0x3f: {  	_ =	shalt  }
0x40: {  	_ =	shalt  }
0x41: {  	_ =	shalt  }
0x42: {  	_ =	shalt  }
0x43: {  	_ =	shalt  }
0x44: {  	_ =	shalt  }
0x45: {  	_ =	shalt  }
0x46: {  	_ =	shalt  }
0x47: {  	_ =	shalt  }
0x48: {  	_ =	shalt  }
0x49: {  	_ =	shalt  }
0x4a: {  	_ =	shalt  }
0x4b: {  	_ =	shalt  }
0x4c: {  	_ =	shalt  }
0x4d: {  	_ =	shalt  }
0x4e: {  	_ =	shalt  }
0x4f: {  	_ =	shalt  }
0x50: {  	_ =	shalt  }
0x51: {  	_ =	shalt  }
0x52: {  	_ =	shalt  }
0x53: {  	_ =	shalt  }
0x54: {  	_ =	shalt  }
0x55: {  	_ =	shalt  }
0x56: {  	_ =	shalt  }
0x57: {  	_ =	shalt  }
0x58: {  	_ =	shalt  }
0x59: {  	_ =	shalt  }
0x5a: {  	_ =	shalt  }
0x5b: {  	_ =	shalt  }
0x5c: {  	_ =	shalt  }
0x5d: {  	_ =	shalt  }
0x5e: {  	_ =	shalt  }
0x5f: {  	_ =	shalt  }
0x60: {  	_ =	shalt  }
0x61: {  	_ =	shalt  }
0x62: {  	_ =	shalt  }
0x63: {  	_ =	shalt  }
0x64: {  	_ =	shalt  }
0x65: {  	_ =	shalt  }
0x66: {  	_ =	shalt  }
0x67: {  	_ =	shalt  }
0x68: {  	_ =	shalt  }
0x69: {  	_ =	shalt  }
0x6a: {  	_ =	shalt  }
0x6b: {  	_ =	shalt  }
0x6c: {  	_ =	shalt  }
0x6d: {  	_ =	shalt  }
0x6e: {  	_ =	shalt  }
0x6f: {  	_ =	shalt  }
0x70: {  	_ =	shalt  }
0x71: {  	_ =	shalt  }
0x72: {  	_ =	shalt  }
0x73: {  	_ =	shalt  }
0x74: {  	_ =	shalt  }
0x75: {  	_ =	shalt  }
0x76: {  	_ =	shalt  }
0x77: {  	_ =	shalt  }
0x78: {  	_ =	shalt  }
0x79: {  	_ =	shalt  }
0x7a: {  	_ =	shalt  }
0x7b: {  	_ =	shalt  }
0x7c: {  	_ =	shalt  }
0x7d: {  	_ =	shalt  }
0x7e: {  	_ =	shalt  }
0x7f: {  	_ =	shalt  }
0x80: {  	_ =	shalt  }
0x81: {  	_ =	shalt  }
0x82: {  	_ =	shalt  }
0x83: {  	_ =	shalt  }
0x84: {  	_ =	shalt  }
0x85: {  	_ =	shalt  }
0x86: {  	_ =	shalt  }
0x87: {  	_ =	shalt  }
.Lfunc_end0:
.L_simem_size_0:
called_computation_lowered:
.L_overlay_start_0:
0x88: {  	s2 =	sld [smem:$0x3FD9]  }
0x89: {  	s3 =	sld [smem:$0x3FFE];
	_ =	sdelay $0x1  }
0x8a: {  	s1 =	srdreg.scid  }
0x8b: {  	s0 =	sand.u32 $0x1, s1  }
0x8c: {  	s17 =	sshll.u32 s0, $0xA;
	s2 =	sadd.s32 s3, s2  }
0x8d: {  	s2 =	sadd.s32 s2, s17  }
0x8e: {  	[smem:$0x3FBA] =	sst s2  }
0x8f: {  	_ = 	snop  }
0x90: {  	s2 =	sld [smem:$0x3FC4]  }
0x91: {  	s18 =	sld [smem:$0x3FC3]  }
0x92: {  	s4 =	sld [smem:$0x3FBE]  }
0x93: {  	s5 =	sld [smem:$0x3FD0];
	(tm) =	ssettm $0x1  }
0x94: {  	s6 =	sld [smem:$0x3FFB];
	_ =	sdelay $0x3  }
0x95: {  	_ =	strace s6  }
0x96: {  	s6 =	sld [smem:$0x3FFC];
	_ =	sdelay $0x3  }
0x97: {  	_ =	strace s6  }
0x98: {  	s6 =	sld [smem:$0x3FFD];
	_ =	sdelay $0x3  }
0x99: {  	_ =	strace s6  }
0x9a: {  	_ =	strace $0x8FFFFFFF  }
0x9b: {  	s19 =	sld [smem:$0x3FDB];
	_ =	sdelay $0x1  }
0x9c: {  	s7 =	simm.s32 $_scs_section_size  }
0x9d: {  	s8 =	simm.s32 $_size__tile_overlayer_lowered;
	s9 =	simm.s32 $_tile_overlayer_lowered  }
0x9e: {  	s22 =	simm.s32 $0x1BFF;
	s21 =	sshll.u32 s9, $0x1;
	s6 =	sadd.s32 s7, s19  }
0x9f: {  	s10 =	simm.s32 $0x0;
	s20 =	sshll.u32 s8, $0x1;
	s8 =	sadd.s32 s21, s6  }
0xa0: {  	[timem:s10], [sflag:s22] =	dma.local [hbm:s8], s20  }
0xa1: {  	_ =	swait.ge [sflag:s22], s20  }
0xa2: {  	s7 =	ssub.s32 $0x0, s20;
	[sflag:s22] =	ssyncset.done $0x0  }
0xa3: {  	[sflag:s22] =	ssyncadd.s32 s7;
	_ =	sdelay $0x1  }
0xa4: {  	s23 =	simm.s32 $0x1B8B  }
0xa5: {  	_ =	swait.ge [sflag:s23], $0x1  }
0xa6: {  	[sflag:s23] =	ssyncset.done $0x0  }
0xa7: {  	s25 =	simm.s32 $0x1B8E;
	s24 =	sld [smem:$0x3FFE];
	[sflag:s23] =	ssyncadd.s32 $0xFFFFFFFF  }
0xa8: {  	s26 =	simm.s32 $execute0_lowered;
	[smem:$0x3FD2] =	sst s25  }
0xa9: {  	s8 =	sshll.u32 s26, $0x1;
	_ =	strace $0x80000046;
	[dreg:$0x1] =	wrdreg $0xFFFFFFFF  }
0xaa: {  	s28 =	simm.s32 $_size_execute0_lowered;
	s6 =	sadd.s32 s6, s8;
	[dreg:$0x0] =	wrdreg $0x0  }
0xab: {  	s8 =	sshll.u32 s28, $0x1;
	[dreg:$0x2] =	wrdreg s6  }
0xac: {  	[dreg:$0x3] =	wrdreg s8  }
0xad: {  	[dreg:$0x4] =	wrdreg $0xC0  }
0xae: {  	_ =	task [dreg:s10], $0x5FFFF  }
0xaf: {  	[dreg:$0x1] =	wrdreg $0xFFFFFFFF  }
0xb0: {  	[dreg:$0x0] =	wrdreg $0x60  }
0xb1: {  	[dreg:$0x2] =	wrdreg s24  }
0xb2: {  	[dreg:$0x3] =	wrdreg s2  }
0xb3: {  	[dreg:$0x4] =	wrdreg s18  }
0xb4: {  	[dreg:$0x5] =	wrdreg s4  }
0xb5: {  	[dreg:$0x6] =	wrdreg s5  }
0xb6: {  	[dreg:$0x7] =	wrdreg $0xBF800  }
0xb7: {  	[dreg:$0x8] =	wrdreg $0x9  }
0xb8: {  	_ =	task.clear_ibuf [dreg:s10], $0x9FFFF;
	_ =	strace $0x90000046  }
0xb9: {  	s29 =	simm.s32 $0x9;
	_ =	strace $0x80000048  }
0xba: {  	_ =	swait.ge [sflag:s29], $0x1  }
0xbb: {  	[sflag:s29] =	ssyncadd.s32 $0xFFFFFFFF  }
0xbc: {  	_ =	strace $0x90000048  }
0xbd: {  	_ =	sfence  }
0xbe: {  	s30 =	sld [smem:$0x0];
	_ =	sdelay $0x2  }
0xbf: {  	s31 =	sshll.u32 s1, $0xD;
	s1 =	sshrl.u32 s1, $0x2  }
0xc0: {  	s3 =	sand.u32 $0x4000, s31;
	s1 =	sadd.s32 s1, s30  }
0xc1: {  	s0 =	sor.u32 s3, s0;
	s1 =	sshll.u32 s1, $0x11  }
0xc2: {  	s0 =	sor.u32 s1, s0  }
0xc3: {  	s0 =	sadd.s32 $0x8F2B, s0  }
0xc4: {  	[sflag:s0] =	ssyncadd.remote.s32 $0x1  }
0xc5: {  	_ =	sfence.sel $0xFFFF  }
0xc6: {  	[dreg:$0x0] =	wrdreg $0xFFFFFFFF;
	(pc) =	sbr.abs _section_cstart, $3  }
0xc7: {  	[dreg:$0x1] =	wrdreg $0xFFFFFFFF  }
0xc8: {  	_ =	task.clear_ibuf [dreg:s10], $0x2FFFF;
	_ =	strace $0x9FFFFFFF  }
0xc9: {  	(tm) =	ssettm $0x7FFFFFFF  }
tec
execute0_lowered:
.L_overlay_start_1:
0x0: {  	(tag) =	ssettag $0x1  }
0x1: {  	s0 =	rddreg [dreg:$0x0]  }
0x2: {  	s11 =	rddreg [dreg:$0x1]  }
0x3: {  	s12 =	rddreg [dreg:$0x2]  }
0x4: {  	s13 =	rddreg [dreg:$0x4]  }
0x5: {  	s5 =	rddreg [dreg:$0x5];
	s6 =	simm.s32 $0x0  }
0x6: {  	s1 =	srdreg.scid;
	s14 =	stileid.u32;
	s29 =	simm.s32 $0x7A80  }
0x7: {  	s30 =	simm.s32 $0x8;
	s31 =	simm.s32 $0x2;
	[smem:$0x7FF] =	sst s6  }
0x8: {  	s7 =	sadd.s32 $0x33E00, s0;
	s9 =	sadd.s32 $0x1A00, s0;
	s15 =	sadd.s32 $0x82000, s0  }
0x9: {  	s2 =	sadd.s32 $0x8BE00, s0;
	s1 =	sand.u32 $0x1, s1;
	s3 =	smul.u32 $0x4E000, s14  }
0xa: {  	s0 =	sadd.s32 $0x8C000, s0;
	s8 =	sshll.u32 s14, $0x1;
	s10 =	smul.u32 $0x13800, s14  }
0xb: {  	s19 =	sshll.u32 s14, $0x6;
	s20 =	sadd.s32 $0x138000, s5;
	s22 =	sadd.s32 $0x27000, s13  }
0xc: {  	p0 =	sne.s32 s14, $0xF;
	_ =	strace $0x80000047;
	[dreg:$0x8] =	wrdreg s2  }
0xd: {  	s14 =	simm.s32 $0x7280;
	s16 =	ssub.s32 $0x2, s1;
	[dreg:$0xd] =	wrdreg s20  }
0xe: {  	s17 =	sor.u32 s1, s8;
	s1 =	smul.u32 $0x138800, s1;
	[dreg:$0xe] =	wrdreg s22  }
0xf: {  	s8 =	sor.u32 $0x1C09, s19;
	[dreg:$0x7] =	wrdreg s15;
	s19 =	simm.s32 $0x3A80  }
0x10: {  	s20 =	simm.s32 $0x4280;
	s22 =	simm.s32 $0x5280;
	s4 =	sshrl.u32 s16, $0x1  }
0x11: {  	v0 =	vimm.s32 $0xBA98FEDC;
	v1 =	vimm.s32 $0x76543210;
	s3 =	sshrl.u32 s3, $0x2;
	s18 =	sshrl.u32 s10, $0x3;
	[dreg:$0xc] =	wrdreg s8  }
0x12: {  	v2 =	vimm.s32 $0xFEDCBA98;
	v3 =	vimm.s32 $0x32107654;
	s2 =	ssub.s32 s16, s4;
	s3 =	sadd.s32 s3, s5;
	s4 =	smul.u32 $0x2710, s17  }
0x13: {  	v4 =	vimm.s32 $0xDCFE98BA;
	v5 =	vimm.s32 $0x54761032;
	s24 =	sadd.s32 s10, s1;
	s1 =	sshrl.u32 s1, $0x3;
	s16 =	simm.s32 $0xAA80  }
0x14: {  	v6 =	vimm.s32 $0xEFCDAB89;
	v7 =	vimm.s32 $0x67452301;
	s17 =	simm.s32 $0x28;
	s10 =	simm.s32 $0x1;
	[dreg:$0x9] =	wrdreg s3  }
0x15: {  	vm0 =	vmmov $0xffff;
	v0 =	vunpack.c.l.s4.s8 v0;
	v3 =	vunpack.c.l.s4.s8 v3;
	s3 =	sadd.s32 s13, s18;
	s28 =	smax.u32 s2, $0x1;
	s18 =	simm.s32 $0x3280  }
0x16: {  	v1 =	vunpack.c.l.s4.s8 v1;
	v4 =	vunpack.c.l.s4.s8 v4;
	v5 =	vunpack.c.l.s4.s8 v5;
	s2 =	simm.s32 $0xA280;
	s13 =	simm.s32 $0x3;
	[dreg:$0xb] =	wrdreg s3  }
0x17: {  	v2 =	vunpack.c.l.s4.s8 v2;
	v0 =	vunpack.c.0.s8.s32 v0;
	v3 =	vunpack.c.0.s8.s32 v3;
	[dreg:$0xa] =	wrdreg s4;
	s21 =	sshrl.u32 s4, $0x3;
	s4 =	sshrl.u32 s24, $0x3  }
0x18: {  	v6 =	vunpack.c.l.s4.s8 v6;
	v7 =	vunpack.c.l.s4.s8 v7;
	v4 =	vunpack.c.0.s8.s32 v4;
	[dreg:$0x14] =	wrdreg s28;
	s24 =	simm.s32 $0x9280;
	s23 =	sadd.s32 s11, s21  }
0x19: {  	v5 =	vunpack.c.0.s8.s32 v5;
	v2 =	vunpack.c.0.s8.s32 v2;
	v8 =	vcombine.low v3, v0;
	s25 =	sadd.s32 s15, s21;
	s3 =	sadd.s32 s12, s21;
	s26 =	sadd.s32 s0, s4  }
.Ltmp0:
0x1a: {  	v0 =	vunpack.c.0.s8.s32 v6;
	v3 =	vunpack.c.0.s8.s32 v7;
	v6 =	vlaneseq.u32;
	s0 =	sadd.s32 s0, s1;
	[dreg:$0xf] =	wrdreg s23;
	(pc) =	sbr.rel .LBB2_1-.Ltmp0, $4  }
0x1b: {  	v5 =	vcombine.low v5, v4;
	v7 =	vunpack.c.0.s8.s32 v1;
	v4 =	vshrl.u32 v6, $0x3;
	s11 =	simm.s32 $0x9;
	s21 =	simm.s32 $0x4A80;
	[dreg:$0x10] =	wrdreg s25  }
0x1c: {  	v9 =	vcombine.low v3, v0;
	s15 =	simm.s32 $0x8A80;
	v0 =	vand.u32 $0x7, v6;
	v1 =	vmul.u32 $0x8, v4;
	s1 =	simm.s32 $0x9A80;
	[dreg:$0x11] =	wrdreg s3  }
0x1d: {  	v3 =	vand.u32 $0xF, v2;
	v2 =	vor.u32 $0x8, v6;
	v4 =	vand.u32 $0xF, v8;
	s12 =	simm.s32 $0x0;
	[dreg:$0x12] =	wrdreg s26;
	s0 =	sadd.s32 $0x27000, s0  }
0x1e: {  	v5 =	vand.u32 $0xF, v5;
	s23 =	simm.s32 $0x8280;
	v3 =	vcombine.low v3, v7;
	[dreg:$0x13] =	wrdreg s0;
	v6 =	vand.u32 $0xF, v9;
	s0 =	simm.s32 $0x4  }
.LBB2_12:
0x1f: {  	_ =	swait.ge [sflag:s30], $0x1400  }
0x20: {  	[sflag:s30] =	ssyncset.done $0x0  }
0x21: {  	[sflag:s30] =	ssyncadd.s32 $0xFFFFEC00  }
0x22: {  	[bflag:$0x0] =	sbarrier.arrive $0xFFFF  }
0x23: {  	s8 =	rddreg [dreg:$0xc]  }
0x24: {  	s3 =	rddreg [dreg:$0x12]  }
0x25: {  	s11 =	simm.s32 $0x9;
	s4 =	rddreg [dreg:$0x16]  }
0x26: {  	[hbm:s3], [sflag:s8] =	dma.local [spmem:s4], $0x2700  }
0x27: {  	_ =	swait.ge [sflag:s11], $0x2700  }
0x28: {  	[sflag:s11] =	ssyncset.done $0x0;
	s3 =	rddreg [dreg:$0x13]  }
0x29: {  	s4 =	rddreg [dreg:$0x17];
	[sflag:s11] =	ssyncadd.s32 $0xFFFFD900  }
0x2a: {  	[hbm:s3], [sflag:s8] =	dma.local @!p0 [spmem:s4], $0x100  }
0x2b: {  	s3 =	simm.s32 @!p0 $0x9  }
0x2c: {  	_ =	swait.ge @!p0 [sflag:s3], $0x100  }
0x2d: {  	s12 =	rddreg [dreg:$0x15]  }
0x2e: {  	s28 =	rddreg [dreg:$0x14];
	s12 =	sadd.s32 $0x1, s12  }
0x2f: {  	p1 =	sne.s32 s12, s28  }
.Ltmp1:
0x30: {  	_ = 	snop;
	(pc) =	sbr.rel @!p1 .LBB2_13-.Ltmp1, $3  }
0x31: {  	_ =	sdelay $0x1  }
0x32: {  	[sflag:s3] =	ssyncset.done @!p0 $0x0  }
0x33: {  	[sflag:s3] =	ssyncadd.s32 @!p0 $0xFFFFFF00  }
.LBB2_1:
0x34: {  	[dreg:$0x15] =	wrdreg s12  }
0x35: {  	s3 =	rddreg [dreg:$0x9]  }
0x36: {  	s12 =	rddreg [dreg:$0xb];
	s4 =	sshrl.u32 s3, $0x3  }
0x37: {  	[dreg:$0x16] =	wrdreg s4  }
0x38: {  	[spmem:s4], [sflag:s8] =	dma.local [hbm:s12], $0x2700  }
0x39: {  	_ =	swait.ge [sflag:s11], $0x2700  }
0x3a: {  	s3 =	rddreg [dreg:$0xd]  }
0x3b: {  	[sflag:s11] =	ssyncset.done $0x0;
	s4 =	sshrl.u32 @!p0 s3, $0x3;
	s3 =	rddreg [dreg:$0xe]  }
0x3c: {  	[sflag:s11] =	ssyncadd.s32 $0xFFFFD900;
	[dreg:$0x17] =	wrdreg s4  }
0x3d: {  	[spmem:s4], [sflag:s8] =	dma.local @!p0 [hbm:s3], $0x100  }
0x3e: {  	s3 =	simm.s32 @!p0 $0x9  }
0x3f: {  	_ =	swait.ge @!p0 [sflag:s3], $0x100  }
0x40: {  	[sflag:s3] =	ssyncset.done @!p0 $0x0  }
0x41: {  	[sflag:s3] =	ssyncadd.s32 @!p0 $0xFFFFFF00  }
0x42: {  	s25 =	simm.s32 $0xBE80;
	s3 =	rddreg [dreg:$0x3]  }
0x43: {  	[tilespmem:s25], [sflag:$0x9] =	stream.linear.gather [hbm4b:s3+s6], $0x80, $0x38;
	[tilespmem:$0x1F800] =	vst v63  }
0x44: {  	_ =	swait.ge [sflag:s11], $0x80  }
0x45: {  	[sflag:s11] =	ssyncset.done $0x0  }
0x46: {  	s28 =	simm.s32 $0xBF00;
	s26 =	rddreg [dreg:$0x8];
	[sflag:s11] =	ssyncadd.s32 $0xFFFFFF80  }
0x47: {  	[tilespmem:s28], [sflag:$0x9] =	stream.linear.gather [hbm4b:s26+s6], $0x80, $0x38;
	[tilespmem:$0x1F800] =	vst v63  }
0x48: {  	_ =	swait.ge [sflag:s11], $0x80  }
0x49: {  	[sflag:s11] =	ssyncset.done $0x0  }
0x4a: {  	[sflag:s11] =	ssyncadd.s32 $0xFFFFFF80  }
0x4b: {  	[bflag:$0x0] =	sbarrier.arrive $0xFFFF  }
0x4c: {  	s4 =	rddreg [dreg:$0xf]  }
0x4d: {  	[tilespmem:s6], [sflag:$0x5] =	stream.linear.gather [hbm4b:s4+s6], $0x190, $0x38;
	[tilespmem:$0x1F800] =	vst v63  }
0x4e: {  	s12 =	simm.s32 $0x380;
	s8 =	rddreg [dreg:$0x10]  }
0x4f: {  	[tilespmem:s12], [sflag:$0x6] =	stream.linear.gather [hbm4b:s8+s6], $0x190, $0x38;
	[tilespmem:$0x1F800] =	vst v63  }
0x50: {  	s26 =	simm.s32 $0x5;
	s25 =	rddreg [dreg:$0x11];
	s4 =	simm.s32 $0x700  }
0x51: {  	[tilespmem:s4], [sflag:$0x7] =	stream.linear.gather [hbm4b:s25+s6], $0x190, $0x38;
	[tilespmem:$0x1F800] =	vst v63  }
0x52: {  	_ =	swait.ge [sflag:s26], $0x190  }
0x53: {  	[sflag:s26] =	ssyncset.done $0x0  }
0x54: {  	s28 =	simm.s32 $0x6;
	[sflag:s26] =	ssyncadd.s32 $0xFFFFFE70  }
0x55: {  	_ =	swait.ge [sflag:s28], $0x190  }
0x56: {  	[sflag:s28] =	ssyncset.done $0x0  }
0x57: {  	s8 =	simm.s32 $0x7;
	[sflag:s28] =	ssyncadd.s32 $0xFFFFFE70  }
0x58: {  	_ =	swait.ge [sflag:s8], $0x190  }
0x59: {  	[sflag:s8] =	ssyncset.done $0x0  }
0x5a: {  	[sflag:s8] =	ssyncadd.s32 $0xFFFFFE70  }
0x5b: {  	v7 =	vld [tilespmem:$0x0];
	_ =	sdelay $0x4  }
0x5c: {  	v8 =	vshll.u32 v7, $0x1  }
0x5d: {  	v7 =	vand.u32 $0x7, v7;
	v8 =	vand.u32 $0xFFFFFFF0, v8  }
0x5e: {  	v7 =	vor.u32 v7, v8  }
0x5f: {  	v8 =	vperm.xlane v7, v0;
	_ =	sdelay $0x1  }
0x60: {  	v7 =	vperm.xlane v7, v2;
	v8 =	vadd.s32 v1, v8;
	_ =	sdelay $0x1  }
0x61: {  	v7 =	vadd.s32 v1, v7;
	_ =	sdelay $0x1  }
0x62: {  	s12 =	simm.s32 $0xA80  }
0x63: {  	[tilespmem:s12], [sflag:$0x1] =	stream.indirect_vreg.gather [hbm4b:s7+s6], $0x80, v8, vm0, $0xb8;
	[tilespmem:$0x1F800] =	vst v63  }
0x64: {  	s25 =	simm.s32 $0x1280  }
0x65: {  	[tilespmem:s25], [sflag:$0x1] =	stream.indirect_vreg.gather [hbm4b:s7+s6], $0x80, v7, vm0, $0xb8;
	[tilespmem:$0x1F800] =	vst v63  }
0x66: {  	v7 =	vld [tilespmem:$0x10];
	_ =	sdelay $0x4  }
0x67: {  	v8 =	vshll.u32 v7, $0x1  }
0x68: {  	v7 =	vand.u32 $0x7, v7;
	v8 =	vand.u32 $0xFFFFFFF0, v8  }
0x69: {  	v7 =	vor.u32 v7, v8  }
0x6a: {  	v8 =	vperm.xlane v7, v0;
	_ =	sdelay $0x1  }
0x6b: {  	v7 =	vperm.xlane v7, v2;
	v8 =	vadd.s32 v1, v8;
	_ =	sdelay $0x1  }
0x6c: {  	v7 =	vadd.s32 v1, v7;
	_ =	sdelay $0x1  }
0x6d: {  	s26 =	simm.s32 $0x1A80  }
0x6e: {  	[tilespmem:s26], [sflag:$0x1] =	stream.indirect_vreg.gather [hbm4b:s7+s6], $0x80, v8, vm0, $0xb8;
	[tilespmem:$0x1F800] =	vst v63  }
0x6f: {  	s28 =	simm.s32 $0x2280  }
0x70: {  	[tilespmem:s28], [sflag:$0x1] =	stream.indirect_vreg.gather [hbm4b:s7+s6], $0x80, v7, vm0, $0xb8;
	[tilespmem:$0x1F800] =	vst v63  }
0x71: {  	v7 =	vld.msk [tilespmem:$0x20], $0xff;
	_ =	sdelay $0x4  }
0x72: {  	v8 =	vshll.u32 v7, $0x1  }
0x73: {  	v7 =	vand.u32 $0x7, v7;
	v8 =	vand.u32 $0xFFFFFFF0, v8  }
0x74: {  	v7 =	vor.u32 v7, v8  }
0x75: {  	v7 =	vperm.xlane v7, v0;
	_ =	sdelay $0x1  }
0x76: {  	v7 =	vadd.s32 v1, v7;
	_ =	sdelay $0x3  }
0x77: {  	s8 =	simm.s32 $0x2A80  }
0x78: {  	[tilespmem:s8], [sflag:$0x1] =	stream.indirect_vreg.gather [hbm4b:s7+s6], $0x80, v7, vm0, $0xb8;
	[tilespmem:$0x1F800] =	vst v63  }
0x79: {  	v7 =	vld [tilespmem:$0x380];
	_ =	sdelay $0x4  }
0x7a: {  	v8 =	vshll.u32 v7, $0x1  }
0x7b: {  	v7 =	vand.u32 $0x7, v7;
	v8 =	vand.u32 $0xFFFFFFF0, v8  }
0x7c: {  	v7 =	vor.u32 v7, v8  }
0x7d: {  	v8 =	vperm.xlane v7, v0;
	_ =	sdelay $0x1  }
0x7e: {  	v7 =	vperm.xlane v7, v2;
	v8 =	vadd.s32 v1, v8;
	_ =	sdelay $0x1  }
0x7f: {  	v7 =	vadd.s32 v1, v7;
	_ =	sdelay $0x1  }
0x80: {  	s12 =	simm.s32 $0x5A80  }
0x81: {  	[tilespmem:s12], [sflag:$0x3] =	stream.indirect_vreg.gather [hbm4b:s9+s6], $0x80, v8, vm0, $0xb8;
	[tilespmem:$0x1F800] =	vst v63  }
0x82: {  	s25 =	simm.s32 $0x6280  }
0x83: {  	[tilespmem:s25], [sflag:$0x3] =	stream.indirect_vreg.gather [hbm4b:s9+s6], $0x80, v7, vm0, $0xb8;
	[tilespmem:$0x1F800] =	vst v63  }
0x84: {  	v7 =	vld [tilespmem:$0x390];
	_ =	sdelay $0x4  }
0x85: {  	v8 =	vshll.u32 v7, $0x1  }
0x86: {  	v7 =	vand.u32 $0x7, v7;
	v8 =	vand.u32 $0xFFFFFFF0, v8  }
0x87: {  	v7 =	vor.u32 v7, v8  }
0x88: {  	v8 =	vperm.xlane v7, v0;
	_ =	sdelay $0x1  }
0x89: {  	v7 =	vperm.xlane v7, v2;
	v8 =	vadd.s32 v1, v8;
	_ =	sdelay $0x1  }
0x8a: {  	v7 =	vadd.s32 v1, v7;
	_ =	sdelay $0x1  }
0x8b: {  	s26 =	simm.s32 $0x6A80  }
0x8c: {  	[tilespmem:s26], [sflag:$0x3] =	stream.indirect_vreg.gather [hbm4b:s9+s6], $0x80, v8, vm0, $0xb8;
	[tilespmem:$0x1F800] =	vst v63  }
0x8d: {  	_ = 	snop  }
0x8e: {  	[tilespmem:s14], [sflag:$0x3] =	stream.indirect_vreg.gather [hbm4b:s9+s6], $0x80, v7, vm0, $0xb8;
	[tilespmem:$0x1F800] =	vst v63  }
0x8f: {  	v7 =	vld.msk [tilespmem:$0x3A0], $0xff;
	_ =	sdelay $0x4  }
0x90: {  	v8 =	vshll.u32 v7, $0x1  }
0x91: {  	v7 =	vand.u32 $0x7, v7;
	v8 =	vand.u32 $0xFFFFFFF0, v8  }
0x92: {  	v7 =	vor.u32 v7, v8  }
0x93: {  	v7 =	vperm.xlane v7, v0;
	_ =	sdelay $0x1  }
0x94: {  	v7 =	vadd.s32 v1, v7;
	_ =	sdelay $0x4  }
0x95: {  	[tilespmem:s29], [sflag:$0x3] =	stream.indirect_vreg.gather [hbm4b:s9+s6], $0x80, v7, vm0, $0xb8;
	[tilespmem:$0x1F800] =	vst v63  }
0x96: {  	s28 =	rddreg [dreg:$0x4]  }
0x97: {  	[tilespmem:s16], [sflag:$0x9] =	stream.linear.gather [hbm4b:s28+s6], $0x1400, $0x38;
	[tilespmem:$0x1F800] =	vst v63  }
0x98: {  	_ =	swait.ge [sflag:s11], $0x1400  }
0x99: {  	[sflag:s11] =	ssyncset.done $0x0  }
0x9a: {  	s8 =	simm.s32 $0x0;
	[sflag:s11] =	ssyncadd.s32 $0xFFFFEC00  }
0x9b: {  	[spmem:s5] =	stream.indirect.scatter.add.f32 [tilespmem:s16], [sflag:$0x8], $0x80, s4, s17, $0xb8;
	[tilespmem:$0x1F800] =	vst v63  }
.LBB2_2:
0x9c: {  	p1 =	seq.s32 s8, $0x18  }
0x9d: {  	s3 =	sadd.s32 @!p1 $0x1, s8  }
0x9e: {  	[dreg:$0x18] =	wrdreg s8;
	s4 =	smul.u32 @!p1 $0x190, s3;
	s3 =	sand.u32 @!p1 $0x1, s3  }
0x9f: {  	p2 =	seq.s32 @!p1 s3, $0x1;
	s3 =	rddreg [dreg:$0xa]  }
0xa0: {  	s11 =	rddreg [dreg:$0x1];
	s3 =	sadd.s32 @!p1 s3, s4  }
0xa1: {  	s4 =	simm.s32 @!p1 $0x190;
	p2 =	por !p2, p1;
	s3 =	sshrl.u32 @!p1 s3, $0x3  }
0xa2: {  	s12 =	simm.s32 @!p1 $0x0;
	s4 =	simm.s32 @p2 $0x0;
	s11 =	sadd.s32 @!p1 s11, s3  }
0xa3: {  	[tilespmem:s4], [sflag:$0x5] =	stream.linear.gather @!p1 [hbm4b:s11+s12], $0x190, $0x38;
	[tilespmem:$0x1F800] =	vst v63  }
0xa4: {  	s11 =	rddreg [dreg:$0x7]  }
0xa5: {  	s28 =	sand.u32 $0x1, s8;
	s8 =	sadd.s32 @!p1 $0x380, s4;
	s11 =	sadd.s32 @!p1 s11, s3  }
0xa6: {  	[tilespmem:s8], [sflag:$0x6] =	stream.linear.gather @!p1 [hbm4b:s11+s12], $0x190, $0x38;
	[tilespmem:$0x1F800] =	vst v63  }
0xa7: {  	p2 =	seq.s32 s28, $0x1;
	s8 =	simm.s32 $0x190;
	s11 =	rddreg [dreg:$0x2]  }
0xa8: {  	s4 =	sadd.s32 @!p1 $0x700, s4;
	s3 =	sadd.s32 @!p1 s11, s3;
	s8 =	simm.s32 @!p2 $0x0  }
0xa9: {  	[tilespmem:s4], [sflag:$0x7] =	stream.linear.gather @!p1 [hbm4b:s3+s12], $0x190, $0x38;
	[tilespmem:$0x1F800] =	vst v63  }
0xaa: {  	s25 =	simm.s32 $0x0;
	s3 =	simm.s32 $0x0;
	v7 =	vmov s8  }
.LBB2_3:
0xab: {  	_ =	sdelay $0x1  }
0xac: {  	s4 =	smul.u32 $0x50, s25;
	_ =	sdelay $0x1  }
0xad: {  	v8 =	vld.idx.msk [tilespmem:v7+s4+$0x28 ss:$0x1], $0xffff;
	_ =	sdelay $0x4  }
0xae: {  	v9 =	vshll.u32 v8, $0x1  }
0xaf: {  	v8 =	vand.u32 $0x7, v8;
	v9 =	vand.u32 $0xFFFFFFF0, v9  }
0xb0: {  	v8 =	vor.u32 v8, v9  }
0xb1: {  	v9 =	vperm.xlane v8, v0;
	_ =	sdelay $0x1  }
0xb2: {  	v8 =	vperm.xlane v8, v2;
	v9 =	vadd.s32 v1, v9;
	_ =	sdelay $0x1  }
0xb3: {  	v8 =	vadd.s32 v1, v8;
	_ =	sdelay $0x2  }
0xb4: {  	[tilespmem:s18], [sflag:$0x2] =	stream.indirect_vreg.gather [hbm4b:s7+s3], $0x80, v9, vm0, $0xb8;
	[tilespmem:$0x1F800] =	vst v63  }
0xb5: {  	_ = 	snop  }
0xb6: {  	[tilespmem:s19], [sflag:$0x2] =	stream.indirect_vreg.gather [hbm4b:s7+s3], $0x80, v8, vm0, $0xb8;
	[tilespmem:$0x1F800] =	vst v63  }
0xb7: {  	v8 =	vld.idx.msk [tilespmem:v7+s4+$0x38 ss:$0x1], $0xffff;
	_ =	sdelay $0x4  }
0xb8: {  	v9 =	vshll.u32 v8, $0x1  }
0xb9: {  	v8 =	vand.u32 $0x7, v8;
	v9 =	vand.u32 $0xFFFFFFF0, v9  }
0xba: {  	v8 =	vor.u32 v8, v9  }
0xbb: {  	v9 =	vperm.xlane v8, v0;
	_ =	sdelay $0x1  }
0xbc: {  	v8 =	vperm.xlane v8, v2;
	v9 =	vadd.s32 v1, v9;
	_ =	sdelay $0x1  }
0xbd: {  	v8 =	vadd.s32 v1, v8;
	_ =	sdelay $0x2  }
0xbe: {  	[tilespmem:s20], [sflag:$0x2] =	stream.indirect_vreg.gather [hbm4b:s7+s3], $0x80, v9, vm0, $0xb8;
	[tilespmem:$0x1F800] =	vst v63  }
0xbf: {  	_ = 	snop  }
0xc0: {  	[tilespmem:s21], [sflag:$0x2] =	stream.indirect_vreg.gather [hbm4b:s7+s3], $0x80, v8, vm0, $0xb8;
	[tilespmem:$0x1F800] =	vst v63  }
0xc1: {  	v8 =	vld.idx.msk [tilespmem:v7+s4+$0x48 ss:$0x1], $0xff;
	_ =	sdelay $0x4  }
0xc2: {  	v9 =	vshll.u32 v8, $0x1  }
0xc3: {  	v8 =	vand.u32 $0x7, v8;
	v9 =	vand.u32 $0xFFFFFFF0, v9  }
0xc4: {  	v8 =	vor.u32 v8, v9  }
0xc5: {  	v8 =	vperm.xlane v8, v0;
	_ =	sdelay $0x1  }
0xc6: {  	v8 =	vadd.s32 v1, v8;
	_ =	sdelay $0x4  }
0xc7: {  	[tilespmem:s22], [sflag:$0x2] =	stream.indirect_vreg.gather [hbm4b:s7+s3], $0x80, v8, vm0, $0xb8;
	[tilespmem:$0x1F800] =	vst v63  }
0xc8: {  	v8 =	vld.idx.msk [tilespmem:v7+s4+$0x3A8 ss:$0x1], $0xffff;
	_ =	sdelay $0x4  }
0xc9: {  	v9 =	vshll.u32 v8, $0x1  }
0xca: {  	v8 =	vand.u32 $0x7, v8;
	v9 =	vand.u32 $0xFFFFFFF0, v9  }
0xcb: {  	v8 =	vor.u32 v8, v9  }
0xcc: {  	v9 =	vperm.xlane v8, v0;
	_ =	sdelay $0x1  }
0xcd: {  	v8 =	vperm.xlane v8, v2;
	v9 =	vadd.s32 v1, v9;
	_ =	sdelay $0x1  }
0xce: {  	v8 =	vadd.s32 v1, v8;
	_ =	sdelay $0x2  }
0xcf: {  	[tilespmem:s23], [sflag:$0x4] =	stream.indirect_vreg.gather [hbm4b:s9+s3], $0x80, v9, vm0, $0xb8;
	[tilespmem:$0x1F800] =	vst v63  }
0xd0: {  	_ = 	snop  }
0xd1: {  	[tilespmem:s15], [sflag:$0x4] =	stream.indirect_vreg.gather [hbm4b:s9+s3], $0x80, v8, vm0, $0xb8;
	[tilespmem:$0x1F800] =	vst v63  }
0xd2: {  	v8 =	vld.idx.msk [tilespmem:v7+s4+$0x3B8 ss:$0x1], $0xffff;
	_ =	sdelay $0x4  }
0xd3: {  	v9 =	vshll.u32 v8, $0x1  }
0xd4: {  	v8 =	vand.u32 $0x7, v8;
	v9 =	vand.u32 $0xFFFFFFF0, v9  }
0xd5: {  	v8 =	vor.u32 v8, v9  }
0xd6: {  	v9 =	vperm.xlane v8, v0;
	_ =	sdelay $0x1  }
0xd7: {  	v8 =	vperm.xlane v8, v2;
	v9 =	vadd.s32 v1, v9;
	_ =	sdelay $0x1  }
0xd8: {  	v8 =	vadd.s32 v1, v8;
	_ =	sdelay $0x2  }
0xd9: {  	[tilespmem:s24], [sflag:$0x4] =	stream.indirect_vreg.gather [hbm4b:s9+s3], $0x80, v9, vm0, $0xb8;
	[tilespmem:$0x1F800] =	vst v63  }
0xda: {  	_ = 	snop  }
0xdb: {  	[tilespmem:s1], [sflag:$0x4] =	stream.indirect_vreg.gather [hbm4b:s9+s3], $0x80, v8, vm0, $0xb8;
	[tilespmem:$0x1F800] =	vst v63  }
0xdc: {  	v8 =	vld.idx.msk [tilespmem:v7+s4+$0x3C8 ss:$0x1], $0xff;
	_ =	sdelay $0x4  }
0xdd: {  	v9 =	vshll.u32 v8, $0x1  }
0xde: {  	v8 =	vand.u32 $0x7, v8;
	v9 =	vand.u32 $0xFFFFFFF0, v9  }
0xdf: {  	v8 =	vor.u32 v8, v9  }
0xe0: {  	v8 =	vperm.xlane v8, v0;
	_ =	sdelay $0x1  }
0xe1: {  	v8 =	vadd.s32 v1, v8;
	_ =	sdelay $0x4  }
0xe2: {  	[tilespmem:s2], [sflag:$0x4] =	stream.indirect_vreg.gather [hbm4b:s9+s3], $0x80, v8, vm0, $0xb8;
	[tilespmem:$0x1F800] =	vst v63  }
0xe3: {  	_ =	swait.ge [sflag:s10], $0x2800  }
0xe4: {  	[sflag:s10] =	ssyncset.done $0x0  }
0xe5: {  	[sflag:s10] =	ssyncadd.s32 $0xFFFFD800  }
0xe6: {  	_ =	swait.ge [sflag:s13], $0x2800  }
0xe7: {  	[sflag:s13] =	ssyncset.done $0x0  }
0xe8: {  	[sflag:s13] =	ssyncadd.s32 $0xFFFFD800  }
0xe9: {  	_ =	swait.ge [sflag:s30], $0x1400  }
0xea: {  	[sflag:s30] =	ssyncset.done $0x0  }
0xeb: {  	[sflag:s30] =	ssyncadd.s32 $0xFFFFEC00  }
0xec: {  	v8 =	vld [tilespmem:$0xBE80]  }
0xed: {  	v9 =	vld [tilespmem:$0xBE90]  }
0xee: {  	v10 =	vld [tilespmem:$0xBEA0]  }
0xef: {  	s28 =	sadd.s32 s8, s4;
	v11 =	vld [tilespmem:$0xBEB0]  }
0xf0: {  	s26 =	sadd.s32 $0x28, s28;
	s4 =	simm.s32 $0x0;
	v12 =	vld [tilespmem:$0xBF00]  }
.LBB2_4:
0xf1: {  	s11 =	sshll.u32 s4, $0x8  }
0xf2: {  	v13 =	vld [tilespmem:s11+$0xA80]  }
0xf3: {  	v14 =	vld [tilespmem:s11+$0x5A80]  }
0xf4: {  	v15 =	vld [tilespmem:s11+$0xA90]  }
0xf5: {  	v16 =	vld [tilespmem:s11+$0x5A90]  }
0xf6: {  	v17 =	vld [tilespmem:s11+$0xAA0]  }
0xf7: {  	v18 =	vld [tilespmem:s11+$0x5AA0]  }
0xf8: {  	v19 =	vld [tilespmem:s11+$0xAB0]  }
0xf9: {  	v13 =	vadd.f32 v14, v13;
	v14 =	vld [tilespmem:s11+$0x5AB0]  }
0xfa: {  	v15 =	vadd.f32 v16, v15  }
0xfb: {  	v36 =	vmul.f32 $2.291666720e-01, v13  }
0xfc: {  	v17 =	vadd.f32 v18, v17;
	vm1 =	vge.f32 v13, $0.0e+00;
	v20 =	vmul.f32 $2.291666720e-01, v15  }
0xfd: {  	v13 =	vsel vm1, v13, v36;
	vm1 =	vge.f32 v15, $0.0e+00  }
0xfe: {  	v37 =	vmul.f32 $2.291666720e-01, v17;
	v15 =	vsel vm1, v15, v20;
	v14 =	vadd.f32 v14, v19  }
0xff: {  	v13 =	vmul.f32 v13, v8;
	vm1 =	vge.f32 v17, $0.0e+00;
	v15 =	vmul.f32 v15, v9  }
0x100: {  	v16 =	vsel vm1, v17, v37;
	v38 =	vmul.f32 $2.291666720e-01, v14  }
0x101: {  	vm1 =	vge.f32 v14, $0.0e+00;
	v13 =	vadd.f32 v15, v13;
	v15 =	vmul.f32 v16, v10  }
0x102: {  	v14 =	vsel vm1, v14, v38  }
0x103: {  	v13 =	vadd.f32 v15, v13;
	v14 =	vmul.f32 v14, v11;
	_ =	sdelay $0x1  }
0x104: {  	v13 =	vadd.f32 v14, v13;
	_ =	sdelay $0x1  }
0x105: {  	v14 =	vperm.xlane v13, v3;
	_ =	sdelay $0x1  }
0x106: {  	v13 =	vadd.f32 v13, v14  }
0x107: {  	v39 =	vld [tilespmem:s11+$0xB10]  }
0x108: {  	v41 =	vld [tilespmem:s11+$0x5B10];
	v14 =	vperm.xlane v13, v4  }
0x109: {  	v15 =	vld [tilespmem:s11+$0xB00]  }
0x10a: {  	v13 =	vadd.f32 v13, v14;
	v14 =	vld [tilespmem:s11+$0x5B00]  }
0x10b: {  	v42 =	vld [tilespmem:s11+$0xB20]  }
0x10c: {  	v43 =	vld [tilespmem:s11+$0x5B20];
	v40 =	vperm.xlane v13, v5;
	_ =	sdelay $0x1  }
0x10d: {  	v44 =	vld [tilespmem:s11+$0xB30];
	v13 =	vadd.f32 v13, v40  }
0x10e: {  	v14 =	vadd.f32 v14, v15;
	v15 =	vld [tilespmem:s11+$0x5B30]  }
0x10f: {  	v16 =	vadd.f32 v41, v39;
	v21 =	vperm.xlane v13, v6  }
0x110: {  	v17 =	vadd.f32 v43, v42;
	v45 =	vmul.f32 $2.291666720e-01, v14  }
0x111: {  	v46 =	vmul.f32 $2.291666720e-01, v16;
	vm1 =	vge.f32 v14, $0.0e+00;
	v13 =	vadd.f32 v13, v21  }
0x112: {  	v47 =	vmul.f32 $2.291666720e-01, v17;
	v14 =	vsel vm1, v14, v45;
	vm1 =	vge.f32 v16, $0.0e+00  }
0x113: {  	v13 =	vadd.f32 v13, v12;
	v16 =	vsel vm1, v16, v46;
	v15 =	vadd.f32 v15, v44  }
0x114: {  	v14 =	vmul.f32 v14, v8;
	vm1 =	vge.f32 v17, $0.0e+00;
	v16 =	vmul.f32 v16, v9  }
0x115: {  	v17 =	vsel vm1, v17, v47;
	v13 =	vsub.f32 $0.0e+00, v13;
	v48 =	vmul.f32 $2.291666720e-01, v15  }
0x116: {  	v49 =	vmul.f32 v17, v10;
	vm1 =	vge.f32 v15, $0.0e+00;
	v14 =	vadd.f32 v16, v14  }
0x117: {  	v15 =	vsel vm1, v15, v48  }
0x118: {  	v13 =	vmul.f32 $1.442695020e+00, v13;
	v14 =	vadd.f32 v49, v14;
	v15 =	vmul.f32 v15, v11;
	_ =	sdelay $0x1  }
0x119: {  	(erf) = vpow2.f32 v13;
	v13 =	vadd.f32 v15, v14  }
0x11a: {  	v50 =	vld [tilespmem:s11+$0xB90]  }
0x11b: {  	v52 =	vld [tilespmem:s11+$0x5B90];
	v14 =	vperm.xlane v13, v3  }
0x11c: {  	v15 =	vld [tilespmem:s11+$0xB80]  }
0x11d: {  	v13 =	vadd.f32 v13, v14;
	v14 =	vld [tilespmem:s11+$0x5B80]  }
0x11e: {  	v53 =	vld [tilespmem:s11+$0xBA0]  }
0x11f: {  	v54 =	vld [tilespmem:s11+$0x5BA0];
	_ =	sdelay $0x1  }
0x120: {  	v56 =	vld [tilespmem:s11+$0xBB0];
	v51 =	vperm.xlane v13, v4  }
0x121: {  	v14 =	vadd.f32 v14, v15;
	v15 =	vld [tilespmem:s11+$0x5BB0]  }
0x122: {  	v16 =	vadd.f32 v52, v50;
	v13 =	vadd.f32 v13, v51  }
0x123: {  	v17 =	vadd.f32 v54, v53;
	v57 =	vmul.f32 $2.291666720e-01, v14  }
0x124: {  	v58 =	vmul.f32 $2.291666720e-01, v16;
	v22 =	vperm.xlane v13, v5;
	vm1 =	vge.f32 v14, $0.0e+00  }
0x125: {  	v60 =	vmul.f32 $2.291666720e-01, v17;
	v14 =	vsel vm1, v14, v57;
	vm1 =	vge.f32 v16, $0.0e+00  }
0x126: {  	v13 =	vadd.f32 v13, v22;
	v16 =	vsel vm1, v16, v58;
	v15 =	vadd.f32 v15, v56  }
0x127: {  	v61 =	vld [tilespmem:s11+$0xAC0];
	v14 =	vmul.f32 v14, v8;
	vm1 =	vge.f32 v17, $0.0e+00;
	v16 =	vmul.f32 v16, v9  }
0x128: {  	v63 =	vld [tilespmem:s11+$0x5AC0];
	v59 =	vperm.xlane v13, v6;
	v17 =	vsel vm1, v17, v60;
	v62 =	vmul.f32 $2.291666720e-01, v15  }
0x129: {  	v25 =	vld [tilespmem:s11+$0xC00];
	v24 =	vmul.f32 v17, v10;
	vm1 =	vge.f32 v15, $0.0e+00;
	v14 =	vadd.f32 v16, v14  }
0x12a: {  	v26 =	vld [tilespmem:s11+$0x5C00];
	v15 =	vsel vm1, v15, v62  }
0x12b: {  	v27 =	vld [tilespmem:s11+$0xC10];
	v13 =	vadd.f32 v13, v59;
	v14 =	vadd.f32 v24, v14;
	v15 =	vmul.f32 v15, v11  }
0x12c: {  	v28 =	vld [tilespmem:s11+$0xC20]  }
0x12d: {  	v55 =	vpop (erf);
	v13 =	vadd.f32 v13, v12;
	v14 =	vadd.f32 v15, v14;
	v15 =	vld [tilespmem:s11+$0x5C10]  }
0x12e: {  	v23 =	vld [tilespmem:s11+$0x5C20];
	v20 =	vadd.f32 $1.000000000e+00, v55  }
0x12f: {  	v13 =	vsub.f32 $0.0e+00, v13  }
0x130: {  	v30 =	vld [tilespmem:s11+$0xC30];
	(erf) = vrcp.f32 v20  }
0x131: {  	v31 =	vld [tilespmem:s11+$0x5C30];
	v16 =	vadd.f32 v26, v25;
	v13 =	vmul.f32 $1.442695020e+00, v13  }
0x132: {  	v19 =	vadd.f32 v63, v61;
	v29 =	vperm.xlane v14, v3;
	v15 =	vadd.f32 v15, v27  }
0x133: {  	v21 =	vadd.f32 v23, v28;
	v33 =	vmul.f32 $2.291666720e-01, v16;
	(erf) = vpow2.f32 v13  }
0x134: {  	vm1 =	vge.f32 v16, $0.0e+00;
	v14 =	vadd.f32 v14, v29;
	v24 =	vmul.f32 $2.291666720e-01, v15  }
0x135: {  	v34 =	vmul.f32 $2.291666720e-01, v21;
	v16 =	vsel vm1, v16, v33;
	vm1 =	vge.f32 v15, $0.0e+00  }
0x136: {  	v17 =	vadd.f32 v31, v30;
	v32 =	vperm.xlane v14, v4;
	v15 =	vsel vm1, v15, v24  }
0x137: {  	v16 =	vmul.f32 v16, v8;
	vm1 =	vge.f32 v21, $0.0e+00;
	v15 =	vmul.f32 v15, v9  }
0x138: {  	v63 =	vld [tilespmem:s11+$0xD00];
	v36 =	vmul.f32 $2.291666720e-01, v17;
	v14 =	vadd.f32 v14, v32;
	v18 =	vsel vm1, v21, v34  }
0x139: {  	v45 =	vld [tilespmem:s11+$0xC80];
	v13 =	vpop (erf);
	vm1 =	vge.f32 v17, $0.0e+00;
	v38 =	vmul.f32 v18, v10;
	v15 =	vadd.f32 v15, v16  }
0x13a: {  	s12 =	sshll.u32 s4, $0x7;
	v47 =	vld [tilespmem:s11+$0x5C80];
	v19 =	vmul.f32 v13, v19;
	v35 =	vperm.xlane v14, v5;
	v17 =	vsel vm1, v17, v36  }
0x13b: {  	s12 =	sand.u32 $0x3FFFFF80, s12;
	v50 =	vld [tilespmem:s11+$0xCA0];
	v41 =	vmul.f32 v17, v11;
	v15 =	vadd.f32 v38, v15  }
0x13c: {  	v25 =	vld [tilespmem:s11+$0x5CA0];
	[tilespmem:s12+$0xAA80] =	vst v19;
	v37 =	vpop (erf);
	v14 =	vadd.f32 v14, v35  }
0x13d: {  	v39 =	vld [tilespmem:s11+$0xAD0];
	v19 =	vadd.f32 $1.000000000e+00, v37;
	v15 =	vadd.f32 v41, v15  }
0x13e: {  	v40 =	vld [tilespmem:s11+$0x5AD0];
	v43 =	vperm.xlane v14, v6  }
0x13f: {  	v48 =	vld [tilespmem:s11+$0xC90];
	(erf) = vrcp.f32 v19;
	v46 =	vperm.xlane v15, v3  }
0x140: {  	v49 =	vld [tilespmem:s11+$0x5C90];
	v14 =	vadd.f32 v14, v43  }
0x141: {  	v42 =	vld [tilespmem:s11+$0xB40];
	v15 =	vadd.f32 v15, v46  }
0x142: {  	v28 =	vld [tilespmem:s11+$0xDB0];
	v24 =	vadd.f32 v25, v50;
	v14 =	vadd.f32 v14, v12  }
0x143: {  	v44 =	vld [tilespmem:s11+$0x5B40];
	v18 =	vadd.f32 v40, v39;
	v51 =	vperm.xlane v15, v4  }
0x144: {  	v53 =	vld [tilespmem:s11+$0x5CB0];
	v55 =	vmul.f32 $2.291666720e-01, v24;
	v16 =	vadd.f32 v47, v45;
	v14 =	vsub.f32 $0.0e+00, v14  }
0x145: {  	v26 =	vld [tilespmem:s11+$0xCB0];
	v19 =	vadd.f32 v49, v48;
	v18 =	vmul.f32 v13, v18;
	v15 =	vadd.f32 v15, v51  }
0x146: {  	v31 =	vld [tilespmem:s11+$0x5D00];
	v22 =	vmul.f32 $2.291666720e-01, v16;
	v52 =	vmul.f32 $1.442695020e+00, v14  }
0x147: {  	v33 =	vld [tilespmem:s11+$0x5D10];
	vm1 =	vge.f32 v16, $0.0e+00;
	v23 =	vmul.f32 $2.291666720e-01, v19;
	[tilespmem:s12+$0xAA90] =	vst v18;
	v54 =	vperm.xlane v15, v5  }
0x148: {  	v16 =	vsel vm1, v16, v22;
	vm1 =	vge.f32 v19, $0.0e+00;
	v18 =	vld [tilespmem:s11+$0xAE0];
	v14 =	vpop (erf);
	(erf) = vpow2.f32 v52  }
0x149: {  	v17 =	vadd.f32 v44, v42;
	v19 =	vsel vm1, v19, v23;
	v56 =	vld [tilespmem:s11+$0x5AE0];
	v15 =	vadd.f32 v15, v54  }
0x14a: {  	v20 =	vadd.f32 v53, v26;
	v27 =	vld [tilespmem:s11+$0x5D20];
	v16 =	vmul.f32 v16, v8;
	v57 =	vmul.f32 v19, v9  }
0x14b: {  	v35 =	vld [tilespmem:s11+$0xD20];
	vm1 =	vge.f32 v24, $0.0e+00;
	v17 =	vmul.f32 v14, v17;
	v59 =	vperm.xlane v15, v6  }
0x14c: {  	v60 =	vmul.f32 $2.291666720e-01, v20;
	v37 =	vld [tilespmem:s11+$0xD30];
	v21 =	vsel vm1, v24, v55;
	vm1 =	vge.f32 v20, $0.0e+00  }
0x14d: {  	v38 =	vld [tilespmem:s11+$0x5D30];
	v62 =	vmul.f32 v21, v10;
	v16 =	vadd.f32 v57, v16;
	[tilespmem:s12+$0xAB00] =	vst v17;
	v15 =	vadd.f32 v15, v59  }
0x14e: {  	v20 =	vsel vm1, v20, v60;
	v18 =	vadd.f32 v56, v18;
	v58 =	vld [tilespmem:s11+$0xB50]  }
0x14f: {  	v30 =	vmul.f32 v20, v11;
	v16 =	vadd.f32 v62, v16;
	v61 =	vld [tilespmem:s11+$0x5B50];
	v15 =	vadd.f32 v15, v12  }
0x150: {  	v32 =	vld [tilespmem:s11+$0xD10];
	v24 =	vadd.f32 v27, v35;
	v18 =	vmul.f32 v13, v18  }
0x151: {  	v53 =	vld [tilespmem:s11+$0x5D80];
	v16 =	vadd.f32 v30, v16;
	v34 =	vpop (erf);
	v15 =	vsub.f32 $0.0e+00, v15  }
0x152: {  	v55 =	vld [tilespmem:s11+$0xD90];
	v21 =	vadd.f32 v38, v37;
	[tilespmem:s12+$0xAAA0] =	vst v18;
	v22 =	vadd.f32 $1.000000000e+00, v34  }
0x153: {  	v20 =	vadd.f32 v31, v63;
	v36 =	vperm.xlane v16, v3;
	v18 =	vld [tilespmem:s11+$0xAF0];
	v15 =	vmul.f32 $1.442695020e+00, v15  }
0x154: {  	v42 =	vmul.f32 $2.291666720e-01, v24;
	v47 =	vld [tilespmem:s11+$0x5AF0];
	v19 =	vadd.f32 v61, v58;
	(erf) = vrcp.f32 v22  }
0x155: {  	v37 =	vld [tilespmem:s11+$0xBC0];
	v16 =	vadd.f32 v16, v36;
	(erf) = vpow2.f32 v15;
	v15 =	vadd.f32 v33, v32  }
0x156: {  	v40 =	vmul.f32 $2.291666720e-01, v20;
	v62 =	vld [tilespmem:s11+$0x5DB0];
	v19 =	vmul.f32 v14, v19  }
0x157: {  	vm1 =	vge.f32 v20, $0.0e+00;
	v39 =	vperm.xlane v16, v4;
	v59 =	vld [tilespmem:s11+$0xDA0];
	v23 =	vmul.f32 $2.291666720e-01, v15  }
0x158: {  	v44 =	vmul.f32 $2.291666720e-01, v21;
	v41 =	vsel vm1, v20, v40;
	v61 =	vld [tilespmem:s11+$0x5DA0];
	[tilespmem:s12+$0xAB10] =	vst v19;
	vm1 =	vge.f32 v15, $0.0e+00  }
0x159: {  	v16 =	vadd.f32 v16, v39;
	v18 =	vadd.f32 v47, v18;
	v19 =	vld [tilespmem:s11+$0xB60];
	v15 =	vsel vm1, v15, v23  }
0x15a: {  	v17 =	vmul.f32 v41, v8;
	v50 =	vld [tilespmem:s11+$0x5B60];
	vm1 =	vge.f32 v24, $0.0e+00;
	v15 =	vmul.f32 v15, v9  }
0x15b: {  	v56 =	vld [tilespmem:s11+$0x5D90];
	v43 =	vperm.xlane v16, v5;
	v18 =	vmul.f32 v18, v13;
	v20 =	vsel vm1, v24, v42  }
0x15c: {  	v51 =	vld [tilespmem:s11+$0xD80];
	vm1 =	vge.f32 v21, $0.0e+00;
	v45 =	vmul.f32 v20, v10;
	v15 =	vadd.f32 v15, v17  }
0x15d: {  	v39 =	vld [tilespmem:s11+$0x5BC0];
	v16 =	vadd.f32 v16, v43;
	v46 =	vsel vm1, v21, v44  }
0x15e: {  	v47 =	vld [tilespmem:s11+$0x5E20];
	[tilespmem:s12+$0xAAB0] =	vst v18;
	v18 =	vadd.f32 v62, v28;
	v48 =	vmul.f32 v46, v11;
	v15 =	vadd.f32 v45, v15  }
0x15f: {  	v49 =	vperm.xlane v16, v6;
	v19 =	vadd.f32 v50, v19;
	v24 =	vadd.f32 v61, v59;
	v46 =	vld [tilespmem:s11+$0xE20]  }
0x160: {  	v41 =	vmul.f32 $2.291666720e-01, v18;
	v20 =	vadd.f32 v56, v55;
	v17 =	vadd.f32 v48, v15  }
0x161: {  	v19 =	vmul.f32 v14, v19;
	v15 =	vadd.f32 v16, v49;
	v16 =	vadd.f32 v53, v51  }
0x162: {  	v38 =	vmul.f32 $2.291666720e-01, v24;
	v35 =	vmul.f32 $2.291666720e-01, v20;
	v49 =	vld [tilespmem:s11+$0xE30]  }
0x163: {  	[tilespmem:s12+$0xAB20] =	vst v19;
	v19 =	vadd.f32 v39, v37;
	v51 =	vld [tilespmem:s11+$0x5E30];
	v52 =	vperm.xlane v17, v3;
	v23 =	vmul.f32 $2.291666720e-01, v16  }
0x164: {  	v27 =	vadd.f32 v47, v46;
	v54 =	vadd.f32 v15, v12;
	vm1 =	vge.f32 v16, $0.0e+00  }
0x165: {  	v17 =	vadd.f32 v17, v52;
	v16 =	vsel vm1, v16, v23;
	vm1 =	vge.f32 v20, $0.0e+00  }
0x166: {  	v29 =	vld [tilespmem:s11+$0xE00];
	v55 =	vmul.f32 $2.291666720e-01, v27;
	v15 =	vpop (erf);
	v58 =	vsub.f32 $0.0e+00, v54;
	v20 =	vsel vm1, v20, v35  }
0x167: {  	v43 =	vld [tilespmem:s11+$0x5E00];
	v57 =	vpop (erf);
	v16 =	vmul.f32 v16, v8;
	vm1 =	vge.f32 v24, $0.0e+00;
	v60 =	vperm.xlane v17, v4  }
0x168: {  	v44 =	vld [tilespmem:s11+$0xE10];
	v56 =	vadd.f32 v51, v49;
	v21 =	vadd.f32 $1.000000000e+00, v57;
	v20 =	vmul.f32 v20, v9  }
0x169: {  	v45 =	vld [tilespmem:s11+$0x5E10];
	v22 =	vmul.f32 $1.442695020e+00, v58;
	v23 =	vsel vm1, v24, v38;
	v17 =	vadd.f32 v17, v60  }
0x16a: {  	vm1 =	vge.f32 v18, $0.0e+00;
	v42 =	vmul.f32 v23, v10;
	v16 =	vadd.f32 v20, v16  }
0x16b: {  	v18 =	vsel vm1, v18, v41;
	(erf) = vrcp.f32 v21;
	v33 =	vperm.xlane v17, v5  }
0x16c: {  	v18 =	vmul.f32 v18, v11;
	(erf) = vpow2.f32 v22;
	v16 =	vadd.f32 v42, v16  }
0x16d: {  	v19 =	vmul.f32 v15, v19;
	v23 =	vadd.f32 v43, v29;
	v17 =	vadd.f32 v17, v33  }
0x16e: {  	v20 =	vadd.f32 v45, v44;
	v60 =	vmul.f32 $2.291666720e-01, v56;
	v18 =	vadd.f32 v18, v16  }
0x16f: {  	v52 =	vmul.f32 $2.291666720e-01, v23;
	v40 =	vperm.xlane v17, v6  }
0x170: {  	vm1 =	vge.f32 v23, $0.0e+00;
	v53 =	vmul.f32 $2.291666720e-01, v20;
	v30 =	vperm.xlane v18, v3  }
0x171: {  	v63 =	vld [tilespmem:s11+$0xE80];
	v23 =	vsel vm1, v23, v52;
	vm1 =	vge.f32 v20, $0.0e+00;
	v17 =	vadd.f32 v17, v40  }
0x172: {  	v32 =	vld [tilespmem:s11+$0x5E80];
	v20 =	vsel vm1, v20, v53;
	v23 =	vmul.f32 v23, v8;
	v18 =	vadd.f32 v18, v30  }
0x173: {  	vm1 =	vge.f32 v27, $0.0e+00;
	v20 =	vmul.f32 v20, v9;
	v17 =	vadd.f32 v17, v12  }
0x174: {  	v59 =	vsel vm1, v27, v55;
	vm1 =	vge.f32 v56, $0.0e+00;
	v16 =	vpop (erf);
	v54 =	vperm.xlane v18, v4  }
0x175: {  	[tilespmem:s12+$0xAB80] =	vst v19;
	v19 =	vmul.f32 v59, v10;
	v20 =	vadd.f32 v20, v23;
	v50 =	vpop (erf);
	v17 =	vsub.f32 $0.0e+00, v17  }
0x176: {  	v34 =	vld [tilespmem:s11+$0xB70];
	v22 =	vsel vm1, v56, v60;
	v26 =	vadd.f32 $1.000000000e+00, v50;
	v18 =	vadd.f32 v18, v54  }
0x177: {  	v36 =	vld [tilespmem:s11+$0x5B70];
	v21 =	vadd.f32 v32, v63;
	v30 =	vmul.f32 v22, v11;
	v17 =	vmul.f32 $1.442695020e+00, v17  }
0x178: {  	v28 =	vadd.f32 v19, v20;
	(erf) = vrcp.f32 v26;
	v63 =	vperm.xlane v18, v5  }
0x179: {  	v61 =	vld [tilespmem:s11+$0xBD0];
	(erf) = vpow2.f32 v17  }
0x17a: {  	v62 =	vld [tilespmem:s11+$0x5BD0];
	v18 =	vadd.f32 v18, v63;
	v17 =	vadd.f32 v30, v28;
	_ =	sdelay $0x1  }
0x17b: {  	v25 =	vadd.f32 v36, v34;
	v33 =	vperm.xlane v18, v6;
	v36 =	vperm.xlane v17, v3;
	_ =	sdelay $0x1  }
0x17c: {  	v48 =	vmul.f32 v25, v14;
	v18 =	vadd.f32 v18, v33;
	v40 =	vadd.f32 v17, v36  }
0x17d: {  	v35 =	vadd.f32 v62, v61  }
0x17e: {  	[tilespmem:s12+$0xAB30] =	vst v48;
	v31 =	vmul.f32 v21, v13;
	v18 =	vadd.f32 v18, v12;
	v43 =	vperm.xlane v40, v4  }
0x17f: {  	v57 =	vld [tilespmem:s11+$0xF00];
	v39 =	vmul.f32 v15, v35;
	v17 =	vpop (erf)  }
0x180: {  	v58 =	vld [tilespmem:s11+$0x5F00];
	[tilespmem:s12+$0xAAC0] =	vst v31;
	v18 =	vsub.f32 $0.0e+00, v18;
	v20 =	vadd.f32 v40, v43;
	v45 =	vpop (erf)  }
0x181: {  	v37 =	vld [tilespmem:s11+$0xE90];
	[tilespmem:s12+$0xAB90] =	vst v39;
	v26 =	vadd.f32 $1.000000000e+00, v45  }
0x182: {  	v44 =	vld [tilespmem:s11+$0xBE0];
	v18 =	vmul.f32 $1.442695020e+00, v18;
	v21 =	vperm.xlane v20, v5  }
0x183: {  	v46 =	vld [tilespmem:s11+$0x5BE0];
	(erf) = vrcp.f32 v26  }
0x184: {  	v38 =	vld [tilespmem:s11+$0x5E90];
	v47 =	vadd.f32 v20, v21;
	(erf) = vpow2.f32 v18;
	_ =	sdelay $0x1  }
0x185: {  	v32 =	vadd.f32 v58, v57;
	v51 =	vperm.xlane v47, v6;
	_ =	sdelay $0x1  }
0x186: {  	v34 =	vmul.f32 v32, v14;
	v49 =	vadd.f32 v46, v44;
	v18 =	vadd.f32 v47, v51  }
0x187: {  	v19 =	vadd.f32 v38, v37  }
0x188: {  	v31 =	vld [tilespmem:s11+$0x5D40];
	[tilespmem:s12+$0xAB40] =	vst v34;
	v53 =	vmul.f32 v15, v49  }
0x189: {  	v41 =	vld [tilespmem:s11+$0xF10];
	v19 =	vmul.f32 v19, v13;
	v56 =	vadd.f32 v18, v12  }
0x18a: {  	v42 =	vld [tilespmem:s11+$0x5F10];
	[tilespmem:s12+$0xABA0] =	vst v53;
	v18 =	vpop (erf)  }
0x18b: {  	[tilespmem:s12+$0xAAD0] =	vst v19;
	v19 =	vld [tilespmem:s11+$0xBF0];
	v24 =	vsub.f32 $0.0e+00, v56;
	v58 =	vpop (erf)  }
0x18c: {  	v57 =	vld [tilespmem:s11+$0x5BF0];
	v23 =	vadd.f32 $1.000000000e+00, v58  }
0x18d: {  	v34 =	vld [tilespmem:s11+$0x5CC0];
	v59 =	vmul.f32 $1.442695020e+00, v24  }
0x18e: {  	v33 =	vld [tilespmem:s11+$0xCC0];
	(erf) = vrcp.f32 v23  }
0x18f: {  	v62 =	vld [tilespmem:s11+$0xC40];
	(erf) = vpow2.f32 v59  }
0x190: {  	v32 =	vld [tilespmem:s11+$0x5E40]  }
0x191: {  	v39 =	vld [tilespmem:s11+$0xE40];
	v22 =	vadd.f32 v42, v41;
	v19 =	vadd.f32 v57, v19  }
0x192: {  	v37 =	vld [tilespmem:s11+$0xDC0]  }
0x193: {  	v50 =	vld [tilespmem:s11+$0xEA0];
	v48 =	vmul.f32 v22, v14;
	v27 =	vadd.f32 v34, v33;
	v19 =	vmul.f32 v19, v15  }
0x194: {  	v52 =	vld [tilespmem:s11+$0x5EA0]  }
0x195: {  	v63 =	vld [tilespmem:s11+$0x5C40];
	[tilespmem:s12+$0xAB50] =	vst v48;
	v40 =	vmul.f32 v17, v27  }
0x196: {  	v54 =	vld [tilespmem:s11+$0xF20];
	[tilespmem:s12+$0xABB0] =	vst v19  }
0x197: {  	v55 =	vld [tilespmem:s11+$0x5F20];
	[tilespmem:s12+$0xAC80] =	vst v40;
	v19 =	vpop (erf)  }
0x198: {  	v45 =	vld [tilespmem:s11+$0xCD0];
	v35 =	vpop (erf)  }
0x199: {  	v21 =	vadd.f32 v52, v50;
	v46 =	vld [tilespmem:s11+$0x5CD0];
	v29 =	vadd.f32 $1.000000000e+00, v35  }
0x19a: {  	v36 =	vld [tilespmem:s11+$0xD40]  }
0x19b: {  	v38 =	vld [tilespmem:s11+$0x5DC0];
	v21 =	vmul.f32 v21, v13;
	v24 =	vadd.f32 v63, v62;
	(erf) = vrcp.f32 v29  }
0x19c: {  	v20 =	vadd.f32 v55, v54;
	v61 =	vld [tilespmem:s11+$0xF80]  }
0x19d: {  	v33 =	vld [tilespmem:s11+$0x5F80];
	[tilespmem:s12+$0xAAE0] =	vst v21;
	v24 =	vmul.f32 v16, v24  }
0x19e: {  	v60 =	vmul.f32 v20, v14;
	v20 =	vld [tilespmem:s11+$0xEB0];
	v27 =	vadd.f32 v46, v45  }
0x19f: {  	v41 =	vadd.f32 v31, v36;
	v21 =	vld [tilespmem:s11+$0x5EB0];
	[tilespmem:s12+$0xAC00] =	vst v24  }
0x1a0: {  	v56 =	vmul.f32 v17, v27;
	v42 =	vld [tilespmem:s11+$0xC50]  }
0x1a1: {  	v26 =	vadd.f32 v38, v37;
	[tilespmem:s12+$0xAB60] =	vst v60;
	v44 =	vmul.f32 v18, v41;
	v43 =	vld [tilespmem:s11+$0x5C50]  }
0x1a2: {  	v22 =	vld [tilespmem:s11+$0xF30];
	[tilespmem:s12+$0xAC90] =	vst v56  }
0x1a3: {  	v28 =	vadd.f32 v32, v39;
	[tilespmem:s12+$0xAD00] =	vst v44;
	v62 =	vld [tilespmem:s11+$0xCE0];
	v26 =	vmul.f32 v19, v26  }
0x1a4: {  	v47 =	vld [tilespmem:s11+$0xD50];
	v24 =	vpop (erf)  }
0x1a5: {  	v48 =	vld [tilespmem:s11+$0x5D50];
	[tilespmem:s12+$0xAD80] =	vst v26;
	v49 =	vmul.f32 v24, v28  }
0x1a6: {  	v50 =	vadd.f32 v43, v42;
	v51 =	vld [tilespmem:s11+$0xDD0]  }
0x1a7: {  	v52 =	vld [tilespmem:s11+$0x5DD0];
	[tilespmem:s12+$0xAE00] =	vst v49  }
0x1a8: {  	v25 =	vadd.f32 v33, v61;
	v53 =	vmul.f32 v16, v50;
	v54 =	vld [tilespmem:s11+$0xE50]  }
0x1a9: {  	v55 =	vld [tilespmem:s11+$0x5E50]  }
0x1aa: {  	v25 =	vmul.f32 v25, v15;
	v63 =	vld [tilespmem:s11+$0x5CE0];
	v57 =	vadd.f32 v48, v47;
	[tilespmem:s12+$0xAC10] =	vst v53  }
0x1ab: {  	v58 =	vld [tilespmem:s11+$0xC60]  }
0x1ac: {  	[tilespmem:s12+$0xABC0] =	vst v25;
	v60 =	vmul.f32 v18, v57;
	v59 =	vld [tilespmem:s11+$0x5C60];
	v61 =	vadd.f32 v52, v51  }
0x1ad: {  	v34 =	vld [tilespmem:s11+$0x5F90]  }
0x1ae: {  	v23 =	vld [tilespmem:s11+$0x5F30];
	[tilespmem:s12+$0xAD10] =	vst v60;
	v35 =	vmul.f32 v19, v61;
	v25 =	vadd.f32 v55, v54  }
0x1af: {  	v36 =	vld [tilespmem:s11+$0xD60]  }
0x1b0: {  	v37 =	vld [tilespmem:s11+$0x5D60];
	[tilespmem:s12+$0xAD90] =	vst v35;
	v25 =	vmul.f32 v24, v25  }
0x1b1: {  	v38 =	vadd.f32 v59, v58;
	v39 =	vld [tilespmem:s11+$0xDE0]  }
0x1b2: {  	v40 =	vld [tilespmem:s11+$0x5DE0];
	[tilespmem:s12+$0xAE10] =	vst v25  }
0x1b3: {  	v42 =	vadd.f32 v63, v62;
	v41 =	vmul.f32 v16, v38;
	v43 =	vld [tilespmem:s11+$0xE60]  }
0x1b4: {  	v44 =	vld [tilespmem:s11+$0x5E60]  }
0x1b5: {  	v45 =	vmul.f32 v17, v42;
	v29 =	vld [tilespmem:s11+$0xF90];
	v46 =	vadd.f32 v37, v36;
	[tilespmem:s12+$0xAC20] =	vst v41  }
0x1b6: {  	v47 =	vld [tilespmem:s11+$0xC70]  }
0x1b7: {  	[tilespmem:s12+$0xACA0] =	vst v45;
	v48 =	vld [tilespmem:s11+$0x5C70];
	v49 =	vmul.f32 v18, v46;
	v50 =	vadd.f32 v40, v39  }
0x1b8: {  	v51 =	vld [tilespmem:s11+$0xCF0]  }
0x1b9: {  	v52 =	vld [tilespmem:s11+$0x5CF0];
	[tilespmem:s12+$0xAD20] =	vst v49;
	v53 =	vmul.f32 v19, v50;
	v54 =	vadd.f32 v44, v43  }
0x1ba: {  	v56 =	vld [tilespmem:s11+$0x5D70]  }
0x1bb: {  	v29 =	vadd.f32 v34, v29;
	v55 =	vld [tilespmem:s11+$0xD70];
	[tilespmem:s12+$0xADA0] =	vst v53;
	v57 =	vmul.f32 v24, v54  }
0x1bc: {  	v58 =	vadd.f32 v48, v47;
	v59 =	vld [tilespmem:s11+$0xDF0]  }
0x1bd: {  	v60 =	vmul.f32 v29, v15;
	v61 =	vld [tilespmem:s11+$0x5DF0];
	[tilespmem:s12+$0xAE20] =	vst v57  }
0x1be: {  	v63 =	vadd.f32 v52, v51;
	v62 =	vmul.f32 v58, v16;
	v36 =	vld [tilespmem:s11+$0xE70]  }
0x1bf: {  	[tilespmem:s12+$0xABD0] =	vst v60;
	v37 =	vld [tilespmem:s11+$0x5E70]  }
0x1c0: {  	v33 =	vld [tilespmem:s11+$0xFA0];
	v38 =	vmul.f32 v63, v17;
	[tilespmem:s12+$0xAC30] =	vst v62;
	v39 =	vadd.f32 v56, v55  }
0x1c1: {  	v40 =	vld [tilespmem:s11+$0x1000]  }
0x1c2: {  	[tilespmem:s12+$0xACB0] =	vst v38;
	v41 =	vld [tilespmem:s11+$0x6000];
	v42 =	vmul.f32 v39, v18;
	v43 =	vadd.f32 v61, v59  }
0x1c3: {  	v45 =	vld [tilespmem:s11+$0x6080]  }
0x1c4: {  	[tilespmem:s12+$0xAD30] =	vst v42;
	v44 =	vld [tilespmem:s11+$0x1080];
	v46 =	vmul.f32 v43, v19;
	v47 =	vadd.f32 v37, v36  }
0x1c5: {  	v48 =	vld [tilespmem:s11+$0x1100]  }
0x1c6: {  	v49 =	vld [tilespmem:s11+$0x6100];
	[tilespmem:s12+$0xADB0] =	vst v46;
	v50 =	vmul.f32 v47, v24  }
0x1c7: {  	v51 =	vadd.f32 v41, v40;
	v52 =	vld [tilespmem:s11+$0x1180]  }
0x1c8: {  	v53 =	vld [tilespmem:s11+$0x6180];
	[tilespmem:s12+$0xAE30] =	vst v50  }
0x1c9: {  	v54 =	vmul.f32 v51, v16;
	v55 =	vadd.f32 v45, v44;
	v56 =	vld [tilespmem:s11+$0x1200]  }
0x1ca: {  	v57 =	vld [tilespmem:s11+$0x6200]  }
0x1cb: {  	v58 =	vld [tilespmem:s11+$0x5FA0];
	[tilespmem:s12+$0xAC40] =	vst v54;
	v60 =	vadd.f32 v49, v48;
	v59 =	vmul.f32 v55, v17  }
0x1cc: {  	v61 =	vld [tilespmem:s11+$0x1010]  }
0x1cd: {  	v62 =	vld [tilespmem:s11+$0x6010];
	v63 =	vmul.f32 v60, v18;
	[tilespmem:s12+$0xACC0] =	vst v59;
	v35 =	vadd.f32 v53, v52  }
0x1ce: {  	v36 =	vld [tilespmem:s11+$0x1090]  }
0x1cf: {  	[tilespmem:s12+$0xAD40] =	vst v63;
	v37 =	vld [tilespmem:s11+$0x6090];
	v38 =	vmul.f32 v35, v19;
	v39 =	vadd.f32 v57, v56  }
0x1d0: {  	v40 =	vld [tilespmem:s11+$0x1110]  }
0x1d1: {  	v41 =	vadd.f32 v58, v33;
	v42 =	vld [tilespmem:s11+$0x6110];
	[tilespmem:s12+$0xADC0] =	vst v38;
	v43 =	vmul.f32 v39, v24  }
0x1d2: {  	v44 =	vadd.f32 v62, v61;
	v45 =	vld [tilespmem:s11+$0x1190]  }
0x1d3: {  	v29 =	vmul.f32 v41, v15;
	v46 =	vld [tilespmem:s11+$0x6190];
	[tilespmem:s12+$0xAE40] =	vst v43  }
0x1d4: {  	v47 =	vmul.f32 v44, v16;
	v48 =	vadd.f32 v37, v36;
	v49 =	vld [tilespmem:s11+$0x1210]  }
0x1d5: {  	[tilespmem:s12+$0xABE0] =	vst v29;
	v50 =	vld [tilespmem:s11+$0x6210]  }
0x1d6: {  	v31 =	vld [tilespmem:s11+$0xFB0];
	[tilespmem:s12+$0xAC50] =	vst v47;
	v52 =	vadd.f32 v42, v40;
	v51 =	vmul.f32 v48, v17  }
0x1d7: {  	v53 =	vld [tilespmem:s11+$0x1020]  }
0x1d8: {  	v54 =	vld [tilespmem:s11+$0x6020];
	v55 =	vmul.f32 v52, v18;
	[tilespmem:s12+$0xACD0] =	vst v51;
	v56 =	vadd.f32 v46, v45  }
0x1d9: {  	v57 =	vld [tilespmem:s11+$0x10A0]  }
0x1da: {  	[tilespmem:s12+$0xAD50] =	vst v55;
	v58 =	vld [tilespmem:s11+$0x60A0];
	v59 =	vmul.f32 v56, v19;
	v60 =	vadd.f32 v50, v49  }
0x1db: {  	v61 =	vld [tilespmem:s11+$0x1120]  }
0x1dc: {  	v62 =	vld [tilespmem:s11+$0x6120];
	[tilespmem:s12+$0xADD0] =	vst v59;
	v63 =	vmul.f32 v60, v24  }
0x1dd: {  	v36 =	vadd.f32 v54, v53;
	v37 =	vld [tilespmem:s11+$0x11A0]  }
0x1de: {  	v38 =	vld [tilespmem:s11+$0x61A0];
	[tilespmem:s12+$0xAE50] =	vst v63  }
0x1df: {  	v39 =	vmul.f32 v36, v16;
	v40 =	vadd.f32 v58, v57;
	v41 =	vld [tilespmem:s11+$0x1220]  }
0x1e0: {  	v42 =	vld [tilespmem:s11+$0x6220]  }
0x1e1: {  	v43 =	vld [tilespmem:s11+$0x5FB0];
	[tilespmem:s12+$0xAC60] =	vst v39;
	v45 =	vadd.f32 v62, v61;
	v44 =	vmul.f32 v40, v17  }
0x1e2: {  	v46 =	vld [tilespmem:s11+$0x1030]  }
0x1e3: {  	v47 =	vld [tilespmem:s11+$0x6030];
	v48 =	vmul.f32 v45, v18;
	[tilespmem:s12+$0xACE0] =	vst v44;
	v49 =	vadd.f32 v38, v37  }
0x1e4: {  	v50 =	vld [tilespmem:s11+$0x10B0]  }
0x1e5: {  	[tilespmem:s12+$0xAD60] =	vst v48;
	v51 =	vld [tilespmem:s11+$0x60B0];
	v52 =	vmul.f32 v49, v19;
	v53 =	vadd.f32 v42, v41  }
0x1e6: {  	v54 =	vld [tilespmem:s11+$0x1130]  }
0x1e7: {  	v55 =	vld [tilespmem:s11+$0x6130];
	[tilespmem:s12+$0xADE0] =	vst v52;
	v56 =	vmul.f32 v53, v24  }
0x1e8: {  	v57 =	vld [tilespmem:s11+$0x11B0]  }
0x1e9: {  	v20 =	vadd.f32 v21, v20;
	v58 =	vld [tilespmem:s11+$0x61B0];
	[tilespmem:s12+$0xAE60] =	vst v56  }
0x1ea: {  	v22 =	vadd.f32 v23, v22;
	v59 =	vld [tilespmem:s11+$0x1230]  }
0x1eb: {  	v13 =	vmul.f32 v20, v13;
	v60 =	vadd.f32 v43, v31;
	v25 =	vld [tilespmem:s11+$0x6230]  }
0x1ec: {  	v14 =	vmul.f32 v22, v14;
	v61 =	vadd.f32 v47, v46  }
0x1ed: {  	[tilespmem:s12+$0xAAF0] =	vst v13;
	v13 =	vmul.f32 v60, v15;
	v15 =	vadd.f32 v51, v50  }
0x1ee: {  	[tilespmem:s12+$0xAB70] =	vst v14;
	v14 =	vmul.f32 v61, v16;
	v62 =	vadd.f32 v55, v54  }
0x1ef: {  	p2 =	slt.u32 s4, $0x20;
	[tilespmem:s12+$0xABF0] =	vst v13;
	v13 =	vmul.f32 v15, v17;
	v15 =	vadd.f32 v58, v57  }
.Ltmp2:
0x1f0: {  	[tilespmem:s12+$0xAC70] =	vst v14;
	v14 =	vmul.f32 v62, v18;
	v63 =	vadd.f32 v25, v59;
	(pc) =	sbr.rel @p2 .LBB2_4-.Ltmp2, $4  }
0x1f1: {  	[tilespmem:s12+$0xACF0] =	vst v13;
	v13 =	vmul.f32 v15, v19  }
0x1f2: {  	[tilespmem:s12+$0xAD70] =	vst v14;
	v14 =	vmul.f32 v63, v24  }
0x1f3: {  	[tilespmem:s12+$0xADF0] =	vst v13;
	s11 =	sadd.s32 $0x8, s4  }
0x1f4: {  	s4 =	smov.u32 s11;
	[tilespmem:s12+$0xAE70] =	vst v14  }
0x1f5: {  	p2 =	seq.s32 s25, $0x4  }
.Ltmp3:
0x1f6: {  	_ = 	snop;
	(pc) =	sbr.rel @p2 .LBB2_7-.Ltmp3, $3  }
0x1f7: {  	_ =	sdelay $0x1  }
0x1f8: {  	s4 =	sadd.s32 $0x700, s28  }
0x1f9: {  	[spmem:s5] =	stream.indirect.scatter.add.f32 [tilespmem:s16], [sflag:$0x8], $0x80, s4, s17, $0xb8;
	[tilespmem:$0x1F800] =	vst v63  }
0x1fa: {  	v8 =	vld [tilespmem:s28+$0x50];
	_ =	sdelay $0x4  }
0x1fb: {  	v9 =	vshll.u32 v8, $0x1  }
0x1fc: {  	v8 =	vand.u32 $0x7, v8;
	v9 =	vand.u32 $0xFFFFFFF0, v9  }
0x1fd: {  	v8 =	vor.u32 v8, v9  }
0x1fe: {  	v9 =	vperm.xlane v8, v0;
	_ =	sdelay $0x1  }
0x1ff: {  	v8 =	vperm.xlane v8, v2;
	v9 =	vadd.s32 v1, v9;
	_ =	sdelay $0x1  }
0x200: {  	v8 =	vadd.s32 v1, v8;
	_ =	sdelay $0x1  }
0x201: {  	s4 =	simm.s32 $0xA80  }
0x202: {  	[tilespmem:s4], [sflag:$0x1] =	stream.indirect_vreg.gather [hbm4b:s7+s6], $0x80, v9, vm0, $0xb8;
	[tilespmem:$0x1F800] =	vst v63  }
0x203: {  	s12 =	simm.s32 $0x1280  }
0x204: {  	[tilespmem:s12], [sflag:$0x1] =	stream.indirect_vreg.gather [hbm4b:s7+s6], $0x80, v8, vm0, $0xb8;
	[tilespmem:$0x1F800] =	vst v63  }
0x205: {  	v8 =	vld [tilespmem:s28+$0x60];
	_ =	sdelay $0x4  }
0x206: {  	v59 =	vshll.u32 v8, $0x1  }
0x207: {  	v8 =	vand.u32 $0x7, v8;
	v9 =	vand.u32 $0xFFFFFFF0, v59  }
0x208: {  	v8 =	vor.u32 v8, v9  }
0x209: {  	v9 =	vperm.xlane v8, v0;
	_ =	sdelay $0x1  }
0x20a: {  	v8 =	vperm.xlane v8, v2;
	v9 =	vadd.s32 v1, v9;
	_ =	sdelay $0x1  }
0x20b: {  	v8 =	vadd.s32 v1, v8;
	_ =	sdelay $0x1  }
0x20c: {  	s11 =	simm.s32 $0x1A80  }
0x20d: {  	[tilespmem:s11], [sflag:$0x1] =	stream.indirect_vreg.gather [hbm4b:s7+s6], $0x80, v9, vm0, $0xb8;
	[tilespmem:$0x1F800] =	vst v63  }
0x20e: {  	s12 =	simm.s32 $0x2280  }
0x20f: {  	[tilespmem:s12], [sflag:$0x1] =	stream.indirect_vreg.gather [hbm4b:s7+s6], $0x80, v8, vm0, $0xb8;
	[tilespmem:$0x1F800] =	vst v63  }
0x210: {  	v8 =	vld.msk [tilespmem:s28+$0x70], $0xff;
	_ =	sdelay $0x4  }
0x211: {  	v60 =	vshll.u32 v8, $0x1  }
0x212: {  	v8 =	vand.u32 $0x7, v8;
	v9 =	vand.u32 $0xFFFFFFF0, v60  }
0x213: {  	v8 =	vor.u32 v8, v9  }
0x214: {  	v8 =	vperm.xlane v8, v0;
	_ =	sdelay $0x1  }
0x215: {  	v8 =	vadd.s32 v1, v8;
	_ =	sdelay $0x3  }
0x216: {  	s11 =	simm.s32 $0x2A80  }
0x217: {  	[tilespmem:s11], [sflag:$0x1] =	stream.indirect_vreg.gather [hbm4b:s7+s6], $0x80, v8, vm0, $0xb8;
	[tilespmem:$0x1F800] =	vst v63  }
0x218: {  	v8 =	vld [tilespmem:s28+$0x3D0];
	_ =	sdelay $0x4  }
0x219: {  	v61 =	vshll.u32 v8, $0x1  }
0x21a: {  	v8 =	vand.u32 $0x7, v8;
	v9 =	vand.u32 $0xFFFFFFF0, v61  }
0x21b: {  	v8 =	vor.u32 v8, v9  }
0x21c: {  	v9 =	vperm.xlane v8, v0;
	_ =	sdelay $0x1  }
0x21d: {  	v8 =	vperm.xlane v8, v2;
	v9 =	vadd.s32 v1, v9;
	_ =	sdelay $0x1  }
0x21e: {  	v8 =	vadd.s32 v1, v8;
	_ =	sdelay $0x1  }
0x21f: {  	s12 =	simm.s32 $0x5A80  }
0x220: {  	[tilespmem:s12], [sflag:$0x3] =	stream.indirect_vreg.gather [hbm4b:s9+s6], $0x80, v9, vm0, $0xb8;
	[tilespmem:$0x1F800] =	vst v63  }
0x221: {  	s11 =	simm.s32 $0x6280  }
0x222: {  	[tilespmem:s11], [sflag:$0x3] =	stream.indirect_vreg.gather [hbm4b:s9+s6], $0x80, v8, vm0, $0xb8;
	[tilespmem:$0x1F800] =	vst v63  }
0x223: {  	v8 =	vld [tilespmem:s28+$0x3E0];
	_ =	sdelay $0x4  }
0x224: {  	v62 =	vshll.u32 v8, $0x1  }
0x225: {  	v8 =	vand.u32 $0x7, v8;
	v9 =	vand.u32 $0xFFFFFFF0, v62  }
0x226: {  	v8 =	vor.u32 v8, v9  }
0x227: {  	v9 =	vperm.xlane v8, v0;
	_ =	sdelay $0x1  }
0x228: {  	v8 =	vperm.xlane v8, v2;
	v9 =	vadd.s32 v1, v9;
	_ =	sdelay $0x1  }
0x229: {  	v8 =	vadd.s32 v1, v8;
	_ =	sdelay $0x1  }
0x22a: {  	s12 =	simm.s32 $0x6A80  }
0x22b: {  	[tilespmem:s12], [sflag:$0x3] =	stream.indirect_vreg.gather [hbm4b:s9+s6], $0x80, v9, vm0, $0xb8;
	[tilespmem:$0x1F800] =	vst v63  }
0x22c: {  	_ = 	snop  }
0x22d: {  	[tilespmem:s14], [sflag:$0x3] =	stream.indirect_vreg.gather [hbm4b:s9+s6], $0x80, v8, vm0, $0xb8;
	[tilespmem:$0x1F800] =	vst v63  }
0x22e: {  	v8 =	vld.msk [tilespmem:s28+$0x3F0], $0xff;
	_ =	sdelay $0x4  }
0x22f: {  	v63 =	vshll.u32 v8, $0x1  }
0x230: {  	v8 =	vand.u32 $0x7, v8;
	v9 =	vand.u32 $0xFFFFFFF0, v63  }
0x231: {  	v8 =	vor.u32 v8, v9  }
0x232: {  	v8 =	vperm.xlane v8, v0;
	_ =	sdelay $0x1  }
0x233: {  	v8 =	vadd.s32 v1, v8;
	_ =	sdelay $0x4  }
0x234: {  	[tilespmem:s29], [sflag:$0x3] =	stream.indirect_vreg.gather [hbm4b:s9+s6], $0x80, v8, vm0, $0xb8;
	[tilespmem:$0x1F800] =	vst v63  }
.LBB2_7:
0x235: {  	_ =	swait.ge [sflag:s31], $0x2800  }
0x236: {  	[sflag:s31] =	ssyncset.done $0x0  }
0x237: {  	[sflag:s31] =	ssyncadd.s32 $0xFFFFD800  }
0x238: {  	_ =	swait.ge [sflag:s0], $0x2800  }
0x239: {  	[sflag:s0] =	ssyncset.done $0x0  }
0x23a: {  	[sflag:s0] =	ssyncadd.s32 $0xFFFFD800  }
0x23b: {  	_ =	swait.ge [sflag:s30], $0x1400  }
0x23c: {  	[sflag:s30] =	ssyncset.done $0x0  }
0x23d: {  	[sflag:s30] =	ssyncadd.s32 $0xFFFFEC00  }
0x23e: {  	v8 =	vld [tilespmem:$0xBE80]  }
0x23f: {  	v9 =	vld [tilespmem:$0xBE90]  }
0x240: {  	v10 =	vld [tilespmem:$0xBEA0]  }
0x241: {  	v11 =	vld [tilespmem:$0xBEB0]  }
0x242: {  	s28 =	simm.s32 $0x0;
	v12 =	vld [tilespmem:$0xBF00]  }
.LBB2_8:
0x243: {  	s4 =	sshll.u32 s28, $0x8  }
0x244: {  	v13 =	vld [tilespmem:s4+$0x3280]  }
0x245: {  	v14 =	vld [tilespmem:s4+$0x8280]  }
0x246: {  	v15 =	vld [tilespmem:s4+$0x3290]  }
0x247: {  	v16 =	vld [tilespmem:s4+$0x8290]  }
0x248: {  	v17 =	vld [tilespmem:s4+$0x32A0]  }
0x249: {  	v18 =	vld [tilespmem:s4+$0x82A0]  }
0x24a: {  	v19 =	vld [tilespmem:s4+$0x32B0]  }
0x24b: {  	v13 =	vadd.f32 v14, v13;
	v14 =	vld [tilespmem:s4+$0x82B0]  }
0x24c: {  	v15 =	vadd.f32 v16, v15  }
0x24d: {  	v36 =	vmul.f32 $2.291666720e-01, v13  }
0x24e: {  	v17 =	vadd.f32 v18, v17;
	vm1 =	vge.f32 v13, $0.0e+00;
	v20 =	vmul.f32 $2.291666720e-01, v15  }
0x24f: {  	v13 =	vsel vm1, v13, v36;
	vm1 =	vge.f32 v15, $0.0e+00  }
0x250: {  	v37 =	vmul.f32 $2.291666720e-01, v17;
	v15 =	vsel vm1, v15, v20;
	v14 =	vadd.f32 v14, v19  }
0x251: {  	v13 =	vmul.f32 v13, v8;
	vm1 =	vge.f32 v17, $0.0e+00;
	v15 =	vmul.f32 v15, v9  }
0x252: {  	v16 =	vsel vm1, v17, v37;
	v38 =	vmul.f32 $2.291666720e-01, v14  }
0x253: {  	vm1 =	vge.f32 v14, $0.0e+00;
	v13 =	vadd.f32 v15, v13;
	v15 =	vmul.f32 v16, v10  }
0x254: {  	v14 =	vsel vm1, v14, v38  }
0x255: {  	v13 =	vadd.f32 v15, v13;
	v14 =	vmul.f32 v14, v11;
	_ =	sdelay $0x1  }
0x256: {  	v13 =	vadd.f32 v14, v13;
	_ =	sdelay $0x1  }
0x257: {  	v14 =	vperm.xlane v13, v3;
	_ =	sdelay $0x1  }
0x258: {  	v13 =	vadd.f32 v13, v14  }
0x259: {  	v39 =	vld [tilespmem:s4+$0x3310]  }
0x25a: {  	v41 =	vld [tilespmem:s4+$0x8310];
	v14 =	vperm.xlane v13, v4  }
0x25b: {  	v15 =	vld [tilespmem:s4+$0x3300]  }
0x25c: {  	v13 =	vadd.f32 v13, v14;
	v14 =	vld [tilespmem:s4+$0x8300]  }
0x25d: {  	v42 =	vld [tilespmem:s4+$0x3320]  }
0x25e: {  	v43 =	vld [tilespmem:s4+$0x8320];
	v40 =	vperm.xlane v13, v5;
	_ =	sdelay $0x1  }
0x25f: {  	v44 =	vld [tilespmem:s4+$0x3330];
	v13 =	vadd.f32 v13, v40  }
0x260: {  	v14 =	vadd.f32 v14, v15;
	v15 =	vld [tilespmem:s4+$0x8330]  }
0x261: {  	v16 =	vadd.f32 v41, v39;
	v21 =	vperm.xlane v13, v6  }
0x262: {  	v17 =	vadd.f32 v43, v42;
	v45 =	vmul.f32 $2.291666720e-01, v14  }
0x263: {  	v46 =	vmul.f32 $2.291666720e-01, v16;
	vm1 =	vge.f32 v14, $0.0e+00;
	v13 =	vadd.f32 v13, v21  }
0x264: {  	v47 =	vmul.f32 $2.291666720e-01, v17;
	v14 =	vsel vm1, v14, v45;
	vm1 =	vge.f32 v16, $0.0e+00  }
0x265: {  	v13 =	vadd.f32 v13, v12;
	v16 =	vsel vm1, v16, v46;
	v15 =	vadd.f32 v15, v44  }
0x266: {  	v14 =	vmul.f32 v14, v8;
	vm1 =	vge.f32 v17, $0.0e+00;
	v16 =	vmul.f32 v16, v9  }
0x267: {  	v17 =	vsel vm1, v17, v47;
	v13 =	vsub.f32 $0.0e+00, v13;
	v48 =	vmul.f32 $2.291666720e-01, v15  }
0x268: {  	v49 =	vmul.f32 v17, v10;
	vm1 =	vge.f32 v15, $0.0e+00;
	v14 =	vadd.f32 v16, v14  }
0x269: {  	v15 =	vsel vm1, v15, v48  }
0x26a: {  	v13 =	vmul.f32 $1.442695020e+00, v13;
	v14 =	vadd.f32 v49, v14;
	v15 =	vmul.f32 v15, v11;
	_ =	sdelay $0x1  }
0x26b: {  	(erf) = vpow2.f32 v13;
	v13 =	vadd.f32 v15, v14  }
0x26c: {  	v50 =	vld [tilespmem:s4+$0x3390]  }
0x26d: {  	v52 =	vld [tilespmem:s4+$0x8390];
	v14 =	vperm.xlane v13, v3  }
0x26e: {  	v15 =	vld [tilespmem:s4+$0x3380]  }
0x26f: {  	v13 =	vadd.f32 v13, v14;
	v14 =	vld [tilespmem:s4+$0x8380]  }
0x270: {  	v53 =	vld [tilespmem:s4+$0x33A0]  }
0x271: {  	v54 =	vld [tilespmem:s4+$0x83A0];
	_ =	sdelay $0x1  }
0x272: {  	v56 =	vld [tilespmem:s4+$0x33B0];
	v51 =	vperm.xlane v13, v4  }
0x273: {  	v14 =	vadd.f32 v14, v15;
	v15 =	vld [tilespmem:s4+$0x83B0]  }
0x274: {  	v16 =	vadd.f32 v52, v50;
	v13 =	vadd.f32 v13, v51  }
0x275: {  	v17 =	vadd.f32 v54, v53;
	v57 =	vmul.f32 $2.291666720e-01, v14  }
0x276: {  	v58 =	vmul.f32 $2.291666720e-01, v16;
	v22 =	vperm.xlane v13, v5;
	vm1 =	vge.f32 v14, $0.0e+00  }
0x277: {  	v60 =	vmul.f32 $2.291666720e-01, v17;
	v14 =	vsel vm1, v14, v57;
	vm1 =	vge.f32 v16, $0.0e+00  }
0x278: {  	v13 =	vadd.f32 v13, v22;
	v16 =	vsel vm1, v16, v58;
	v15 =	vadd.f32 v15, v56  }
0x279: {  	v61 =	vld [tilespmem:s4+$0x32C0];
	v14 =	vmul.f32 v14, v8;
	vm1 =	vge.f32 v17, $0.0e+00;
	v16 =	vmul.f32 v16, v9  }
0x27a: {  	v63 =	vld [tilespmem:s4+$0x82C0];
	v59 =	vperm.xlane v13, v6;
	v17 =	vsel vm1, v17, v60;
	v62 =	vmul.f32 $2.291666720e-01, v15  }
0x27b: {  	v25 =	vld [tilespmem:s4+$0x3400];
	v24 =	vmul.f32 v17, v10;
	vm1 =	vge.f32 v15, $0.0e+00;
	v14 =	vadd.f32 v16, v14  }
0x27c: {  	v26 =	vld [tilespmem:s4+$0x8400];
	v15 =	vsel vm1, v15, v62  }
0x27d: {  	v27 =	vld [tilespmem:s4+$0x3410];
	v13 =	vadd.f32 v13, v59;
	v14 =	vadd.f32 v24, v14;
	v15 =	vmul.f32 v15, v11  }
0x27e: {  	v28 =	vld [tilespmem:s4+$0x3420]  }
0x27f: {  	v55 =	vpop (erf);
	v13 =	vadd.f32 v13, v12;
	v14 =	vadd.f32 v15, v14;
	v15 =	vld [tilespmem:s4+$0x8410]  }
0x280: {  	v23 =	vld [tilespmem:s4+$0x8420];
	v20 =	vadd.f32 $1.000000000e+00, v55  }
0x281: {  	v13 =	vsub.f32 $0.0e+00, v13  }
0x282: {  	v30 =	vld [tilespmem:s4+$0x3430];
	(erf) = vrcp.f32 v20  }
0x283: {  	v31 =	vld [tilespmem:s4+$0x8430];
	v16 =	vadd.f32 v26, v25;
	v13 =	vmul.f32 $1.442695020e+00, v13  }
0x284: {  	v19 =	vadd.f32 v63, v61;
	v29 =	vperm.xlane v14, v3;
	v15 =	vadd.f32 v15, v27  }
0x285: {  	v21 =	vadd.f32 v23, v28;
	v33 =	vmul.f32 $2.291666720e-01, v16;
	(erf) = vpow2.f32 v13  }
0x286: {  	vm1 =	vge.f32 v16, $0.0e+00;
	v14 =	vadd.f32 v14, v29;
	v24 =	vmul.f32 $2.291666720e-01, v15  }
0x287: {  	v34 =	vmul.f32 $2.291666720e-01, v21;
	v16 =	vsel vm1, v16, v33;
	vm1 =	vge.f32 v15, $0.0e+00  }
0x288: {  	v17 =	vadd.f32 v31, v30;
	v32 =	vperm.xlane v14, v4;
	v15 =	vsel vm1, v15, v24  }
0x289: {  	v16 =	vmul.f32 v16, v8;
	vm1 =	vge.f32 v21, $0.0e+00;
	v15 =	vmul.f32 v15, v9  }
0x28a: {  	v63 =	vld [tilespmem:s4+$0x3500];
	v36 =	vmul.f32 $2.291666720e-01, v17;
	v14 =	vadd.f32 v14, v32;
	v18 =	vsel vm1, v21, v34  }
0x28b: {  	v45 =	vld [tilespmem:s4+$0x3480];
	v13 =	vpop (erf);
	vm1 =	vge.f32 v17, $0.0e+00;
	v38 =	vmul.f32 v18, v10;
	v15 =	vadd.f32 v15, v16  }
0x28c: {  	s11 =	sshll.u32 s28, $0x7;
	v47 =	vld [tilespmem:s4+$0x8480];
	v19 =	vmul.f32 v13, v19;
	v35 =	vperm.xlane v14, v5;
	v17 =	vsel vm1, v17, v36  }
0x28d: {  	s11 =	sand.u32 $0x3FFFFF80, s11;
	v50 =	vld [tilespmem:s4+$0x34A0];
	v41 =	vmul.f32 v17, v11;
	v15 =	vadd.f32 v38, v15  }
0x28e: {  	v25 =	vld [tilespmem:s4+$0x84A0];
	[tilespmem:s11+$0xAA80] =	vst v19;
	v37 =	vpop (erf);
	v14 =	vadd.f32 v14, v35  }
0x28f: {  	v39 =	vld [tilespmem:s4+$0x32D0];
	v19 =	vadd.f32 $1.000000000e+00, v37;
	v15 =	vadd.f32 v41, v15  }
0x290: {  	v40 =	vld [tilespmem:s4+$0x82D0];
	v43 =	vperm.xlane v14, v6  }
0x291: {  	v48 =	vld [tilespmem:s4+$0x3490];
	(erf) = vrcp.f32 v19;
	v46 =	vperm.xlane v15, v3  }
0x292: {  	v49 =	vld [tilespmem:s4+$0x8490];
	v14 =	vadd.f32 v14, v43  }
0x293: {  	v42 =	vld [tilespmem:s4+$0x3340];
	v15 =	vadd.f32 v15, v46  }
0x294: {  	v28 =	vld [tilespmem:s4+$0x35B0];
	v24 =	vadd.f32 v25, v50;
	v14 =	vadd.f32 v14, v12  }
0x295: {  	v44 =	vld [tilespmem:s4+$0x8340];
	v18 =	vadd.f32 v40, v39;
	v51 =	vperm.xlane v15, v4  }
0x296: {  	v53 =	vld [tilespmem:s4+$0x84B0];
	v55 =	vmul.f32 $2.291666720e-01, v24;
	v16 =	vadd.f32 v47, v45;
	v14 =	vsub.f32 $0.0e+00, v14  }
0x297: {  	v26 =	vld [tilespmem:s4+$0x34B0];
	v19 =	vadd.f32 v49, v48;
	v18 =	vmul.f32 v13, v18;
	v15 =	vadd.f32 v15, v51  }
0x298: {  	v31 =	vld [tilespmem:s4+$0x8500];
	v22 =	vmul.f32 $2.291666720e-01, v16;
	v52 =	vmul.f32 $1.442695020e+00, v14  }
0x299: {  	v33 =	vld [tilespmem:s4+$0x8510];
	vm1 =	vge.f32 v16, $0.0e+00;
	v23 =	vmul.f32 $2.291666720e-01, v19;
	[tilespmem:s11+$0xAA90] =	vst v18;
	v54 =	vperm.xlane v15, v5  }
0x29a: {  	v16 =	vsel vm1, v16, v22;
	vm1 =	vge.f32 v19, $0.0e+00;
	v18 =	vld [tilespmem:s4+$0x32E0];
	v14 =	vpop (erf);
	(erf) = vpow2.f32 v52  }
0x29b: {  	v17 =	vadd.f32 v44, v42;
	v19 =	vsel vm1, v19, v23;
	v56 =	vld [tilespmem:s4+$0x82E0];
	v15 =	vadd.f32 v15, v54  }
0x29c: {  	v20 =	vadd.f32 v53, v26;
	v27 =	vld [tilespmem:s4+$0x8520];
	v16 =	vmul.f32 v16, v8;
	v57 =	vmul.f32 v19, v9  }
0x29d: {  	v35 =	vld [tilespmem:s4+$0x3520];
	vm1 =	vge.f32 v24, $0.0e+00;
	v17 =	vmul.f32 v14, v17;
	v59 =	vperm.xlane v15, v6  }
0x29e: {  	v60 =	vmul.f32 $2.291666720e-01, v20;
	v37 =	vld [tilespmem:s4+$0x3530];
	v21 =	vsel vm1, v24, v55;
	vm1 =	vge.f32 v20, $0.0e+00  }
0x29f: {  	v38 =	vld [tilespmem:s4+$0x8530];
	v62 =	vmul.f32 v21, v10;
	v16 =	vadd.f32 v57, v16;
	[tilespmem:s11+$0xAB00] =	vst v17;
	v15 =	vadd.f32 v15, v59  }
0x2a0: {  	v20 =	vsel vm1, v20, v60;
	v18 =	vadd.f32 v56, v18;
	v58 =	vld [tilespmem:s4+$0x3350]  }
0x2a1: {  	v30 =	vmul.f32 v20, v11;
	v16 =	vadd.f32 v62, v16;
	v61 =	vld [tilespmem:s4+$0x8350];
	v15 =	vadd.f32 v15, v12  }
0x2a2: {  	v32 =	vld [tilespmem:s4+$0x3510];
	v24 =	vadd.f32 v27, v35;
	v18 =	vmul.f32 v13, v18  }
0x2a3: {  	v53 =	vld [tilespmem:s4+$0x8580];
	v16 =	vadd.f32 v30, v16;
	v34 =	vpop (erf);
	v15 =	vsub.f32 $0.0e+00, v15  }
0x2a4: {  	v55 =	vld [tilespmem:s4+$0x3590];
	v21 =	vadd.f32 v38, v37;
	[tilespmem:s11+$0xAAA0] =	vst v18;
	v22 =	vadd.f32 $1.000000000e+00, v34  }
0x2a5: {  	v20 =	vadd.f32 v31, v63;
	v36 =	vperm.xlane v16, v3;
	v18 =	vld [tilespmem:s4+$0x32F0];
	v15 =	vmul.f32 $1.442695020e+00, v15  }
0x2a6: {  	v42 =	vmul.f32 $2.291666720e-01, v24;
	v47 =	vld [tilespmem:s4+$0x82F0];
	v19 =	vadd.f32 v61, v58;
	(erf) = vrcp.f32 v22  }
0x2a7: {  	v37 =	vld [tilespmem:s4+$0x33C0];
	v16 =	vadd.f32 v16, v36;
	(erf) = vpow2.f32 v15;
	v15 =	vadd.f32 v33, v32  }
0x2a8: {  	v40 =	vmul.f32 $2.291666720e-01, v20;
	v62 =	vld [tilespmem:s4+$0x85B0];
	v19 =	vmul.f32 v14, v19  }
0x2a9: {  	vm1 =	vge.f32 v20, $0.0e+00;
	v39 =	vperm.xlane v16, v4;
	v59 =	vld [tilespmem:s4+$0x35A0];
	v23 =	vmul.f32 $2.291666720e-01, v15  }
0x2aa: {  	v44 =	vmul.f32 $2.291666720e-01, v21;
	v41 =	vsel vm1, v20, v40;
	v61 =	vld [tilespmem:s4+$0x85A0];
	[tilespmem:s11+$0xAB10] =	vst v19;
	vm1 =	vge.f32 v15, $0.0e+00  }
0x2ab: {  	v16 =	vadd.f32 v16, v39;
	v18 =	vadd.f32 v47, v18;
	v19 =	vld [tilespmem:s4+$0x3360];
	v15 =	vsel vm1, v15, v23  }
0x2ac: {  	v17 =	vmul.f32 v41, v8;
	v50 =	vld [tilespmem:s4+$0x8360];
	vm1 =	vge.f32 v24, $0.0e+00;
	v15 =	vmul.f32 v15, v9  }
0x2ad: {  	v56 =	vld [tilespmem:s4+$0x8590];
	v43 =	vperm.xlane v16, v5;
	v18 =	vmul.f32 v18, v13;
	v20 =	vsel vm1, v24, v42  }
0x2ae: {  	v51 =	vld [tilespmem:s4+$0x3580];
	vm1 =	vge.f32 v21, $0.0e+00;
	v45 =	vmul.f32 v20, v10;
	v15 =	vadd.f32 v15, v17  }
0x2af: {  	v39 =	vld [tilespmem:s4+$0x83C0];
	v16 =	vadd.f32 v16, v43;
	v46 =	vsel vm1, v21, v44  }
0x2b0: {  	v47 =	vld [tilespmem:s4+$0x8620];
	[tilespmem:s11+$0xAAB0] =	vst v18;
	v18 =	vadd.f32 v62, v28;
	v48 =	vmul.f32 v46, v11;
	v15 =	vadd.f32 v45, v15  }
0x2b1: {  	v49 =	vperm.xlane v16, v6;
	v19 =	vadd.f32 v50, v19;
	v24 =	vadd.f32 v61, v59;
	v46 =	vld [tilespmem:s4+$0x3620]  }
0x2b2: {  	v41 =	vmul.f32 $2.291666720e-01, v18;
	v20 =	vadd.f32 v56, v55;
	v17 =	vadd.f32 v48, v15  }
0x2b3: {  	v19 =	vmul.f32 v14, v19;
	v15 =	vadd.f32 v16, v49;
	v16 =	vadd.f32 v53, v51  }
0x2b4: {  	v38 =	vmul.f32 $2.291666720e-01, v24;
	v35 =	vmul.f32 $2.291666720e-01, v20;
	v49 =	vld [tilespmem:s4+$0x3630]  }
0x2b5: {  	[tilespmem:s11+$0xAB20] =	vst v19;
	v19 =	vadd.f32 v39, v37;
	v51 =	vld [tilespmem:s4+$0x8630];
	v52 =	vperm.xlane v17, v3;
	v23 =	vmul.f32 $2.291666720e-01, v16  }
0x2b6: {  	v27 =	vadd.f32 v47, v46;
	v54 =	vadd.f32 v15, v12;
	vm1 =	vge.f32 v16, $0.0e+00  }
0x2b7: {  	v17 =	vadd.f32 v17, v52;
	v16 =	vsel vm1, v16, v23;
	vm1 =	vge.f32 v20, $0.0e+00  }
0x2b8: {  	v29 =	vld [tilespmem:s4+$0x3600];
	v55 =	vmul.f32 $2.291666720e-01, v27;
	v15 =	vpop (erf);
	v58 =	vsub.f32 $0.0e+00, v54;
	v20 =	vsel vm1, v20, v35  }
0x2b9: {  	v43 =	vld [tilespmem:s4+$0x8600];
	v57 =	vpop (erf);
	v16 =	vmul.f32 v16, v8;
	vm1 =	vge.f32 v24, $0.0e+00;
	v60 =	vperm.xlane v17, v4  }
0x2ba: {  	v44 =	vld [tilespmem:s4+$0x3610];
	v56 =	vadd.f32 v51, v49;
	v21 =	vadd.f32 $1.000000000e+00, v57;
	v20 =	vmul.f32 v20, v9  }
0x2bb: {  	v45 =	vld [tilespmem:s4+$0x8610];
	v22 =	vmul.f32 $1.442695020e+00, v58;
	v23 =	vsel vm1, v24, v38;
	v17 =	vadd.f32 v17, v60  }
0x2bc: {  	vm1 =	vge.f32 v18, $0.0e+00;
	v42 =	vmul.f32 v23, v10;
	v16 =	vadd.f32 v20, v16  }
0x2bd: {  	v18 =	vsel vm1, v18, v41;
	(erf) = vrcp.f32 v21;
	v33 =	vperm.xlane v17, v5  }
0x2be: {  	v18 =	vmul.f32 v18, v11;
	(erf) = vpow2.f32 v22;
	v16 =	vadd.f32 v42, v16  }
0x2bf: {  	v19 =	vmul.f32 v15, v19;
	v23 =	vadd.f32 v43, v29;
	v17 =	vadd.f32 v17, v33  }
0x2c0: {  	v20 =	vadd.f32 v45, v44;
	v60 =	vmul.f32 $2.291666720e-01, v56;
	v18 =	vadd.f32 v18, v16  }
0x2c1: {  	v52 =	vmul.f32 $2.291666720e-01, v23;
	v40 =	vperm.xlane v17, v6  }
0x2c2: {  	vm1 =	vge.f32 v23, $0.0e+00;
	v53 =	vmul.f32 $2.291666720e-01, v20;
	v30 =	vperm.xlane v18, v3  }
0x2c3: {  	v63 =	vld [tilespmem:s4+$0x3680];
	v23 =	vsel vm1, v23, v52;
	vm1 =	vge.f32 v20, $0.0e+00;
	v17 =	vadd.f32 v17, v40  }
0x2c4: {  	v32 =	vld [tilespmem:s4+$0x8680];
	v20 =	vsel vm1, v20, v53;
	v23 =	vmul.f32 v23, v8;
	v18 =	vadd.f32 v18, v30  }
0x2c5: {  	vm1 =	vge.f32 v27, $0.0e+00;
	v20 =	vmul.f32 v20, v9;
	v17 =	vadd.f32 v17, v12  }
0x2c6: {  	v59 =	vsel vm1, v27, v55;
	vm1 =	vge.f32 v56, $0.0e+00;
	v16 =	vpop (erf);
	v54 =	vperm.xlane v18, v4  }
0x2c7: {  	[tilespmem:s11+$0xAB80] =	vst v19;
	v19 =	vmul.f32 v59, v10;
	v20 =	vadd.f32 v20, v23;
	v50 =	vpop (erf);
	v17 =	vsub.f32 $0.0e+00, v17  }
0x2c8: {  	v34 =	vld [tilespmem:s4+$0x3370];
	v22 =	vsel vm1, v56, v60;
	v26 =	vadd.f32 $1.000000000e+00, v50;
	v18 =	vadd.f32 v18, v54  }
0x2c9: {  	v36 =	vld [tilespmem:s4+$0x8370];
	v21 =	vadd.f32 v32, v63;
	v30 =	vmul.f32 v22, v11;
	v17 =	vmul.f32 $1.442695020e+00, v17  }
0x2ca: {  	v28 =	vadd.f32 v19, v20;
	(erf) = vrcp.f32 v26;
	v63 =	vperm.xlane v18, v5  }
0x2cb: {  	v61 =	vld [tilespmem:s4+$0x33D0];
	(erf) = vpow2.f32 v17  }
0x2cc: {  	v62 =	vld [tilespmem:s4+$0x83D0];
	v18 =	vadd.f32 v18, v63;
	v17 =	vadd.f32 v30, v28;
	_ =	sdelay $0x1  }
0x2cd: {  	v25 =	vadd.f32 v36, v34;
	v33 =	vperm.xlane v18, v6;
	v36 =	vperm.xlane v17, v3;
	_ =	sdelay $0x1  }
0x2ce: {  	v48 =	vmul.f32 v25, v14;
	v18 =	vadd.f32 v18, v33;
	v40 =	vadd.f32 v17, v36  }
0x2cf: {  	v35 =	vadd.f32 v62, v61  }
0x2d0: {  	[tilespmem:s11+$0xAB30] =	vst v48;
	v31 =	vmul.f32 v21, v13;
	v18 =	vadd.f32 v18, v12;
	v43 =	vperm.xlane v40, v4  }
0x2d1: {  	v57 =	vld [tilespmem:s4+$0x3700];
	v39 =	vmul.f32 v15, v35;
	v17 =	vpop (erf)  }
0x2d2: {  	v58 =	vld [tilespmem:s4+$0x8700];
	[tilespmem:s11+$0xAAC0] =	vst v31;
	v18 =	vsub.f32 $0.0e+00, v18;
	v20 =	vadd.f32 v40, v43;
	v45 =	vpop (erf)  }
0x2d3: {  	v37 =	vld [tilespmem:s4+$0x3690];
	[tilespmem:s11+$0xAB90] =	vst v39;
	v26 =	vadd.f32 $1.000000000e+00, v45  }
0x2d4: {  	v44 =	vld [tilespmem:s4+$0x33E0];
	v18 =	vmul.f32 $1.442695020e+00, v18;
	v21 =	vperm.xlane v20, v5  }
0x2d5: {  	v46 =	vld [tilespmem:s4+$0x83E0];
	(erf) = vrcp.f32 v26  }
0x2d6: {  	v38 =	vld [tilespmem:s4+$0x8690];
	v47 =	vadd.f32 v20, v21;
	(erf) = vpow2.f32 v18;
	_ =	sdelay $0x1  }
0x2d7: {  	v32 =	vadd.f32 v58, v57;
	v51 =	vperm.xlane v47, v6;
	_ =	sdelay $0x1  }
0x2d8: {  	v34 =	vmul.f32 v32, v14;
	v49 =	vadd.f32 v46, v44;
	v18 =	vadd.f32 v47, v51  }
0x2d9: {  	v19 =	vadd.f32 v38, v37  }
0x2da: {  	v31 =	vld [tilespmem:s4+$0x8540];
	[tilespmem:s11+$0xAB40] =	vst v34;
	v53 =	vmul.f32 v15, v49  }
0x2db: {  	v41 =	vld [tilespmem:s4+$0x3710];
	v19 =	vmul.f32 v19, v13;
	v56 =	vadd.f32 v18, v12  }
0x2dc: {  	v42 =	vld [tilespmem:s4+$0x8710];
	[tilespmem:s11+$0xABA0] =	vst v53;
	v18 =	vpop (erf)  }
0x2dd: {  	[tilespmem:s11+$0xAAD0] =	vst v19;
	v19 =	vld [tilespmem:s4+$0x33F0];
	v24 =	vsub.f32 $0.0e+00, v56;
	v58 =	vpop (erf)  }
0x2de: {  	v57 =	vld [tilespmem:s4+$0x83F0];
	v23 =	vadd.f32 $1.000000000e+00, v58  }
0x2df: {  	v34 =	vld [tilespmem:s4+$0x84C0];
	v59 =	vmul.f32 $1.442695020e+00, v24  }
0x2e0: {  	v33 =	vld [tilespmem:s4+$0x34C0];
	(erf) = vrcp.f32 v23  }
0x2e1: {  	v62 =	vld [tilespmem:s4+$0x3440];
	(erf) = vpow2.f32 v59  }
0x2e2: {  	v32 =	vld [tilespmem:s4+$0x8640]  }
0x2e3: {  	v39 =	vld [tilespmem:s4+$0x3640];
	v22 =	vadd.f32 v42, v41;
	v19 =	vadd.f32 v57, v19  }
0x2e4: {  	v37 =	vld [tilespmem:s4+$0x35C0]  }
0x2e5: {  	v50 =	vld [tilespmem:s4+$0x36A0];
	v48 =	vmul.f32 v22, v14;
	v27 =	vadd.f32 v34, v33;
	v19 =	vmul.f32 v19, v15  }
0x2e6: {  	v52 =	vld [tilespmem:s4+$0x86A0]  }
0x2e7: {  	v63 =	vld [tilespmem:s4+$0x8440];
	[tilespmem:s11+$0xAB50] =	vst v48;
	v40 =	vmul.f32 v17, v27  }
0x2e8: {  	v54 =	vld [tilespmem:s4+$0x3720];
	[tilespmem:s11+$0xABB0] =	vst v19  }
0x2e9: {  	v55 =	vld [tilespmem:s4+$0x8720];
	[tilespmem:s11+$0xAC80] =	vst v40;
	v19 =	vpop (erf)  }
0x2ea: {  	v45 =	vld [tilespmem:s4+$0x34D0];
	v35 =	vpop (erf)  }
0x2eb: {  	v21 =	vadd.f32 v52, v50;
	v46 =	vld [tilespmem:s4+$0x84D0];
	v29 =	vadd.f32 $1.000000000e+00, v35  }
0x2ec: {  	v36 =	vld [tilespmem:s4+$0x3540]  }
0x2ed: {  	v38 =	vld [tilespmem:s4+$0x85C0];
	v21 =	vmul.f32 v21, v13;
	v24 =	vadd.f32 v63, v62;
	(erf) = vrcp.f32 v29  }
0x2ee: {  	v20 =	vadd.f32 v55, v54;
	v61 =	vld [tilespmem:s4+$0x3780]  }
0x2ef: {  	v33 =	vld [tilespmem:s4+$0x8780];
	[tilespmem:s11+$0xAAE0] =	vst v21;
	v24 =	vmul.f32 v16, v24  }
0x2f0: {  	v60 =	vmul.f32 v20, v14;
	v20 =	vld [tilespmem:s4+$0x36B0];
	v27 =	vadd.f32 v46, v45  }
0x2f1: {  	v41 =	vadd.f32 v31, v36;
	v21 =	vld [tilespmem:s4+$0x86B0];
	[tilespmem:s11+$0xAC00] =	vst v24  }
0x2f2: {  	v56 =	vmul.f32 v17, v27;
	v42 =	vld [tilespmem:s4+$0x3450]  }
0x2f3: {  	v26 =	vadd.f32 v38, v37;
	[tilespmem:s11+$0xAB60] =	vst v60;
	v44 =	vmul.f32 v18, v41;
	v43 =	vld [tilespmem:s4+$0x8450]  }
0x2f4: {  	v22 =	vld [tilespmem:s4+$0x3730];
	[tilespmem:s11+$0xAC90] =	vst v56  }
0x2f5: {  	v28 =	vadd.f32 v32, v39;
	[tilespmem:s11+$0xAD00] =	vst v44;
	v62 =	vld [tilespmem:s4+$0x34E0];
	v26 =	vmul.f32 v19, v26  }
0x2f6: {  	v47 =	vld [tilespmem:s4+$0x3550];
	v24 =	vpop (erf)  }
0x2f7: {  	v48 =	vld [tilespmem:s4+$0x8550];
	[tilespmem:s11+$0xAD80] =	vst v26;
	v49 =	vmul.f32 v24, v28  }
0x2f8: {  	v50 =	vadd.f32 v43, v42;
	v51 =	vld [tilespmem:s4+$0x35D0]  }
0x2f9: {  	v52 =	vld [tilespmem:s4+$0x85D0];
	[tilespmem:s11+$0xAE00] =	vst v49  }
0x2fa: {  	v25 =	vadd.f32 v33, v61;
	v53 =	vmul.f32 v16, v50;
	v54 =	vld [tilespmem:s4+$0x3650]  }
0x2fb: {  	v55 =	vld [tilespmem:s4+$0x8650]  }
0x2fc: {  	v25 =	vmul.f32 v25, v15;
	v63 =	vld [tilespmem:s4+$0x84E0];
	v57 =	vadd.f32 v48, v47;
	[tilespmem:s11+$0xAC10] =	vst v53  }
0x2fd: {  	v58 =	vld [tilespmem:s4+$0x3460]  }
0x2fe: {  	[tilespmem:s11+$0xABC0] =	vst v25;
	v60 =	vmul.f32 v18, v57;
	v59 =	vld [tilespmem:s4+$0x8460];
	v61 =	vadd.f32 v52, v51  }
0x2ff: {  	v34 =	vld [tilespmem:s4+$0x8790]  }
0x300: {  	v23 =	vld [tilespmem:s4+$0x8730];
	[tilespmem:s11+$0xAD10] =	vst v60;
	v35 =	vmul.f32 v19, v61;
	v25 =	vadd.f32 v55, v54  }
0x301: {  	v36 =	vld [tilespmem:s4+$0x3560]  }
0x302: {  	v37 =	vld [tilespmem:s4+$0x8560];
	[tilespmem:s11+$0xAD90] =	vst v35;
	v25 =	vmul.f32 v24, v25  }
0x303: {  	v38 =	vadd.f32 v59, v58;
	v39 =	vld [tilespmem:s4+$0x35E0]  }
0x304: {  	v40 =	vld [tilespmem:s4+$0x85E0];
	[tilespmem:s11+$0xAE10] =	vst v25  }
0x305: {  	v42 =	vadd.f32 v63, v62;
	v41 =	vmul.f32 v16, v38;
	v43 =	vld [tilespmem:s4+$0x3660]  }
0x306: {  	v44 =	vld [tilespmem:s4+$0x8660]  }
0x307: {  	v45 =	vmul.f32 v17, v42;
	v29 =	vld [tilespmem:s4+$0x3790];
	v46 =	vadd.f32 v37, v36;
	[tilespmem:s11+$0xAC20] =	vst v41  }
0x308: {  	v47 =	vld [tilespmem:s4+$0x3470]  }
0x309: {  	[tilespmem:s11+$0xACA0] =	vst v45;
	v48 =	vld [tilespmem:s4+$0x8470];
	v49 =	vmul.f32 v18, v46;
	v50 =	vadd.f32 v40, v39  }
0x30a: {  	v51 =	vld [tilespmem:s4+$0x34F0]  }
0x30b: {  	v52 =	vld [tilespmem:s4+$0x84F0];
	[tilespmem:s11+$0xAD20] =	vst v49;
	v53 =	vmul.f32 v19, v50;
	v54 =	vadd.f32 v44, v43  }
0x30c: {  	v56 =	vld [tilespmem:s4+$0x8570]  }
0x30d: {  	v29 =	vadd.f32 v34, v29;
	v55 =	vld [tilespmem:s4+$0x3570];
	[tilespmem:s11+$0xADA0] =	vst v53;
	v57 =	vmul.f32 v24, v54  }
0x30e: {  	v58 =	vadd.f32 v48, v47;
	v59 =	vld [tilespmem:s4+$0x35F0]  }
0x30f: {  	v60 =	vmul.f32 v29, v15;
	v61 =	vld [tilespmem:s4+$0x85F0];
	[tilespmem:s11+$0xAE20] =	vst v57  }
0x310: {  	v63 =	vadd.f32 v52, v51;
	v62 =	vmul.f32 v58, v16;
	v36 =	vld [tilespmem:s4+$0x3670]  }
0x311: {  	[tilespmem:s11+$0xABD0] =	vst v60;
	v37 =	vld [tilespmem:s4+$0x8670]  }
0x312: {  	v33 =	vld [tilespmem:s4+$0x37A0];
	v38 =	vmul.f32 v63, v17;
	[tilespmem:s11+$0xAC30] =	vst v62;
	v39 =	vadd.f32 v56, v55  }
0x313: {  	v40 =	vld [tilespmem:s4+$0x3800]  }
0x314: {  	[tilespmem:s11+$0xACB0] =	vst v38;
	v41 =	vld [tilespmem:s4+$0x8800];
	v42 =	vmul.f32 v39, v18;
	v43 =	vadd.f32 v61, v59  }
0x315: {  	v45 =	vld [tilespmem:s4+$0x8880]  }
0x316: {  	[tilespmem:s11+$0xAD30] =	vst v42;
	v44 =	vld [tilespmem:s4+$0x3880];
	v46 =	vmul.f32 v43, v19;
	v47 =	vadd.f32 v37, v36  }
0x317: {  	v48 =	vld [tilespmem:s4+$0x3900]  }
0x318: {  	v49 =	vld [tilespmem:s4+$0x8900];
	[tilespmem:s11+$0xADB0] =	vst v46;
	v50 =	vmul.f32 v47, v24  }
0x319: {  	v51 =	vadd.f32 v41, v40;
	v52 =	vld [tilespmem:s4+$0x3980]  }
0x31a: {  	v53 =	vld [tilespmem:s4+$0x8980];
	[tilespmem:s11+$0xAE30] =	vst v50  }
0x31b: {  	v54 =	vmul.f32 v51, v16;
	v55 =	vadd.f32 v45, v44;
	v56 =	vld [tilespmem:s4+$0x3A00]  }
0x31c: {  	v57 =	vld [tilespmem:s4+$0x8A00]  }
0x31d: {  	v58 =	vld [tilespmem:s4+$0x87A0];
	[tilespmem:s11+$0xAC40] =	vst v54;
	v60 =	vadd.f32 v49, v48;
	v59 =	vmul.f32 v55, v17  }
0x31e: {  	v61 =	vld [tilespmem:s4+$0x3810]  }
0x31f: {  	v62 =	vld [tilespmem:s4+$0x8810];
	v63 =	vmul.f32 v60, v18;
	[tilespmem:s11+$0xACC0] =	vst v59;
	v35 =	vadd.f32 v53, v52  }
0x320: {  	v36 =	vld [tilespmem:s4+$0x3890]  }
0x321: {  	[tilespmem:s11+$0xAD40] =	vst v63;
	v37 =	vld [tilespmem:s4+$0x8890];
	v38 =	vmul.f32 v35, v19;
	v39 =	vadd.f32 v57, v56  }
0x322: {  	v40 =	vld [tilespmem:s4+$0x3910]  }
0x323: {  	v41 =	vadd.f32 v58, v33;
	v42 =	vld [tilespmem:s4+$0x8910];
	[tilespmem:s11+$0xADC0] =	vst v38;
	v43 =	vmul.f32 v39, v24  }
0x324: {  	v44 =	vadd.f32 v62, v61;
	v45 =	vld [tilespmem:s4+$0x3990]  }
0x325: {  	v29 =	vmul.f32 v41, v15;
	v46 =	vld [tilespmem:s4+$0x8990];
	[tilespmem:s11+$0xAE40] =	vst v43  }
0x326: {  	v47 =	vmul.f32 v44, v16;
	v48 =	vadd.f32 v37, v36;
	v49 =	vld [tilespmem:s4+$0x3A10]  }
0x327: {  	[tilespmem:s11+$0xABE0] =	vst v29;
	v50 =	vld [tilespmem:s4+$0x8A10]  }
0x328: {  	v31 =	vld [tilespmem:s4+$0x37B0];
	[tilespmem:s11+$0xAC50] =	vst v47;
	v52 =	vadd.f32 v42, v40;
	v51 =	vmul.f32 v48, v17  }
0x329: {  	v53 =	vld [tilespmem:s4+$0x3820]  }
0x32a: {  	v54 =	vld [tilespmem:s4+$0x8820];
	v55 =	vmul.f32 v52, v18;
	[tilespmem:s11+$0xACD0] =	vst v51;
	v56 =	vadd.f32 v46, v45  }
0x32b: {  	v57 =	vld [tilespmem:s4+$0x38A0]  }
0x32c: {  	[tilespmem:s11+$0xAD50] =	vst v55;
	v58 =	vld [tilespmem:s4+$0x88A0];
	v59 =	vmul.f32 v56, v19;
	v60 =	vadd.f32 v50, v49  }
0x32d: {  	v61 =	vld [tilespmem:s4+$0x3920]  }
0x32e: {  	v62 =	vld [tilespmem:s4+$0x8920];
	[tilespmem:s11+$0xADD0] =	vst v59;
	v63 =	vmul.f32 v60, v24  }
0x32f: {  	v36 =	vadd.f32 v54, v53;
	v37 =	vld [tilespmem:s4+$0x39A0]  }
0x330: {  	v38 =	vld [tilespmem:s4+$0x89A0];
	[tilespmem:s11+$0xAE50] =	vst v63  }
0x331: {  	v39 =	vmul.f32 v36, v16;
	v40 =	vadd.f32 v58, v57;
	v41 =	vld [tilespmem:s4+$0x3A20]  }
0x332: {  	v42 =	vld [tilespmem:s4+$0x8A20]  }
0x333: {  	v43 =	vld [tilespmem:s4+$0x87B0];
	[tilespmem:s11+$0xAC60] =	vst v39;
	v45 =	vadd.f32 v62, v61;
	v44 =	vmul.f32 v40, v17  }
0x334: {  	v46 =	vld [tilespmem:s4+$0x3830]  }
0x335: {  	v47 =	vld [tilespmem:s4+$0x8830];
	v48 =	vmul.f32 v45, v18;
	[tilespmem:s11+$0xACE0] =	vst v44;
	v49 =	vadd.f32 v38, v37  }
0x336: {  	v50 =	vld [tilespmem:s4+$0x38B0]  }
0x337: {  	[tilespmem:s11+$0xAD60] =	vst v48;
	v51 =	vld [tilespmem:s4+$0x88B0];
	v52 =	vmul.f32 v49, v19;
	v53 =	vadd.f32 v42, v41  }
0x338: {  	v54 =	vld [tilespmem:s4+$0x3930]  }
0x339: {  	v55 =	vld [tilespmem:s4+$0x8930];
	[tilespmem:s11+$0xADE0] =	vst v52;
	v56 =	vmul.f32 v53, v24  }
0x33a: {  	v57 =	vld [tilespmem:s4+$0x39B0]  }
0x33b: {  	v20 =	vadd.f32 v21, v20;
	v58 =	vld [tilespmem:s4+$0x89B0];
	[tilespmem:s11+$0xAE60] =	vst v56  }
0x33c: {  	v22 =	vadd.f32 v23, v22;
	v59 =	vld [tilespmem:s4+$0x3A30]  }
0x33d: {  	v13 =	vmul.f32 v20, v13;
	v60 =	vadd.f32 v43, v31;
	v25 =	vld [tilespmem:s4+$0x8A30]  }
0x33e: {  	v14 =	vmul.f32 v22, v14;
	v61 =	vadd.f32 v47, v46  }
0x33f: {  	[tilespmem:s11+$0xAAF0] =	vst v13;
	v13 =	vmul.f32 v60, v15;
	v15 =	vadd.f32 v51, v50  }
0x340: {  	[tilespmem:s11+$0xAB70] =	vst v14;
	v14 =	vmul.f32 v61, v16;
	v62 =	vadd.f32 v55, v54  }
0x341: {  	p2 =	slt.u32 s28, $0x20;
	[tilespmem:s11+$0xABF0] =	vst v13;
	v13 =	vmul.f32 v15, v17;
	v15 =	vadd.f32 v58, v57  }
.Ltmp4:
0x342: {  	[tilespmem:s11+$0xAC70] =	vst v14;
	v14 =	vmul.f32 v62, v18;
	v63 =	vadd.f32 v25, v59;
	(pc) =	sbr.rel @p2 .LBB2_8-.Ltmp4, $4  }
0x343: {  	[tilespmem:s11+$0xACF0] =	vst v13;
	v13 =	vmul.f32 v15, v19  }
0x344: {  	[tilespmem:s11+$0xAD70] =	vst v14;
	v14 =	vmul.f32 v63, v24  }
0x345: {  	s12 =	sadd.s32 $0x8, s28;
	[tilespmem:s11+$0xADF0] =	vst v13  }
0x346: {  	s28 =	smov.u32 s12;
	[tilespmem:s11+$0xAE70] =	vst v14  }
0x347: {  	s25 =	sadd.s32 $0x1, s25  }
0x348: {  	p2 =	sne.s32 s25, $0x5  }
.Ltmp5:
0x349: {  	_ = 	snop;
	(pc) =	sbr.rel @p2 .LBB2_3-.Ltmp5, $3  }
0x34a: {  	_ =	sdelay $0x1  }
0x34b: {  	s4 =	sadd.s32 $0x700, s26  }
0x34c: {  	[spmem:s5] =	stream.indirect.scatter.add.f32 [tilespmem:s16], [sflag:$0x8], $0x80, s4, s17, $0xb8;
	[tilespmem:$0x1F800] =	vst v63  }
.Ltmp6:
0x34d: {  	(pc) =	sbr.rel @p1 .LBB2_12-.Ltmp6, $1  }
0x34e: {  	_ =	sdelay $0x3  }
0x34f: {  	s3 =	simm.s32 $0x5  }
0x350: {  	_ =	swait.ge [sflag:s3], $0x190  }
0x351: {  	[sflag:s3] =	ssyncset.done $0x0  }
0x352: {  	s4 =	simm.s32 $0x6;
	[sflag:s3] =	ssyncadd.s32 $0xFFFFFE70  }
0x353: {  	_ =	swait.ge [sflag:s4], $0x190  }
0x354: {  	[sflag:s4] =	ssyncset.done $0x0;
	s8 =	rddreg [dreg:$0x18]  }
0x355: {  	s12 =	simm.s32 $0x7;
	s11 =	sxor.u32 $0xFFFFFFFF, s8;
	[sflag:s4] =	ssyncadd.s32 $0xFFFFFE70  }
0x356: {  	s3 =	sand.u32 $0x1, s11;
	_ =	swait.ge [sflag:s12], $0x190  }
0x357: {  	s3 =	smul.u32 $0x190, s3;
	[sflag:s12] =	ssyncset.done $0x0  }
0x358: {  	[sflag:s12] =	ssyncadd.s32 $0xFFFFFE70  }
0x359: {  	v7 =	vld [tilespmem:s3+$0x0];
	_ =	sdelay $0x4  }
0x35a: {  	v8 =	vshll.u32 v7, $0x1  }
0x35b: {  	v7 =	vand.u32 $0x7, v7;
	v8 =	vand.u32 $0xFFFFFFF0, v8  }
0x35c: {  	v7 =	vor.u32 v7, v8  }
0x35d: {  	v8 =	vperm.xlane v7, v0;
	_ =	sdelay $0x1  }
0x35e: {  	v7 =	vperm.xlane v7, v2;
	v8 =	vadd.s32 v1, v8;
	_ =	sdelay $0x1  }
0x35f: {  	v7 =	vadd.s32 v1, v7;
	_ =	sdelay $0x1  }
0x360: {  	s25 =	simm.s32 $0xA80  }
0x361: {  	[tilespmem:s25], [sflag:$0x1] =	stream.indirect_vreg.gather [hbm4b:s7+s6], $0x80, v8, vm0, $0xb8;
	[tilespmem:$0x1F800] =	vst v63  }
0x362: {  	s26 =	simm.s32 $0x1280  }
0x363: {  	[tilespmem:s26], [sflag:$0x1] =	stream.indirect_vreg.gather [hbm4b:s7+s6], $0x80, v7, vm0, $0xb8;
	[tilespmem:$0x1F800] =	vst v63  }
0x364: {  	v7 =	vld [tilespmem:s3+$0x10];
	_ =	sdelay $0x4  }
0x365: {  	v8 =	vshll.u32 v7, $0x1  }
0x366: {  	v7 =	vand.u32 $0x7, v7;
	v8 =	vand.u32 $0xFFFFFFF0, v8  }
0x367: {  	v7 =	vor.u32 v7, v8  }
0x368: {  	v8 =	vperm.xlane v7, v0;
	_ =	sdelay $0x1  }
0x369: {  	v7 =	vperm.xlane v7, v2;
	v8 =	vadd.s32 v1, v8;
	_ =	sdelay $0x1  }
0x36a: {  	v7 =	vadd.s32 v1, v7;
	_ =	sdelay $0x1  }
0x36b: {  	s28 =	simm.s32 $0x1A80  }
0x36c: {  	[tilespmem:s28], [sflag:$0x1] =	stream.indirect_vreg.gather [hbm4b:s7+s6], $0x80, v8, vm0, $0xb8;
	[tilespmem:$0x1F800] =	vst v63  }
0x36d: {  	s11 =	simm.s32 $0x2280  }
0x36e: {  	[tilespmem:s11], [sflag:$0x1] =	stream.indirect_vreg.gather [hbm4b:s7+s6], $0x80, v7, vm0, $0xb8;
	[tilespmem:$0x1F800] =	vst v63  }
0x36f: {  	v7 =	vld.msk [tilespmem:s3+$0x20], $0xff;
	_ =	sdelay $0x4  }
0x370: {  	v8 =	vshll.u32 v7, $0x1  }
0x371: {  	v7 =	vand.u32 $0x7, v7;
	v8 =	vand.u32 $0xFFFFFFF0, v8  }
0x372: {  	v7 =	vor.u32 v7, v8  }
0x373: {  	v7 =	vperm.xlane v7, v0;
	_ =	sdelay $0x1  }
0x374: {  	v7 =	vadd.s32 v1, v7;
	_ =	sdelay $0x3  }
0x375: {  	s12 =	simm.s32 $0x2A80  }
0x376: {  	[tilespmem:s12], [sflag:$0x1] =	stream.indirect_vreg.gather [hbm4b:s7+s6], $0x80, v7, vm0, $0xb8;
	[tilespmem:$0x1F800] =	vst v63  }
0x377: {  	v7 =	vld [tilespmem:s3+$0x380];
	_ =	sdelay $0x4  }
0x378: {  	v8 =	vshll.u32 v7, $0x1  }
0x379: {  	v7 =	vand.u32 $0x7, v7;
	v8 =	vand.u32 $0xFFFFFFF0, v8  }
0x37a: {  	v7 =	vor.u32 v7, v8  }
0x37b: {  	v8 =	vperm.xlane v7, v0;
	_ =	sdelay $0x1  }
0x37c: {  	v7 =	vperm.xlane v7, v2;
	v8 =	vadd.s32 v1, v8;
	_ =	sdelay $0x1  }
0x37d: {  	v7 =	vadd.s32 v1, v7;
	_ =	sdelay $0x1  }
0x37e: {  	s25 =	simm.s32 $0x5A80  }
0x37f: {  	[tilespmem:s25], [sflag:$0x3] =	stream.indirect_vreg.gather [hbm4b:s9+s6], $0x80, v8, vm0, $0xb8;
	[tilespmem:$0x1F800] =	vst v63  }
0x380: {  	s26 =	simm.s32 $0x6280  }
0x381: {  	[tilespmem:s26], [sflag:$0x3] =	stream.indirect_vreg.gather [hbm4b:s9+s6], $0x80, v7, vm0, $0xb8;
	[tilespmem:$0x1F800] =	vst v63  }
0x382: {  	v7 =	vld [tilespmem:s3+$0x390];
	_ =	sdelay $0x4  }
0x383: {  	v8 =	vshll.u32 v7, $0x1  }
0x384: {  	v7 =	vand.u32 $0x7, v7;
	v8 =	vand.u32 $0xFFFFFFF0, v8  }
0x385: {  	v7 =	vor.u32 v7, v8  }
0x386: {  	v8 =	vperm.xlane v7, v0;
	_ =	sdelay $0x1  }
0x387: {  	v7 =	vperm.xlane v7, v2;
	v8 =	vadd.s32 v1, v8;
	_ =	sdelay $0x1  }
0x388: {  	v7 =	vadd.s32 v1, v7;
	_ =	sdelay $0x1  }
0x389: {  	s28 =	simm.s32 $0x6A80  }
0x38a: {  	[tilespmem:s28], [sflag:$0x3] =	stream.indirect_vreg.gather [hbm4b:s9+s6], $0x80, v8, vm0, $0xb8;
	[tilespmem:$0x1F800] =	vst v63  }
0x38b: {  	_ = 	snop  }
0x38c: {  	[tilespmem:s14], [sflag:$0x3] =	stream.indirect_vreg.gather [hbm4b:s9+s6], $0x80, v7, vm0, $0xb8;
	[tilespmem:$0x1F800] =	vst v63  }
0x38d: {  	v7 =	vld.msk [tilespmem:s3+$0x3A0], $0xff;
	_ =	sdelay $0x4  }
0x38e: {  	v8 =	vshll.u32 v7, $0x1  }
0x38f: {  	v7 =	vand.u32 $0x7, v7;
	v8 =	vand.u32 $0xFFFFFFF0, v8  }
0x390: {  	v7 =	vor.u32 v7, v8  }
0x391: {  	v7 =	vperm.xlane v7, v0;
	_ =	sdelay $0x1  }
0x392: {  	v7 =	vadd.s32 v1, v7  }
.Ltmp7:
0x393: {  	_ = 	snop;
	(pc) =	sbr.rel .LBB2_2-.Ltmp7, $3  }
0x394: {  	_ =	sdelay $0x1  }
0x395: {  	s8 =	sadd.s32 $0x1, s8  }
0x396: {  	[tilespmem:s29], [sflag:$0x3] =	stream.indirect_vreg.gather [hbm4b:s9+s6], $0x80, v7, vm0, $0xb8;
	[tilespmem:$0x1F800] =	vst v63  }
.LBB2_13:
0x397: {  	_ =	sfence.sel $0x180000  }
0x398: {  	[bflag:$0x0] =	sbarrier.arrive $0xFFFF  }
0x399: {  	_ =	strace $0x90000047  }
0x39a: {  	s0 =	stileid.u32;
	[bflag:$0x2] =	sbarrier.arrive $0xFFFF  }
0x39b: {  	p0 =	sne.s32 s0, $0x0;
	s0 =	rddreg [dreg:$0x6]  }
0x39c: {  	s0 =	sadd.s32 @!p0 $0x100000, s0  }
0x39d: {  	[sflag:s0] =	ssyncadd.tile.s32 @!p0 $0x1;
	_ =	shalt  }
.Lfunc_end2:
_tile_overlayer_lowered:
.L_overlay_start_2:
0x39e: {  	(tag) =	ssettag $0x2  }
0x39f: {  	s0 =	rddreg [dreg:$0x0];
	s2 =	stileid.u32  }
0x3a0: {  	s1 =	rddreg [dreg:$0x1];
	p0 =	sne.s32 s2, $0x0  }
0x3a1: {  	s3 =	rddreg [dreg:$0x2];
	[bflag:$0x3] =	sbarrier.arrive $0xFFFF;
	s2 =	simm.s32 @!p0 $0x1C09  }
0x3a2: {  	[timem:s3], [sflag:s2] =	dma.local @!p0 [hbm:s0], s1  }
0x3a3: {  	s0 =	simm.s32 @!p0 $0x9  }
0x3a4: {  	_ =	swait.ge @!p0 [sflag:s0], s1  }
0x3a5: {  	s1 =	ssub.s32 @!p0 $0x0, s1;
	[sflag:s0] =	ssyncset.done @!p0 $0x0  }
0x3a6: {  	[sflag:s0] =	ssyncadd.s32 @!p0 s1  }
0x3a7: {  	[bflag:$0x3] =	sbarrier.arrive $0xFFFF  }
0x3a8: {  	_ =	shalt  }

</sc_bundles>
